<compile_context>
chip_gen: v7x
topology: tpu7x:2x2x1
jax: 0.10.2.dev20260603
libtpu: 0.0.44.dev20260713+nightly
codegen_flags: <defaults>
</compile_context>

<pallas_src>
import dataclasses
import functools

import jax
import jax.numpy as jnp
from jax import lax
from jax.experimental import pallas as pl
from jax.experimental.pallas import tpu as pltpu
from jax.experimental.pallas import tpu_sc as plsc

N = 10000
E = 320000
D = 128
K = 32
HALF = 64
L = 16
NSUB = 16
ROW_BLK = 200
N_ROW_BLKS = N // ROW_BLK
ROW_ITERS = (N_ROW_BLKS + NSUB - 1) // NSUB
EDGE_BLK = 256
N_EDGE_BLKS = E // EDGE_BLK
BLKS_LO = N_EDGE_BLKS // NSUB

_mesh = plsc.VectorSubcoreMesh(core_axis_name="c", subcore_axis_name="s")

_sc_params = pltpu.CompilerParams()
if "needs_layout_passes" in pltpu.CompilerParams.__dataclass_fields__:
    _sc_params = dataclasses.replace(_sc_params, needs_layout_passes=False)
if "use_tc_tiling_on_sc" in pltpu.CompilerParams.__dataclass_fields__:
    _sc_params = dataclasses.replace(_sc_params, use_tc_tiling_on_sc=False)


@functools.partial(
    pl.kernel,
    out_type=(
        jax.ShapeDtypeStruct((N, D), jnp.float32),
        jax.ShapeDtypeStruct((N,), jnp.float32),
        jax.ShapeDtypeStruct((2, N, HALF), jnp.float32),
    ),
    mesh=_mesh,
    compiler_params=_sc_params,
    scratch_types=[
        pltpu.VMEM_SHARED((N, HALF), jnp.float32),
        pltpu.VMEM_SHARED((N,), jnp.float32),
        pltpu.VMEM((2, ROW_BLK, HALF), jnp.float32),
        pltpu.VMEM((2, ROW_BLK, K), jnp.int32),
        pltpu.VMEM((2, ROW_BLK, K), jnp.float32),
        pltpu.VMEM((4, EDGE_BLK), jnp.int32),
        pltpu.VMEM((4, EDGE_BLK), jnp.int32),
        pltpu.VMEM((2, EDGE_BLK, HALF), jnp.float32),
        pltpu.VMEM((EDGE_BLK,), jnp.float32),
        pltpu.VMEM((N // 5,), jnp.float32),
        pltpu.SemaphoreType.DMA((4,)),
        pltpu.SemaphoreType.DMA((4,)),
        pltpu.SemaphoreType.DMA((2,)),
        pltpu.SemaphoreType.DMA((2,)),
        pltpu.SemaphoreType.DMA((2,)),
        pltpu.SemaphoreType.DMA((2,)),
        pltpu.SemaphoreType.DMA((2,)),
        pltpu.SemaphoreType.DMA((2,)),
        pltpu.SemaphoreType.DMA,
    ],
)
def _sc_aggregate(tv_hbm, ti_hbm, ei_hbm, hs_out, deg_out, sf_out,
                  hacc_sh, deg_sh,
                  buf, ti_vm, tv_vm, sidx, didx, stage, ones, zdeg,
                  sem_si, sem_di, sem_g, sem_w, sem_deg,
                  sem_ti, sem_tv, sem_z, sem_misc):
    src_hbm = ei_hbm.at[0]
    dst_hbm = ei_hbm.at[1]
    c = lax.axis_index("c")
    s = lax.axis_index("s")
    zvec = jnp.zeros((L,), jnp.float32)

    for b in range(2):
        @pl.loop(0, ROW_BLK, unroll=4)
        def _(r):
            for h in range(HALF // L):
                buf[b, r, pl.ds(h * L, L)] = zvec

    def _hz_cp(i):
        j = i * NSUB + s
        return pltpu.make_async_copy(
            buf.at[0], hacc_sh.at[pl.ds(j * ROW_BLK, ROW_BLK)], sem_misc)

    @pl.loop(0, ROW_ITERS)
    def _(i):
        @pl.when(i * NSUB + s < N_ROW_BLKS)
        def _():
            _hz_cp(i).start()

    @pl.loop(0, ROW_ITERS)
    def _(i):
        @pl.when(i * NSUB + s < N_ROW_BLKS)
        def _():
            _hz_cp(i).wait()

    @pl.when(jnp.logical_and(c == 0, s == 0))
    def _():
        @pl.loop(0, N // 5 // L)
        def _(i):
            zdeg[pl.ds(i * L, L)] = zvec

        @pl.loop(0, 5)
        def _(i):
            pltpu.make_async_copy(
                zdeg, deg_sh.at[pl.ds(i * (N // 5), N // 5)], sem_misc).start()

        @pl.loop(0, 5)
        def _(i):
            pltpu.make_async_copy(
                zdeg, deg_sh.at[pl.ds(i * (N // 5), N // 5)], sem_misc).wait()

    @pl.when(c == 0)
    def _():
        @pl.loop(0, EDGE_BLK // L)
        def _(i):
            ones[pl.ds(i * L, L)] = jnp.ones((L,), jnp.float32)

    coff = c * HALF

    def _ti_cp(i, b):
        base = (i * NSUB + s) * ROW_BLK
        return pltpu.make_async_copy(
            ti_hbm.at[pl.ds(base, ROW_BLK)], ti_vm.at[b], sem_ti.at[b])

    def _tv_cp(i, b):
        base = (i * NSUB + s) * ROW_BLK
        return pltpu.make_async_copy(
            tv_hbm.at[pl.ds(base, ROW_BLK)], tv_vm.at[b], sem_tv.at[b])

    def _bz_cp(b):
        return pltpu.make_async_copy(
            hacc_sh.at[pl.ds(s * ROW_BLK, ROW_BLK)], buf.at[b], sem_z.at[b])

    _ti_cp(0, 0).start()
    _tv_cp(0, 0).start()

    @pl.loop(0, ROW_ITERS)
    def _(i):
        @pl.when(i * NSUB + s < N_ROW_BLKS)
        def _():
            b = lax.rem(i, 2)
            _ti_cp(i, b).wait()
            _tv_cp(i, b).wait()

            @pl.when((i + 1) * NSUB + s < N_ROW_BLKS)
            def _():
                _ti_cp(i + 1, 1 - b).start()
                _tv_cp(i + 1, 1 - b).start()

            @pl.when(i >= 2)
            def _():
                _bz_cp(b).wait()

            @pl.loop(0, ROW_BLK, unroll=4)
            def _(r):
                row_ids = jnp.full((L,), r, jnp.int32)
                for h in range(K // L):
                    cols = ti_vm[b, r, pl.ds(h * L, L)] - coff
                    vals = tv_vm[b, r, pl.ds(h * L, L)]
                    mask = jnp.logical_and(cols >= 0, cols < HALF)
                    plsc.store_scatter(buf.at[b], [row_ids, cols], vals,
                                       mask=mask)

            base = (i * NSUB + s) * ROW_BLK
            pltpu.sync_copy(buf.at[b], sf_out.at[c].at[pl.ds(base, ROW_BLK)])

            @pl.when((i + 2) * NSUB + s < N_ROW_BLKS)
            def _():
                _bz_cp(b).start()

    plsc.subcore_barrier()

    start = s * BLKS_LO + jnp.minimum(s, N_EDGE_BLKS - BLKS_LO * NSUB)
    nb = BLKS_LO + jnp.where(s < N_EDGE_BLKS - BLKS_LO * NSUB, 1, 0)

    def _sidx_cp(i):
        b4 = lax.rem(i, 4)
        base = (start + i) * EDGE_BLK
        return pltpu.make_async_copy(
            src_hbm.at[pl.ds(base, EDGE_BLK)], sidx.at[b4], sem_si.at[b4])

    def _didx_cp(i):
        b4 = lax.rem(i, 4)
        base = (start + i) * EDGE_BLK
        return pltpu.make_async_copy(
            dst_hbm.at[pl.ds(base, EDGE_BLK)], didx.at[b4], sem_di.at[b4])

    def _gather_cp(i):
        b2 = lax.rem(i, 2)
        b4 = lax.rem(i, 4)
        return pltpu.make_async_copy(
            sf_out.at[c].at[sidx.at[b4]], stage.at[b2], sem_g.at[b2])

    def _scatter_cp(i):
        b2 = lax.rem(i, 2)
        b4 = lax.rem(i, 4)
        return pltpu.make_async_copy(
            stage.at[b2], hacc_sh.at[didx.at[b4]], sem_w.at[b2])

    def _deg_cp(i):
        b2 = lax.rem(i, 2)
        b4 = lax.rem(i, 4)
        return pltpu.make_async_copy(
            ones, deg_sh.at[didx.at[b4]], sem_deg.at[b2])

    def idx_start(i):
        _sidx_cp(i).start()
        _didx_cp(i).start()

    def idx_wait(i):
        _sidx_cp(i).wait()
        _didx_cp(i).wait()

    def scatter_start(i):
        _scatter_cp(i).start(add=True)

        @pl.when(c == 0)
        def _():
            _deg_cp(i).start(add=True)

    def scatter_wait(i):
        _scatter_cp(i).wait()

        @pl.when(c == 0)
        def _():
            _deg_cp(i).wait()

    idx_start(0)
    idx_start(1)
    idx_wait(0)
    _gather_cp(0).start()

    def _edge_body(i):
        @pl.when(i + 1 < nb)
        def _():
            idx_start(i + 1)

        idx_wait(i)

        @pl.when(i >= 2)
        def _():
            scatter_wait(i - 2)

        _gather_cp(i).start()
        _gather_cp(i - 1).wait()
        scatter_start(i - 1)

    @pl.loop(1, BLKS_LO, unroll=2)
    def _(i):
        _edge_body(i)

    @pl.when(nb > BLKS_LO)
    def _():
        _edge_body(BLKS_LO)

    _gather_cp(nb - 1).wait()
    scatter_start(nb - 1)
    scatter_wait(nb - 2)
    scatter_wait(nb - 1)

    plsc.subcore_barrier()

    def _out_cp(i):
        base = (i * NSUB + s) * ROW_BLK
        return pltpu.make_async_copy(
            hacc_sh.at[pl.ds(base, ROW_BLK)],
            hs_out.at[pl.ds(base, ROW_BLK), pl.ds(coff, HALF)], sem_misc)

    @pl.loop(0, ROW_ITERS)
    def _(i):
        @pl.when(i * NSUB + s < N_ROW_BLKS)
        def _():
            _out_cp(i).start()

    @pl.when(jnp.logical_and(c == 0, s == 0))
    def _():
        pltpu.sync_copy(deg_sh, deg_out)

    @pl.loop(0, ROW_ITERS)
    def _(i):
        @pl.when(i * NSUB + s < N_ROW_BLKS)
        def _():
            _out_cp(i).wait()


R_TC = 2000
_TC_GRID = N // R_TC


def _tc_body(feat_ref, h_ref, deg_ref, ws_ref, wn_ref, b_ref, out_ref):
    w = 1.0 / jnp.maximum(deg_ref[...], 1.0)
    hw = h_ref[...] * w
    dn = (((1,), (1,)), ((), ()))
    acc = lax.dot_general(feat_ref[...], ws_ref[...], dn,
                          preferred_element_type=jnp.float32)
    acc += lax.dot_general(hw, wn_ref[...], dn,
                           preferred_element_type=jnp.float32)
    out_ref[...] = acc + b_ref[...]


def _tc_combine(feat, hs, deg, W_self, W_neigh, b):
    return pl.pallas_call(
        _tc_body,
        grid=(_TC_GRID,),
        in_specs=[
            pl.BlockSpec((R_TC, D), lambda i: (i, 0)),
            pl.BlockSpec((R_TC, D), lambda i: (i, 0)),
            pl.BlockSpec((R_TC, 1), lambda i: (i, 0)),
            pl.BlockSpec((D, D), lambda i: (0, 0)),
            pl.BlockSpec((D, D), lambda i: (0, 0)),
            pl.BlockSpec((D,), lambda i: (0,)),
        ],
        out_specs=pl.BlockSpec((R_TC, D), lambda i: (i, 0)),
        out_shape=jax.ShapeDtypeStruct((N, D), jnp.float32),
    )(feat, hs, deg, W_self, W_neigh, b)


def kernel(feat, topk_values, topk_indices, edge_index, W_neigh, W_self, b_self):
    ti = topk_indices.astype(jnp.int32)
    ei = edge_index.astype(jnp.int32)
    hs, deg, _ = _sc_aggregate(topk_values.astype(jnp.float32), ti, ei)
    return _tc_combine(feat, hs, deg[:, None], W_self, W_neigh, b_self)

# --- scband reference (transcript-rebuilt; emitter-appended) ---
"""Pipeline reference for scband-edge-weight-normalized-max-ksageconv-35777077575857 (READ-ONLY COPY).

The authoritative reference and input builder live on the scoring server;
editing this copy changes nothing except your own understanding.
"""

import jax, jax.numpy as jnp
import numpy as np

N_NODES = 10000
N_EDGES = 320000
D_IN = 128
D_OUT = 128
K = 32


def setup_inputs(seed: int = 0) -> dict:
    key = jax.random.key(seed)
    k_feat, k_pre, k_ei, k_wn, k_ws, k_bs = jax.random.split(key, 6)
    feat = jax.random.normal(k_feat, (N_NODES, D_IN), dtype=jnp.float32)
    # MaxK sparsification: take top-k of a ReLU'd random hidden activation so
    # topk_indices are unique per row (as the real MaxK operator produces).
    pre = jax.nn.relu(jax.random.normal(k_pre, (N_NODES, D_IN), dtype=jnp.float32))
    topk_values, topk_idx32 = jax.lax.top_k(pre, K)
    topk_indices = topk_idx32.astype(jnp.int64)
    edge_index = jax.random.randint(k_ei, (2, N_EDGES), 0, N_NODES, dtype=jnp.int64)
    # xavier_uniform with gain=sqrt(2) (relu gain), matching reset_parameters
    gain = float(np.sqrt(2.0))
    bound = gain * float(np.sqrt(6.0 / (D_IN + D_OUT)))
    W_neigh = jax.random.uniform(k_wn, (D_OUT, D_IN), minval=-bound, maxval=bound, dtype=jnp.float32)
    W_self = jax.random.uniform(k_ws, (D_OUT, D_IN), minval=-bound, maxval=bound, dtype=jnp.float32)
    b_bound = 1.0 / float(np.sqrt(D_IN))
    b_self = jax.random.uniform(k_bs, (D_OUT,), minval=-b_bound, maxval=b_bound, dtype=jnp.float32)
    return {"feat": feat, "topk_values": topk_values, "topk_indices": topk_indices,
            "edge_index": edge_index, "W_neigh": W_neigh, "W_self": W_self, "b_self": b_self}


def reference(feat, topk_values, topk_indices, edge_index, W_neigh, W_self, b_self):
    N, D = feat.shape
    src = edge_index[0]
    dst = edge_index[1]
    # Pre-normalized CSR edge weights: 1 / in_degree(dst), clamped to >= 1
    in_deg = jnp.bincount(dst, length=N).astype(jnp.float32)
    in_deg = jnp.clip(in_deg, 1.0, None)
    edge_w = 1.0 / in_deg[dst]
    # Reconstruct dense MaxK-sparse features from (topk_values, topk_indices)
    row_ids = jnp.arange(N)[:, None]
    sparse_feat = jnp.zeros((N, D), dtype=feat.dtype).at[row_ids, topk_indices].set(topk_values)
    # Edge-weight-normalized SpMM (mean aggregation): gather src rows, weight, scatter-add to dst
    msgs = sparse_feat[src] * edge_w[:, None]
    h_agg = jax.ops.segment_sum(msgs, dst, num_segments=N)
    # lin_before_mp is False (in_feats == out_feats), so fc_neigh applied after aggregation
    h_neigh = h_agg @ W_neigh.T
    rst = feat @ W_self.T + b_self + h_neigh
    return rst

if __name__ == "__main__":
    import jax
    _d = setup_inputs()
    print(jax.jit(kernel)(*tuple(_d.values())))

</pallas_src>

<mosaic_0001>
#map = affine_map<(d0, d1) -> (0, 0)>
#map1 = affine_map<(d0, d1) -> (0)>
#map2 = affine_map<(d0, d1) -> (0, 0, 0)>
module attributes {stable_mosaic.version = 14 : i64} {
  func.func @_sc_aggregate(%arg0: i32, %arg1: i32, %arg2: memref<10000x32xf32, #tpu.memory_space<hbm>>, %arg3: memref<10000x32xi32, #tpu.memory_space<hbm>>, %arg4: memref<2x320000xi32, #tpu.memory_space<hbm>>, %arg5: memref<10000x128xf32, #tpu.memory_space<hbm>>, %arg6: memref<10000xf32, #tpu.memory_space<hbm>>, %arg7: memref<2x10000x64xf32, #tpu.memory_space<hbm>>, %arg8: memref<10000x64xf32, #tpu.memory_space<vmem_shared>>, %arg9: memref<10000xf32, #tpu.memory_space<vmem_shared>>, %arg10: memref<2x200x64xf32, #tpu.memory_space<vmem>>, %arg11: memref<2x200x32xi32, #tpu.memory_space<vmem>>, %arg12: memref<2x200x32xf32, #tpu.memory_space<vmem>>, %arg13: memref<4x256xi32, #tpu.memory_space<vmem>>, %arg14: memref<4x256xi32, #tpu.memory_space<vmem>>, %arg15: memref<2x256x64xf32, #tpu.memory_space<vmem>>, %arg16: memref<256xf32, #tpu.memory_space<vmem>>, %arg17: memref<2000xf32, #tpu.memory_space<vmem>>, %arg18: memref<4x!tpu.dma_semaphore, #tpu.memory_space<semaphore_mem>>, %arg19: memref<4x!tpu.dma_semaphore, #tpu.memory_space<semaphore_mem>>, %arg20: memref<2x!tpu.dma_semaphore, #tpu.memory_space<semaphore_mem>>, %arg21: memref<2x!tpu.dma_semaphore, #tpu.memory_space<semaphore_mem>>, %arg22: memref<2x!tpu.dma_semaphore, #tpu.memory_space<semaphore_mem>>, %arg23: memref<2x!tpu.dma_semaphore, #tpu.memory_space<semaphore_mem>>, %arg24: memref<2x!tpu.dma_semaphore, #tpu.memory_space<semaphore_mem>>, %arg25: memref<2x!tpu.dma_semaphore, #tpu.memory_space<semaphore_mem>>, %arg26: memref<!tpu.dma_semaphore, #tpu.memory_space<semaphore_mem>>) attributes {dimension_semantics = [#tpu.dimension_semantics<core_parallel>, #tpu.dimension_semantics<subcore_parallel>], iteration_bounds = array<i64: 2, 16>, scalar_prefetch = 0 : i64, scratch_operands = 19 : i64, tpu.core_type = #tpu.core_type<sc_vector_subcore>, window_params = [{transform_indices = #map}, {transform_indices = #map}, {transform_indices = #map}, {transform_indices = #map}, {transform_indices = #map1}, {transform_indices = #map2}]} {
    %broadcast_in_dim3A = arith.constant 0.000000e+00 : f32
    %broadcast_in_dim3A_0 = vector.broadcast %broadcast_in_dim3A : f32 to vector<16xf32>
    %scan3A = arith.constant 0 : i32
    %scan3A_1 = arith.constant 200 : i32
    %scan3A_2 = arith.addi %scan3A, %scan3A_1 : i32
    %scan3A_3 = arith.constant 4 : i32
    scf.for %scan3A_490 = %scan3A to %scan3A_2 step %scan3A_3  : i32 {
      %mul3A_491 = arith.constant 1 : i32
      %mul3A_492 = arith.muli %scan3A_490, %mul3A_491 : i32
      %add3A_493 = arith.constant 0 : i32
      %add3A_494 = arith.addi %add3A_493, %mul3A_492 : i32
      %swap3A = arith.constant 0 : i32
      %swap3A_495 = arith.index_cast %swap3A : i32 to index
      %swap3A_496 = arith.index_cast %add3A_494 : i32 to index
      %swap3A_497 = arith.constant 0 : index
      %swap3A_498 = tpu.vector_load %arg10[%swap3A_495, %swap3A_496, %swap3A_497] {strides = array<i32>} : memref<2x200x64xf32, #tpu.memory_space<vmem>>, vector<16xf32>,
      tpu.vector_store %arg10[%swap3A_495, %swap3A_496, %swap3A_497], %broadcast_in_dim3A_0 {strides = array<i32>} : memref<2x200x64xf32, #tpu.memory_space<vmem>>, vector<16xf32>,
      %swap3A_499 = arith.constant 0 : i32
      %swap3A_500 = arith.index_cast %swap3A_499 : i32 to index
      %swap3A_501 = arith.index_cast %add3A_494 : i32 to index
      %swap3A_502 = arith.constant 16 : index
      %swap3A_503 = tpu.vector_load %arg10[%swap3A_500, %swap3A_501, %swap3A_502] {strides = array<i32>} : memref<2x200x64xf32, #tpu.memory_space<vmem>>, vector<16xf32>,
      tpu.vector_store %arg10[%swap3A_500, %swap3A_501, %swap3A_502], %broadcast_in_dim3A_0 {strides = array<i32>} : memref<2x200x64xf32, #tpu.memory_space<vmem>>, vector<16xf32>,
      %swap3A_504 = arith.constant 0 : i32
      %swap3A_505 = arith.index_cast %swap3A_504 : i32 to index
      %swap3A_506 = arith.index_cast %add3A_494 : i32 to index
      %swap3A_507 = arith.constant 32 : index
      %swap3A_508 = tpu.vector_load %arg10[%swap3A_505, %swap3A_506, %swap3A_507] {strides = array<i32>} : memref<2x200x64xf32, #tpu.memory_space<vmem>>, vector<16xf32>,
      tpu.vector_store %arg10[%swap3A_505, %swap3A_506, %swap3A_507], %broadcast_in_dim3A_0 {strides = array<i32>} : memref<2x200x64xf32, #tpu.memory_space<vmem>>, vector<16xf32>,
      %swap3A_509 = arith.constant 0 : i32
      %swap3A_510 = arith.index_cast %swap3A_509 : i32 to index
      %swap3A_511 = arith.index_cast %add3A_494 : i32 to index
      %swap3A_512 = arith.constant 48 : index
      %swap3A_513 = tpu.vector_load %arg10[%swap3A_510, %swap3A_511, %swap3A_512] {strides = array<i32>} : memref<2x200x64xf32, #tpu.memory_space<vmem>>, vector<16xf32>,
      tpu.vector_store %arg10[%swap3A_510, %swap3A_511, %swap3A_512], %broadcast_in_dim3A_0 {strides = array<i32>} : memref<2x200x64xf32, #tpu.memory_space<vmem>>, vector<16xf32>,
      %scan3A_514 = arith.constant 1 : i32
      %scan3A_515 = arith.addi %scan3A_490, %scan3A_514 : i32
      %mul3A_516 = arith.constant 1 : i32
      %mul3A_517 = arith.muli %scan3A_515, %mul3A_516 : i32
      %add3A_518 = arith.constant 0 : i32
      %add3A_519 = arith.addi %add3A_518, %mul3A_517 : i32
      %swap3A_520 = arith.constant 0 : i32
      %swap3A_521 = arith.index_cast %swap3A_520 : i32 to index
      %swap3A_522 = arith.index_cast %add3A_519 : i32 to index
      %swap3A_523 = arith.constant 0 : index
      %swap3A_524 = tpu.vector_load %arg10[%swap3A_521, %swap3A_522, %swap3A_523] {strides = array<i32>} : memref<2x200x64xf32, #tpu.memory_space<vmem>>, vector<16xf32>,
      tpu.vector_store %arg10[%swap3A_521, %swap3A_522, %swap3A_523], %broadcast_in_dim3A_0 {strides = array<i32>} : memref<2x200x64xf32, #tpu.memory_space<vmem>>, vector<16xf32>,
      %swap3A_525 = arith.constant 0 : i32
      %swap3A_526 = arith.index_cast %swap3A_525 : i32 to index
      %swap3A_527 = arith.index_cast %add3A_519 : i32 to index
      %swap3A_528 = arith.constant 16 : index
      %swap3A_529 = tpu.vector_load %arg10[%swap3A_526, %swap3A_527, %swap3A_528] {strides = array<i32>} : memref<2x200x64xf32, #tpu.memory_space<vmem>>, vector<16xf32>,
      tpu.vector_store %arg10[%swap3A_526, %swap3A_527, %swap3A_528], %broadcast_in_dim3A_0 {strides = array<i32>} : memref<2x200x64xf32, #tpu.memory_space<vmem>>, vector<16xf32>,
      %swap3A_530 = arith.constant 0 : i32
      %swap3A_531 = arith.index_cast %swap3A_530 : i32 to index
      %swap3A_532 = arith.index_cast %add3A_519 : i32 to index
      %swap3A_533 = arith.constant 32 : index
      %swap3A_534 = tpu.vector_load %arg10[%swap3A_531, %swap3A_532, %swap3A_533] {strides = array<i32>} : memref<2x200x64xf32, #tpu.memory_space<vmem>>, vector<16xf32>,
      tpu.vector_store %arg10[%swap3A_531, %swap3A_532, %swap3A_533], %broadcast_in_dim3A_0 {strides = array<i32>} : memref<2x200x64xf32, #tpu.memory_space<vmem>>, vector<16xf32>,
      %swap3A_535 = arith.constant 0 : i32
      %swap3A_536 = arith.index_cast %swap3A_535 : i32 to index
      %swap3A_537 = arith.index_cast %add3A_519 : i32 to index
      %swap3A_538 = arith.constant 48 : index
      %swap3A_539 = tpu.vector_load %arg10[%swap3A_536, %swap3A_537, %swap3A_538] {strides = array<i32>} : memref<2x200x64xf32, #tpu.memory_space<vmem>>, vector<16xf32>,
      tpu.vector_store %arg10[%swap3A_536, %swap3A_537, %swap3A_538], %broadcast_in_dim3A_0 {strides = array<i32>} : memref<2x200x64xf32, #tpu.memory_space<vmem>>, vector<16xf32>,
      %scan3A_540 = arith.constant 2 : i32
      %scan3A_541 = arith.addi %scan3A_490, %scan3A_540 : i32
      %mul3A_542 = arith.constant 1 : i32
      %mul3A_543 = arith.muli %scan3A_541, %mul3A_542 : i32
      %add3A_544 = arith.constant 0 : i32
      %add3A_545 = arith.addi %add3A_544, %mul3A_543 : i32
      %swap3A_546 = arith.constant 0 : i32
      %swap3A_547 = arith.index_cast %swap3A_546 : i32 to index
      %swap3A_548 = arith.index_cast %add3A_545 : i32 to index
      %swap3A_549 = arith.constant 0 : index
      %swap3A_550 = tpu.vector_load %arg10[%swap3A_547, %swap3A_548, %swap3A_549] {strides = array<i32>} : memref<2x200x64xf32, #tpu.memory_space<vmem>>, vector<16xf32>,
      tpu.vector_store %arg10[%swap3A_547, %swap3A_548, %swap3A_549], %broadcast_in_dim3A_0 {strides = array<i32>} : memref<2x200x64xf32, #tpu.memory_space<vmem>>, vector<16xf32>,
      %swap3A_551 = arith.constant 0 : i32
      %swap3A_552 = arith.index_cast %swap3A_551 : i32 to index
      %swap3A_553 = arith.index_cast %add3A_545 : i32 to index
      %swap3A_554 = arith.constant 16 : index
      %swap3A_555 = tpu.vector_load %arg10[%swap3A_552, %swap3A_553, %swap3A_554] {strides = array<i32>} : memref<2x200x64xf32, #tpu.memory_space<vmem>>, vector<16xf32>,
      tpu.vector_store %arg10[%swap3A_552, %swap3A_553, %swap3A_554], %broadcast_in_dim3A_0 {strides = array<i32>} : memref<2x200x64xf32, #tpu.memory_space<vmem>>, vector<16xf32>,
      %swap3A_556 = arith.constant 0 : i32
      %swap3A_557 = arith.index_cast %swap3A_556 : i32 to index
      %swap3A_558 = arith.index_cast %add3A_545 : i32 to index
      %swap3A_559 = arith.constant 32 : index
      %swap3A_560 = tpu.vector_load %arg10[%swap3A_557, %swap3A_558, %swap3A_559] {strides = array<i32>} : memref<2x200x64xf32, #tpu.memory_space<vmem>>, vector<16xf32>,
      tpu.vector_store %arg10[%swap3A_557, %swap3A_558, %swap3A_559], %broadcast_in_dim3A_0 {strides = array<i32>} : memref<2x200x64xf32, #tpu.memory_space<vmem>>, vector<16xf32>,
      %swap3A_561 = arith.constant 0 : i32
      %swap3A_562 = arith.index_cast %swap3A_561 : i32 to index
      %swap3A_563 = arith.index_cast %add3A_545 : i32 to index
      %swap3A_564 = arith.constant 48 : index
      %swap3A_565 = tpu.vector_load %arg10[%swap3A_562, %swap3A_563, %swap3A_564] {strides = array<i32>} : memref<2x200x64xf32, #tpu.memory_space<vmem>>, vector<16xf32>,
      tpu.vector_store %arg10[%swap3A_562, %swap3A_563, %swap3A_564], %broadcast_in_dim3A_0 {strides = array<i32>} : memref<2x200x64xf32, #tpu.memory_space<vmem>>, vector<16xf32>,
      %scan3A_566 = arith.constant 3 : i32
      %scan3A_567 = arith.addi %scan3A_490, %scan3A_566 : i32
      %mul3A_568 = arith.constant 1 : i32
      %mul3A_569 = arith.muli %scan3A_567, %mul3A_568 : i32
      %add3A_570 = arith.constant 0 : i32
      %add3A_571 = arith.addi %add3A_570, %mul3A_569 : i32
      %swap3A_572 = arith.constant 0 : i32
      %swap3A_573 = arith.index_cast %swap3A_572 : i32 to index
      %swap3A_574 = arith.index_cast %add3A_571 : i32 to index
      %swap3A_575 = arith.constant 0 : index
      %swap3A_576 = tpu.vector_load %arg10[%swap3A_573, %swap3A_574, %swap3A_575] {strides = array<i32>} : memref<2x200x64xf32, #tpu.memory_space<vmem>>, vector<16xf32>,
      tpu.vector_store %arg10[%swap3A_573, %swap3A_574, %swap3A_575], %broadcast_in_dim3A_0 {strides = array<i32>} : memref<2x200x64xf32, #tpu.memory_space<vmem>>, vector<16xf32>,
      %swap3A_577 = arith.constant 0 : i32
      %swap3A_578 = arith.index_cast %swap3A_577 : i32 to index
      %swap3A_579 = arith.index_cast %add3A_571 : i32 to index
      %swap3A_580 = arith.constant 16 : index
      %swap3A_581 = tpu.vector_load %arg10[%swap3A_578, %swap3A_579, %swap3A_580] {strides = array<i32>} : memref<2x200x64xf32, #tpu.memory_space<vmem>>, vector<16xf32>,
      tpu.vector_store %arg10[%swap3A_578, %swap3A_579, %swap3A_580], %broadcast_in_dim3A_0 {strides = array<i32>} : memref<2x200x64xf32, #tpu.memory_space<vmem>>, vector<16xf32>,
      %swap3A_582 = arith.constant 0 : i32
      %swap3A_583 = arith.index_cast %swap3A_582 : i32 to index
      %swap3A_584 = arith.index_cast %add3A_571 : i32 to index
      %swap3A_585 = arith.constant 32 : index
      %swap3A_586 = tpu.vector_load %arg10[%swap3A_583, %swap3A_584, %swap3A_585] {strides = array<i32>} : memref<2x200x64xf32, #tpu.memory_space<vmem>>, vector<16xf32>,
      tpu.vector_store %arg10[%swap3A_583, %swap3A_584, %swap3A_585], %broadcast_in_dim3A_0 {strides = array<i32>} : memref<2x200x64xf32, #tpu.memory_space<vmem>>, vector<16xf32>,
      %swap3A_587 = arith.constant 0 : i32
      %swap3A_588 = arith.index_cast %swap3A_587 : i32 to index
      %swap3A_589 = arith.index_cast %add3A_571 : i32 to index
      %swap3A_590 = arith.constant 48 : index
      %swap3A_591 = tpu.vector_load %arg10[%swap3A_588, %swap3A_589, %swap3A_590] {strides = array<i32>} : memref<2x200x64xf32, #tpu.memory_space<vmem>>, vector<16xf32>,
      tpu.vector_store %arg10[%swap3A_588, %swap3A_589, %swap3A_590], %broadcast_in_dim3A_0 {strides = array<i32>} : memref<2x200x64xf32, #tpu.memory_space<vmem>>, vector<16xf32>,
    }
    %scan3A_4 = arith.constant 200 : i32
    %scan3A_5 = arith.constant 0 : i32
    %scan3A_6 = arith.constant 200 : i32
    %scan3A_7 = arith.addi %scan3A_5, %scan3A_6 : i32
    %scan3A_8 = arith.constant 4 : i32
    scf.for %scan3A_490 = %scan3A_5 to %scan3A_7 step %scan3A_8  : i32 {
      %mul3A_491 = arith.constant 1 : i32
      %mul3A_492 = arith.muli %scan3A_490, %mul3A_491 : i32
      %add3A_493 = arith.constant 0 : i32
      %add3A_494 = arith.addi %add3A_493, %mul3A_492 : i32
      %swap3A = arith.constant 1 : i32
      %swap3A_495 = arith.index_cast %swap3A : i32 to index
      %swap3A_496 = arith.index_cast %add3A_494 : i32 to index
      %swap3A_497 = arith.constant 0 : index
      %swap3A_498 = tpu.vector_load %arg10[%swap3A_495, %swap3A_496, %swap3A_497] {strides = array<i32>} : memref<2x200x64xf32, #tpu.memory_space<vmem>>, vector<16xf32>,
      tpu.vector_store %arg10[%swap3A_495, %swap3A_496, %swap3A_497], %broadcast_in_dim3A_0 {strides = array<i32>} : memref<2x200x64xf32, #tpu.memory_space<vmem>>, vector<16xf32>,
      %swap3A_499 = arith.constant 1 : i32
      %swap3A_500 = arith.index_cast %swap3A_499 : i32 to index
      %swap3A_501 = arith.index_cast %add3A_494 : i32 to index
      %swap3A_502 = arith.constant 16 : index
      %swap3A_503 = tpu.vector_load %arg10[%swap3A_500, %swap3A_501, %swap3A_502] {strides = array<i32>} : memref<2x200x64xf32, #tpu.memory_space<vmem>>, vector<16xf32>,
      tpu.vector_store %arg10[%swap3A_500, %swap3A_501, %swap3A_502], %broadcast_in_dim3A_0 {strides = array<i32>} : memref<2x200x64xf32, #tpu.memory_space<vmem>>, vector<16xf32>,
      %swap3A_504 = arith.constant 1 : i32
      %swap3A_505 = arith.index_cast %swap3A_504 : i32 to index
      %swap3A_506 = arith.index_cast %add3A_494 : i32 to index
      %swap3A_507 = arith.constant 32 : index
      %swap3A_508 = tpu.vector_load %arg10[%swap3A_505, %swap3A_506, %swap3A_507] {strides = array<i32>} : memref<2x200x64xf32, #tpu.memory_space<vmem>>, vector<16xf32>,
      tpu.vector_store %arg10[%swap3A_505, %swap3A_506, %swap3A_507], %broadcast_in_dim3A_0 {strides = array<i32>} : memref<2x200x64xf32, #tpu.memory_space<vmem>>, vector<16xf32>,
      %swap3A_509 = arith.constant 1 : i32
      %swap3A_510 = arith.index_cast %swap3A_509 : i32 to index
      %swap3A_511 = arith.index_cast %add3A_494 : i32 to index
      %swap3A_512 = arith.constant 48 : index
      %swap3A_513 = tpu.vector_load %arg10[%swap3A_510, %swap3A_511, %swap3A_512] {strides = array<i32>} : memref<2x200x64xf32, #tpu.memory_space<vmem>>, vector<16xf32>,
      tpu.vector_store %arg10[%swap3A_510, %swap3A_511, %swap3A_512], %broadcast_in_dim3A_0 {strides = array<i32>} : memref<2x200x64xf32, #tpu.memory_space<vmem>>, vector<16xf32>,
      %scan3A_514 = arith.constant 1 : i32
      %scan3A_515 = arith.addi %scan3A_490, %scan3A_514 : i32
      %mul3A_516 = arith.constant 1 : i32
      %mul3A_517 = arith.muli %scan3A_515, %mul3A_516 : i32
      %add3A_518 = arith.constant 0 : i32
      %add3A_519 = arith.addi %add3A_518, %mul3A_517 : i32
      %swap3A_520 = arith.constant 1 : i32
      %swap3A_521 = arith.index_cast %swap3A_520 : i32 to index
      %swap3A_522 = arith.index_cast %add3A_519 : i32 to index
      %swap3A_523 = arith.constant 0 : index
      %swap3A_524 = tpu.vector_load %arg10[%swap3A_521, %swap3A_522, %swap3A_523] {strides = array<i32>} : memref<2x200x64xf32, #tpu.memory_space<vmem>>, vector<16xf32>,
      tpu.vector_store %arg10[%swap3A_521, %swap3A_522, %swap3A_523], %broadcast_in_dim3A_0 {strides = array<i32>} : memref<2x200x64xf32, #tpu.memory_space<vmem>>, vector<16xf32>,
      %swap3A_525 = arith.constant 1 : i32
      %swap3A_526 = arith.index_cast %swap3A_525 : i32 to index
      %swap3A_527 = arith.index_cast %add3A_519 : i32 to index
      %swap3A_528 = arith.constant 16 : index
      %swap3A_529 = tpu.vector_load %arg10[%swap3A_526, %swap3A_527, %swap3A_528] {strides = array<i32>} : memref<2x200x64xf32, #tpu.memory_space<vmem>>, vector<16xf32>,
      tpu.vector_store %arg10[%swap3A_526, %swap3A_527, %swap3A_528], %broadcast_in_dim3A_0 {strides = array<i32>} : memref<2x200x64xf32, #tpu.memory_space<vmem>>, vector<16xf32>,
      %swap3A_530 = arith.constant 1 : i32
      %swap3A_531 = arith.index_cast %swap3A_530 : i32 to index
      %swap3A_532 = arith.index_cast %add3A_519 : i32 to index
      %swap3A_533 = arith.constant 32 : index
      %swap3A_534 = tpu.vector_load %arg10[%swap3A_531, %swap3A_532, %swap3A_533] {strides = array<i32>} : memref<2x200x64xf32, #tpu.memory_space<vmem>>, vector<16xf32>,
      tpu.vector_store %arg10[%swap3A_531, %swap3A_532, %swap3A_533], %broadcast_in_dim3A_0 {strides = array<i32>} : memref<2x200x64xf32, #tpu.memory_space<vmem>>, vector<16xf32>,
      %swap3A_535 = arith.constant 1 : i32
      %swap3A_536 = arith.index_cast %swap3A_535 : i32 to index
      %swap3A_537 = arith.index_cast %add3A_519 : i32 to index
      %swap3A_538 = arith.constant 48 : index
      %swap3A_539 = tpu.vector_load %arg10[%swap3A_536, %swap3A_537, %swap3A_538] {strides = array<i32>} : memref<2x200x64xf32, #tpu.memory_space<vmem>>, vector<16xf32>,
      tpu.vector_store %arg10[%swap3A_536, %swap3A_537, %swap3A_538], %broadcast_in_dim3A_0 {strides = array<i32>} : memref<2x200x64xf32, #tpu.memory_space<vmem>>, vector<16xf32>,
      %scan3A_540 = arith.constant 2 : i32
      %scan3A_541 = arith.addi %scan3A_490, %scan3A_540 : i32
      %mul3A_542 = arith.constant 1 : i32
      %mul3A_543 = arith.muli %scan3A_541, %mul3A_542 : i32
      %add3A_544 = arith.constant 0 : i32
      %add3A_545 = arith.addi %add3A_544, %mul3A_543 : i32
      %swap3A_546 = arith.constant 1 : i32
      %swap3A_547 = arith.index_cast %swap3A_546 : i32 to index
      %swap3A_548 = arith.index_cast %add3A_545 : i32 to index
      %swap3A_549 = arith.constant 0 : index
      %swap3A_550 = tpu.vector_load %arg10[%swap3A_547, %swap3A_548, %swap3A_549] {strides = array<i32>} : memref<2x200x64xf32, #tpu.memory_space<vmem>>, vector<16xf32>,
      tpu.vector_store %arg10[%swap3A_547, %swap3A_548, %swap3A_549], %broadcast_in_dim3A_0 {strides = array<i32>} : memref<2x200x64xf32, #tpu.memory_space<vmem>>, vector<16xf32>,
      %swap3A_551 = arith.constant 1 : i32
      %swap3A_552 = arith.index_cast %swap3A_551 : i32 to index
      %swap3A_553 = arith.index_cast %add3A_545 : i32 to index
      %swap3A_554 = arith.constant 16 : index
      %swap3A_555 = tpu.vector_load %arg10[%swap3A_552, %swap3A_553, %swap3A_554] {strides = array<i32>} : memref<2x200x64xf32, #tpu.memory_space<vmem>>, vector<16xf32>,
      tpu.vector_store %arg10[%swap3A_552, %swap3A_553, %swap3A_554], %broadcast_in_dim3A_0 {strides = array<i32>} : memref<2x200x64xf32, #tpu.memory_space<vmem>>, vector<16xf32>,
      %swap3A_556 = arith.constant 1 : i32
      %swap3A_557 = arith.index_cast %swap3A_556 : i32 to index
      %swap3A_558 = arith.index_cast %add3A_545 : i32 to index
      %swap3A_559 = arith.constant 32 : index
      %swap3A_560 = tpu.vector_load %arg10[%swap3A_557, %swap3A_558, %swap3A_559] {strides = array<i32>} : memref<2x200x64xf32, #tpu.memory_space<vmem>>, vector<16xf32>,
      tpu.vector_store %arg10[%swap3A_557, %swap3A_558, %swap3A_559], %broadcast_in_dim3A_0 {strides = array<i32>} : memref<2x200x64xf32, #tpu.memory_space<vmem>>, vector<16xf32>,
      %swap3A_561 = arith.constant 1 : i32
      %swap3A_562 = arith.index_cast %swap3A_561 : i32 to index
      %swap3A_563 = arith.index_cast %add3A_545 : i32 to index
      %swap3A_564 = arith.constant 48 : index
      %swap3A_565 = tpu.vector_load %arg10[%swap3A_562, %swap3A_563, %swap3A_564] {strides = array<i32>} : memref<2x200x64xf32, #tpu.memory_space<vmem>>, vector<16xf32>,
      tpu.vector_store %arg10[%swap3A_562, %swap3A_563, %swap3A_564], %broadcast_in_dim3A_0 {strides = array<i32>} : memref<2x200x64xf32, #tpu.memory_space<vmem>>, vector<16xf32>,
      %scan3A_566 = arith.constant 3 : i32
      %scan3A_567 = arith.addi %scan3A_490, %scan3A_566 : i32
      %mul3A_568 = arith.constant 1 : i32
      %mul3A_569 = arith.muli %scan3A_567, %mul3A_568 : i32
      %add3A_570 = arith.constant 0 : i32
      %add3A_571 = arith.addi %add3A_570, %mul3A_569 : i32
      %swap3A_572 = arith.constant 1 : i32
      %swap3A_573 = arith.index_cast %swap3A_572 : i32 to index
      %swap3A_574 = arith.index_cast %add3A_571 : i32 to index
      %swap3A_575 = arith.constant 0 : index
      %swap3A_576 = tpu.vector_load %arg10[%swap3A_573, %swap3A_574, %swap3A_575] {strides = array<i32>} : memref<2x200x64xf32, #tpu.memory_space<vmem>>, vector<16xf32>,
      tpu.vector_store %arg10[%swap3A_573, %swap3A_574, %swap3A_575], %broadcast_in_dim3A_0 {strides = array<i32>} : memref<2x200x64xf32, #tpu.memory_space<vmem>>, vector<16xf32>,
      %swap3A_577 = arith.constant 1 : i32
      %swap3A_578 = arith.index_cast %swap3A_577 : i32 to index
      %swap3A_579 = arith.index_cast %add3A_571 : i32 to index
      %swap3A_580 = arith.constant 16 : index
      %swap3A_581 = tpu.vector_load %arg10[%swap3A_578, %swap3A_579, %swap3A_580] {strides = array<i32>} : memref<2x200x64xf32, #tpu.memory_space<vmem>>, vector<16xf32>,
      tpu.vector_store %arg10[%swap3A_578, %swap3A_579, %swap3A_580], %broadcast_in_dim3A_0 {strides = array<i32>} : memref<2x200x64xf32, #tpu.memory_space<vmem>>, vector<16xf32>,
      %swap3A_582 = arith.constant 1 : i32
      %swap3A_583 = arith.index_cast %swap3A_582 : i32 to index
      %swap3A_584 = arith.index_cast %add3A_571 : i32 to index
      %swap3A_585 = arith.constant 32 : index
      %swap3A_586 = tpu.vector_load %arg10[%swap3A_583, %swap3A_584, %swap3A_585] {strides = array<i32>} : memref<2x200x64xf32, #tpu.memory_space<vmem>>, vector<16xf32>,
      tpu.vector_store %arg10[%swap3A_583, %swap3A_584, %swap3A_585], %broadcast_in_dim3A_0 {strides = array<i32>} : memref<2x200x64xf32, #tpu.memory_space<vmem>>, vector<16xf32>,
      %swap3A_587 = arith.constant 1 : i32
      %swap3A_588 = arith.index_cast %swap3A_587 : i32 to index
      %swap3A_589 = arith.index_cast %add3A_571 : i32 to index
      %swap3A_590 = arith.constant 48 : index
      %swap3A_591 = tpu.vector_load %arg10[%swap3A_588, %swap3A_589, %swap3A_590] {strides = array<i32>} : memref<2x200x64xf32, #tpu.memory_space<vmem>>, vector<16xf32>,
      tpu.vector_store %arg10[%swap3A_588, %swap3A_589, %swap3A_590], %broadcast_in_dim3A_0 {strides = array<i32>} : memref<2x200x64xf32, #tpu.memory_space<vmem>>, vector<16xf32>,
    }
    %scan3A_9 = arith.constant 200 : i32
    %scan3A_10 = arith.constant 0 : i32
    %scan3A_11 = arith.constant 4 : i32
    %scan3A_12 = arith.addi %scan3A_10, %scan3A_11 : i32
    %scan3A_13 = arith.constant 1 : i32
    scf.for %scan3A_490 = %scan3A_10 to %scan3A_12 step %scan3A_13  : i32 {
      %mul3A_491 = arith.constant 1 : i32
      %mul3A_492 = arith.muli %scan3A_490, %mul3A_491 : i32
      %add3A_493 = arith.constant 0 : i32
      %add3A_494 = arith.addi %add3A_493, %mul3A_492 : i32
      %mul3A_495 = arith.constant 16 : i32
      %mul3A_496 = arith.muli %add3A_494, %mul3A_495 : i32
      %add3A_497 = arith.addi %mul3A_496, %arg1 : i32
      %lt3A_498 = arith.constant 50 : i32
      %lt3A_499 = arith.cmpi slt, %add3A_497, %lt3A_498 : i32
      %convert_element_type3A_500 = arith.extui %lt3A_499 : i1 to i32
      %cond3A_501 = arith.constant 0 : i32
      %cond3A_502 = arith.cmpi ne, %convert_element_type3A_500, %cond3A_501 : i32
      scf.if %cond3A_502 {
        %mul3A_503 = arith.constant 16 : i32
        %mul3A_504 = arith.muli %add3A_494, %mul3A_503 : i32
        %add3A_505 = arith.addi %mul3A_504, %arg1 : i32
        %mul3A_506 = arith.constant 200 : i32
        %mul3A_507 = arith.muli %add3A_505, %mul3A_506 : i32
        %dma_start3A_508 = arith.constant 0 : i32
        %dma_start3A_509 = arith.constant 0 : i32
        %dma_start3A_510 = arith.constant 0 : i32
        %dma_start3A_511 = tpu.memref_slice %arg10[%dma_start3A_508, %dma_start3A_509, %dma_start3A_510] : memref<2x200x64xf32, #tpu.memory_space<vmem>> -> memref<1x200x64xf32, #tpu.memory_space<vmem>>
        %dma_start3A_512 = tpu.memref_squeeze %dma_start3A_511 : memref<1x200x64xf32, #tpu.memory_space<vmem>> -> memref<200x64xf32, #tpu.memory_space<vmem>>
        %dma_start3A_513 = arith.constant 0 : i32
        %dma_start3A_514 = tpu.memref_slice %arg8[%mul3A_507, %dma_start3A_513] : memref<10000x64xf32, #tpu.memory_space<vmem_shared>> -> memref<200x64xf32, #tpu.memory_space<vmem_shared>>
        %dma_start3A_515 = arith.constant 0 : i32
        %dma_start3A_516 = tpu.memref_slice %arg8[%mul3A_507, %dma_start3A_515] : memref<10000x64xf32, #tpu.memory_space<vmem_shared>> -> memref<200x64xf32, #tpu.memory_space<vmem_shared>>
        %dma_start3A_517 = arith.constant 0 : i32
        %dma_start3A_518 = arith.constant 0 : i32
        %dma_start3A_519 = tpu.memref_slice %arg10[%dma_start3A_508, %dma_start3A_517, %dma_start3A_518] : memref<2x200x64xf32, #tpu.memory_space<vmem>> -> memref<1x200x64xf32, #tpu.memory_space<vmem>>
        %dma_start3A_520 = tpu.memref_squeeze %dma_start3A_519 : memref<1x200x64xf32, #tpu.memory_space<vmem>> -> memref<200x64xf32, #tpu.memory_space<vmem>>
        tpu.enqueue_dma source(%dma_start3A_520 : memref<200x64xf32, #tpu.memory_space<vmem>>) target(%dma_start3A_516 : memref<200x64xf32, #tpu.memory_space<vmem_shared>>) target_semaphore(%arg26 : memref<!tpu.dma_semaphore, #tpu.memory_space<semaphore_mem>>)
      } else {
      }
    }
    %scan3A_14 = arith.constant 4 : i32
    %scan3A_15 = arith.constant 0 : i32
    %scan3A_16 = arith.constant 4 : i32
    %scan3A_17 = arith.addi %scan3A_15, %scan3A_16 : i32
    %scan3A_18 = arith.constant 1 : i32
    scf.for %scan3A_490 = %scan3A_15 to %scan3A_17 step %scan3A_18  : i32 {
      %mul3A_491 = arith.constant 1 : i32
      %mul3A_492 = arith.muli %scan3A_490, %mul3A_491 : i32
      %add3A_493 = arith.constant 0 : i32
      %add3A_494 = arith.addi %add3A_493, %mul3A_492 : i32
      %mul3A_495 = arith.constant 16 : i32
      %mul3A_496 = arith.muli %add3A_494, %mul3A_495 : i32
      %add3A_497 = arith.addi %mul3A_496, %arg1 : i32
      %lt3A_498 = arith.constant 50 : i32
      %lt3A_499 = arith.cmpi slt, %add3A_497, %lt3A_498 : i32
      %convert_element_type3A_500 = arith.extui %lt3A_499 : i1 to i32
      %cond3A_501 = arith.constant 0 : i32
      %cond3A_502 = arith.cmpi ne, %convert_element_type3A_500, %cond3A_501 : i32
      scf.if %cond3A_502 {
        %mul3A_503 = arith.constant 16 : i32
        %mul3A_504 = arith.muli %add3A_494, %mul3A_503 : i32
        %add3A_505 = arith.addi %mul3A_504, %arg1 : i32
        %mul3A_506 = arith.constant 200 : i32
        %mul3A_507 = arith.muli %add3A_505, %mul3A_506 : i32
        %dma_wait3A_508 = arith.constant 0 : i32
        %dma_wait3A_509 = arith.constant 0 : i32
        %dma_wait3A_510 = arith.constant 0 : i32
        %dma_wait3A_511 = tpu.memref_slice %arg10[%dma_wait3A_508, %dma_wait3A_509, %dma_wait3A_510] : memref<2x200x64xf32, #tpu.memory_space<vmem>> -> memref<1x200x64xf32, #tpu.memory_space<vmem>>
        %dma_wait3A_512 = tpu.memref_squeeze %dma_wait3A_511 : memref<1x200x64xf32, #tpu.memory_space<vmem>> -> memref<200x64xf32, #tpu.memory_space<vmem>>
        %dma_wait3A_513 = arith.constant 0 : i32
        %dma_wait3A_514 = tpu.memref_slice %arg8[%mul3A_507, %dma_wait3A_513] : memref<10000x64xf32, #tpu.memory_space<vmem_shared>> -> memref<200x64xf32, #tpu.memory_space<vmem_shared>>
        %dma_wait3A_515 = arith.constant 0 : i32
        %dma_wait3A_516 = tpu.memref_slice %arg8[%mul3A_507, %dma_wait3A_515] : memref<10000x64xf32, #tpu.memory_space<vmem_shared>> -> memref<200x64xf32, #tpu.memory_space<vmem_shared>>
        %dma_wait3A_517 = arith.constant 0 : i32
        %dma_wait3A_518 = arith.constant 0 : i32
        %dma_wait3A_519 = tpu.memref_slice %arg10[%dma_wait3A_508, %dma_wait3A_517, %dma_wait3A_518] : memref<2x200x64xf32, #tpu.memory_space<vmem>> -> memref<1x200x64xf32, #tpu.memory_space<vmem>>
        %dma_wait3A_520 = tpu.memref_squeeze %dma_wait3A_519 : memref<1x200x64xf32, #tpu.memory_space<vmem>> -> memref<200x64xf32, #tpu.memory_space<vmem>>
        tpu.wait_dma2 semaphore(%arg26 : memref<!tpu.dma_semaphore, #tpu.memory_space<semaphore_mem>>) src(%dma_wait3A_520 : memref<200x64xf32, #tpu.memory_space<vmem>>) dst(%dma_wait3A_516 : memref<200x64xf32, #tpu.memory_space<vmem_shared>>)
      } else {
      }
    }
    %scan3A_19 = arith.constant 4 : i32
    %eq3A = arith.constant 0 : i32
    %eq3A_20 = arith.cmpi eq, %arg0, %eq3A : i32
    %eq3A_21 = arith.constant 0 : i32
    %eq3A_22 = arith.cmpi eq, %arg1, %eq3A_21 : i32
    %and3A = arith.andi %eq3A_20, %eq3A_22 : i1
    %convert_element_type3A = arith.extui %and3A : i1 to i32
    %cond3A = arith.constant 0 : i32
    %cond3A_23 = arith.cmpi ne, %convert_element_type3A, %cond3A : i32
    scf.if %cond3A_23 {
      %scan3A_490 = arith.constant 0 : i32
      %scan3A_491 = arith.constant 125 : i32
      %scan3A_492 = arith.addi %scan3A_490, %scan3A_491 : i32
      %scan3A_493 = arith.constant 1 : i32
      scf.for %scan3A_505 = %scan3A_490 to %scan3A_492 step %scan3A_493  : i32 {
        %mul3A_506 = arith.constant 1 : i32
        %mul3A_507 = arith.muli %scan3A_505, %mul3A_506 : i32
        %add3A_508 = arith.constant 0 : i32
        %add3A_509 = arith.addi %add3A_508, %mul3A_507 : i32
        %mul3A_510 = arith.constant 16 : i32
        %mul3A_511 = arith.muli %add3A_509, %mul3A_510 : i32
        %swap3A = arith.index_cast %mul3A_511 : i32 to index
        %swap3A_512 = tpu.vector_load %arg17[%swap3A] {strides = array<i32>} : memref<2000xf32, #tpu.memory_space<vmem>>, vector<16xf32>,
        tpu.vector_store %arg17[%swap3A], %broadcast_in_dim3A_0 {strides = array<i32>} : memref<2000xf32, #tpu.memory_space<vmem>>, vector<16xf32>,
      }
      %scan3A_494 = arith.constant 125 : i32
      %scan3A_495 = arith.constant 0 : i32
      %scan3A_496 = arith.constant 5 : i32
      %scan3A_497 = arith.addi %scan3A_495, %scan3A_496 : i32
      %scan3A_498 = arith.constant 1 : i32
      scf.for %scan3A_505 = %scan3A_495 to %scan3A_497 step %scan3A_498  : i32 {
        %mul3A_506 = arith.constant 1 : i32
        %mul3A_507 = arith.muli %scan3A_505, %mul3A_506 : i32
        %add3A_508 = arith.constant 0 : i32
        %add3A_509 = arith.addi %add3A_508, %mul3A_507 : i32
        %mul3A_510 = arith.constant 2000 : i32
        %mul3A_511 = arith.muli %add3A_509, %mul3A_510 : i32
        %dma_start3A_512 = tpu.memref_slice %arg9[%mul3A_511] : memref<10000xf32, #tpu.memory_space<vmem_shared>> -> memref<2000xf32, #tpu.memory_space<vmem_shared>>
        %dma_start3A_513 = tpu.memref_slice %arg9[%mul3A_511] : memref<10000xf32, #tpu.memory_space<vmem_shared>> -> memref<2000xf32, #tpu.memory_space<vmem_shared>>
        tpu.enqueue_dma source(%arg17 : memref<2000xf32, #tpu.memory_space<vmem>>) target(%dma_start3A_513 : memref<2000xf32, #tpu.memory_space<vmem_shared>>) target_semaphore(%arg26 : memref<!tpu.dma_semaphore, #tpu.memory_space<semaphore_mem>>)
      }
      %scan3A_499 = arith.constant 5 : i32
      %scan3A_500 = arith.constant 0 : i32
      %scan3A_501 = arith.constant 5 : i32
      %scan3A_502 = arith.addi %scan3A_500, %scan3A_501 : i32
      %scan3A_503 = arith.constant 1 : i32
      scf.for %scan3A_505 = %scan3A_500 to %scan3A_502 step %scan3A_503  : i32 {
        %mul3A_506 = arith.constant 1 : i32
        %mul3A_507 = arith.muli %scan3A_505, %mul3A_506 : i32
        %add3A_508 = arith.constant 0 : i32
        %add3A_509 = arith.addi %add3A_508, %mul3A_507 : i32
        %mul3A_510 = arith.constant 2000 : i32
        %mul3A_511 = arith.muli %add3A_509, %mul3A_510 : i32
        %dma_wait3A_512 = tpu.memref_slice %arg9[%mul3A_511] : memref<10000xf32, #tpu.memory_space<vmem_shared>> -> memref<2000xf32, #tpu.memory_space<vmem_shared>>
        %dma_wait3A_513 = tpu.memref_slice %arg9[%mul3A_511] : memref<10000xf32, #tpu.memory_space<vmem_shared>> -> memref<2000xf32, #tpu.memory_space<vmem_shared>>
        tpu.wait_dma2 semaphore(%arg26 : memref<!tpu.dma_semaphore, #tpu.memory_space<semaphore_mem>>) src(%arg17 : memref<2000xf32, #tpu.memory_space<vmem>>) dst(%dma_wait3A_513 : memref<2000xf32, #tpu.memory_space<vmem_shared>>)
      }
      %scan3A_504 = arith.constant 5 : i32
    } else {
    }
    %eq3A_24 = arith.constant 0 : i32
    %eq3A_25 = arith.cmpi eq, %arg0, %eq3A_24 : i32
    %convert_element_type3A_26 = arith.extui %eq3A_25 : i1 to i32
    %cond3A_27 = arith.constant 0 : i32
    %cond3A_28 = arith.cmpi ne, %convert_element_type3A_26, %cond3A_27 : i32
    scf.if %cond3A_28 {
      %scan3A_490 = arith.constant 0 : i32
      %scan3A_491 = arith.constant 16 : i32
      %scan3A_492 = arith.addi %scan3A_490, %scan3A_491 : i32
      %scan3A_493 = arith.constant 1 : i32
      scf.for %scan3A_495 = %scan3A_490 to %scan3A_492 step %scan3A_493  : i32 {
        %mul3A_496 = arith.constant 1 : i32
        %mul3A_497 = arith.muli %scan3A_495, %mul3A_496 : i32
        %add3A_498 = arith.constant 0 : i32
        %add3A_499 = arith.addi %add3A_498, %mul3A_497 : i32
        %broadcast_in_dim3A_500 = arith.constant 1.000000e+00 : f32
        %broadcast_in_dim3A_501 = vector.broadcast %broadcast_in_dim3A_500 : f32 to vector<16xf32>
        %mul3A_502 = arith.constant 16 : i32
        %mul3A_503 = arith.muli %add3A_499, %mul3A_502 : i32
        %swap3A = arith.index_cast %mul3A_503 : i32 to index
        %swap3A_504 = tpu.vector_load %arg16[%swap3A] {strides = array<i32>} : memref<256xf32, #tpu.memory_space<vmem>>, vector<16xf32>,
        tpu.vector_store %arg16[%swap3A], %broadcast_in_dim3A_501 {strides = array<i32>} : memref<256xf32, #tpu.memory_space<vmem>>, vector<16xf32>,
      }
      %scan3A_494 = arith.constant 16 : i32
    } else {
    }
    %mul3A = arith.constant 64 : i32
    %mul3A_29 = arith.muli %arg0, %mul3A : i32
    %add3A = arith.constant 0 : i32
    %add3A_30 = arith.addi %add3A, %arg1 : i32
    %mul3A_31 = arith.constant 200 : i32
    %mul3A_32 = arith.muli %add3A_30, %mul3A_31 : i32
    %dma_start3A = arith.constant 0 : i32
    %dma_start3A_33 = arith.constant 0 : i32
    %dma_start3A_34 = arith.constant 0 : i32
    %dma_start3A_35 = arith.constant 0 : i32
    %dma_start3A_36 = tpu.memref_slice %arg11[%dma_start3A, %dma_start3A_34, %dma_start3A_35] : memref<2x200x32xi32, #tpu.memory_space<vmem>> -> memref<1x200x32xi32, #tpu.memory_space<vmem>>
    %dma_start3A_37 = tpu.memref_squeeze %dma_start3A_36 : memref<1x200x32xi32, #tpu.memory_space<vmem>> -> memref<200x32xi32, #tpu.memory_space<vmem>>
    %dma_start3A_38 = arith.constant 0 : i32
    %dma_start3A_39 = tpu.memref_slice %arg3[%mul3A_32, %dma_start3A_38] : memref<10000x32xi32, #tpu.memory_space<hbm>> -> memref<200x32xi32, #tpu.memory_space<hbm>>
    %dma_start3A_40 = tpu.memref_slice %arg23[%dma_start3A_33] : memref<2x!tpu.dma_semaphore, #tpu.memory_space<semaphore_mem>> -> memref<1x!tpu.dma_semaphore, #tpu.memory_space<semaphore_mem>>
    %dma_start3A_41 = tpu.memref_squeeze %dma_start3A_40 : memref<1x!tpu.dma_semaphore, #tpu.memory_space<semaphore_mem>> -> memref<!tpu.dma_semaphore, #tpu.memory_space<semaphore_mem>>
    %dma_start3A_42 = arith.constant 0 : i32
    %dma_start3A_43 = arith.constant 0 : i32
    %dma_start3A_44 = tpu.memref_slice %arg11[%dma_start3A, %dma_start3A_42, %dma_start3A_43] : memref<2x200x32xi32, #tpu.memory_space<vmem>> -> memref<1x200x32xi32, #tpu.memory_space<vmem>>
    %dma_start3A_45 = tpu.memref_squeeze %dma_start3A_44 : memref<1x200x32xi32, #tpu.memory_space<vmem>> -> memref<200x32xi32, #tpu.memory_space<vmem>>
    %dma_start3A_46 = arith.constant 0 : i32
    %dma_start3A_47 = tpu.memref_slice %arg3[%mul3A_32, %dma_start3A_46] : memref<10000x32xi32, #tpu.memory_space<hbm>> -> memref<200x32xi32, #tpu.memory_space<hbm>>
    tpu.enqueue_dma source(%dma_start3A_47 : memref<200x32xi32, #tpu.memory_space<hbm>>) target(%dma_start3A_45 : memref<200x32xi32, #tpu.memory_space<vmem>>) target_semaphore(%dma_start3A_41 : memref<!tpu.dma_semaphore, #tpu.memory_space<semaphore_mem>>)
    %add3A_48 = arith.constant 0 : i32
    %add3A_49 = arith.addi %add3A_48, %arg1 : i32
    %mul3A_50 = arith.constant 200 : i32
    %mul3A_51 = arith.muli %add3A_49, %mul3A_50 : i32
    %dma_start3A_52 = arith.constant 0 : i32
    %dma_start3A_53 = arith.constant 0 : i32
    %dma_start3A_54 = arith.constant 0 : i32
    %dma_start3A_55 = arith.constant 0 : i32
    %dma_start3A_56 = tpu.memref_slice %arg12[%dma_start3A_52, %dma_start3A_54, %dma_start3A_55] : memref<2x200x32xf32, #tpu.memory_space<vmem>> -> memref<1x200x32xf32, #tpu.memory_space<vmem>>
    %dma_start3A_57 = tpu.memref_squeeze %dma_start3A_56 : memref<1x200x32xf32, #tpu.memory_space<vmem>> -> memref<200x32xf32, #tpu.memory_space<vmem>>
    %dma_start3A_58 = arith.constant 0 : i32
    %dma_start3A_59 = tpu.memref_slice %arg2[%mul3A_51, %dma_start3A_58] : memref<10000x32xf32, #tpu.memory_space<hbm>> -> memref<200x32xf32, #tpu.memory_space<hbm>>
    %dma_start3A_60 = tpu.memref_slice %arg24[%dma_start3A_53] : memref<2x!tpu.dma_semaphore, #tpu.memory_space<semaphore_mem>> -> memref<1x!tpu.dma_semaphore, #tpu.memory_space<semaphore_mem>>
    %dma_start3A_61 = tpu.memref_squeeze %dma_start3A_60 : memref<1x!tpu.dma_semaphore, #tpu.memory_space<semaphore_mem>> -> memref<!tpu.dma_semaphore, #tpu.memory_space<semaphore_mem>>
    %dma_start3A_62 = arith.constant 0 : i32
    %dma_start3A_63 = arith.constant 0 : i32
    %dma_start3A_64 = tpu.memref_slice %arg12[%dma_start3A_52, %dma_start3A_62, %dma_start3A_63] : memref<2x200x32xf32, #tpu.memory_space<vmem>> -> memref<1x200x32xf32, #tpu.memory_space<vmem>>
    %dma_start3A_65 = tpu.memref_squeeze %dma_start3A_64 : memref<1x200x32xf32, #tpu.memory_space<vmem>> -> memref<200x32xf32, #tpu.memory_space<vmem>>
    %dma_start3A_66 = arith.constant 0 : i32
    %dma_start3A_67 = tpu.memref_slice %arg2[%mul3A_51, %dma_start3A_66] : memref<10000x32xf32, #tpu.memory_space<hbm>> -> memref<200x32xf32, #tpu.memory_space<hbm>>
    tpu.enqueue_dma source(%dma_start3A_67 : memref<200x32xf32, #tpu.memory_space<hbm>>) target(%dma_start3A_65 : memref<200x32xf32, #tpu.memory_space<vmem>>) target_semaphore(%dma_start3A_61 : memref<!tpu.dma_semaphore, #tpu.memory_space<semaphore_mem>>)
    %scan3A_68 = arith.constant 0 : i32
    %scan3A_69 = arith.constant 4 : i32
    %scan3A_70 = arith.addi %scan3A_68, %scan3A_69 : i32
    %scan3A_71 = arith.constant 1 : i32
    scf.for %scan3A_490 = %scan3A_68 to %scan3A_70 step %scan3A_71  : i32 {
      %mul3A_491 = arith.constant 1 : i32
      %mul3A_492 = arith.muli %scan3A_490, %mul3A_491 : i32
      %add3A_493 = arith.constant 0 : i32
      %add3A_494 = arith.addi %add3A_493, %mul3A_492 : i32
      %mul3A_495 = arith.constant 16 : i32
      %mul3A_496 = arith.muli %add3A_494, %mul3A_495 : i32
      %add3A_497 = arith.addi %mul3A_496, %arg1 : i32
      %lt3A_498 = arith.constant 50 : i32
      %lt3A_499 = arith.cmpi slt, %add3A_497, %lt3A_498 : i32
      %convert_element_type3A_500 = arith.extui %lt3A_499 : i1 to i32
      %cond3A_501 = arith.constant 0 : i32
      %cond3A_502 = arith.cmpi ne, %convert_element_type3A_500, %cond3A_501 : i32
      scf.if %cond3A_502 {
        %rem3A_503 = arith.constant 2 : i32
        %rem3A_504 = arith.remsi %add3A_494, %rem3A_503 : i32
        %mul3A_505 = arith.constant 16 : i32
        %mul3A_506 = arith.muli %add3A_494, %mul3A_505 : i32
        %add3A_507 = arith.addi %mul3A_506, %arg1 : i32
        %mul3A_508 = arith.constant 200 : i32
        %mul3A_509 = arith.muli %add3A_507, %mul3A_508 : i32
        %dma_wait3A_510 = arith.constant 0 : i32
        %dma_wait3A_511 = arith.constant 0 : i32
        %dma_wait3A_512 = tpu.memref_slice %arg11[%rem3A_504, %dma_wait3A_510, %dma_wait3A_511] : memref<2x200x32xi32, #tpu.memory_space<vmem>> -> memref<1x200x32xi32, #tpu.memory_space<vmem>>
        %dma_wait3A_513 = tpu.memref_squeeze %dma_wait3A_512 : memref<1x200x32xi32, #tpu.memory_space<vmem>> -> memref<200x32xi32, #tpu.memory_space<vmem>>
        %dma_wait3A_514 = arith.constant 0 : i32
        %dma_wait3A_515 = tpu.memref_slice %arg3[%mul3A_509, %dma_wait3A_514] : memref<10000x32xi32, #tpu.memory_space<hbm>> -> memref<200x32xi32, #tpu.memory_space<hbm>>
        %dma_wait3A_516 = tpu.memref_slice %arg23[%rem3A_504] : memref<2x!tpu.dma_semaphore, #tpu.memory_space<semaphore_mem>> -> memref<1x!tpu.dma_semaphore, #tpu.memory_space<semaphore_mem>>
        %dma_wait3A_517 = tpu.memref_squeeze %dma_wait3A_516 : memref<1x!tpu.dma_semaphore, #tpu.memory_space<semaphore_mem>> -> memref<!tpu.dma_semaphore, #tpu.memory_space<semaphore_mem>>
        %dma_wait3A_518 = arith.constant 0 : i32
        %dma_wait3A_519 = arith.constant 0 : i32
        %dma_wait3A_520 = tpu.memref_slice %arg11[%rem3A_504, %dma_wait3A_518, %dma_wait3A_519] : memref<2x200x32xi32, #tpu.memory_space<vmem>> -> memref<1x200x32xi32, #tpu.memory_space<vmem>>
        %dma_wait3A_521 = tpu.memref_squeeze %dma_wait3A_520 : memref<1x200x32xi32, #tpu.memory_space<vmem>> -> memref<200x32xi32, #tpu.memory_space<vmem>>
        %dma_wait3A_522 = arith.constant 0 : i32
        %dma_wait3A_523 = tpu.memref_slice %arg3[%mul3A_509, %dma_wait3A_522] : memref<10000x32xi32, #tpu.memory_space<hbm>> -> memref<200x32xi32, #tpu.memory_space<hbm>>
        tpu.wait_dma2 semaphore(%dma_wait3A_517 : memref<!tpu.dma_semaphore, #tpu.memory_space<semaphore_mem>>) src(%dma_wait3A_523 : memref<200x32xi32, #tpu.memory_space<hbm>>) dst(%dma_wait3A_521 : memref<200x32xi32, #tpu.memory_space<vmem>>)
        %mul3A_524 = arith.constant 16 : i32
        %mul3A_525 = arith.muli %add3A_494, %mul3A_524 : i32
        %add3A_526 = arith.addi %mul3A_525, %arg1 : i32
        %mul3A_527 = arith.constant 200 : i32
        %mul3A_528 = arith.muli %add3A_526, %mul3A_527 : i32
        %dma_wait3A_529 = arith.constant 0 : i32
        %dma_wait3A_530 = arith.constant 0 : i32
        %dma_wait3A_531 = tpu.memref_slice %arg12[%rem3A_504, %dma_wait3A_529, %dma_wait3A_530] : memref<2x200x32xf32, #tpu.memory_space<vmem>> -> memref<1x200x32xf32, #tpu.memory_space<vmem>>
        %dma_wait3A_532 = tpu.memref_squeeze %dma_wait3A_531 : memref<1x200x32xf32, #tpu.memory_space<vmem>> -> memref<200x32xf32, #tpu.memory_space<vmem>>
        %dma_wait3A_533 = arith.constant 0 : i32
        %dma_wait3A_534 = tpu.memref_slice %arg2[%mul3A_528, %dma_wait3A_533] : memref<10000x32xf32, #tpu.memory_space<hbm>> -> memref<200x32xf32, #tpu.memory_space<hbm>>
        %dma_wait3A_535 = tpu.memref_slice %arg24[%rem3A_504] : memref<2x!tpu.dma_semaphore, #tpu.memory_space<semaphore_mem>> -> memref<1x!tpu.dma_semaphore, #tpu.memory_space<semaphore_mem>>
        %dma_wait3A_536 = tpu.memref_squeeze %dma_wait3A_535 : memref<1x!tpu.dma_semaphore, #tpu.memory_space<semaphore_mem>> -> memref<!tpu.dma_semaphore, #tpu.memory_space<semaphore_mem>>
        %dma_wait3A_537 = arith.constant 0 : i32
        %dma_wait3A_538 = arith.constant 0 : i32
        %dma_wait3A_539 = tpu.memref_slice %arg12[%rem3A_504, %dma_wait3A_537, %dma_wait3A_538] : memref<2x200x32xf32, #tpu.memory_space<vmem>> -> memref<1x200x32xf32, #tpu.memory_space<vmem>>
        %dma_wait3A_540 = tpu.memref_squeeze %dma_wait3A_539 : memref<1x200x32xf32, #tpu.memory_space<vmem>> -> memref<200x32xf32, #tpu.memory_space<vmem>>
        %dma_wait3A_541 = arith.constant 0 : i32
        %dma_wait3A_542 = tpu.memref_slice %arg2[%mul3A_528, %dma_wait3A_541] : memref<10000x32xf32, #tpu.memory_space<hbm>> -> memref<200x32xf32, #tpu.memory_space<hbm>>
        tpu.wait_dma2 semaphore(%dma_wait3A_536 : memref<!tpu.dma_semaphore, #tpu.memory_space<semaphore_mem>>) src(%dma_wait3A_542 : memref<200x32xf32, #tpu.memory_space<hbm>>) dst(%dma_wait3A_540 : memref<200x32xf32, #tpu.memory_space<vmem>>)
        %add3A_543 = arith.constant 1 : i32
        %add3A_544 = arith.addi %add3A_494, %add3A_543 : i32
        %mul3A_545 = arith.constant 16 : i32
        %mul3A_546 = arith.muli %add3A_544, %mul3A_545 : i32
        %add3A_547 = arith.addi %mul3A_546, %arg1 : i32
        %lt3A_548 = arith.constant 50 : i32
        %lt3A_549 = arith.cmpi slt, %add3A_547, %lt3A_548 : i32
        %convert_element_type3A_550 = arith.extui %lt3A_549 : i1 to i32
        %cond3A_551 = arith.constant 0 : i32
        %cond3A_552 = arith.cmpi ne, %convert_element_type3A_550, %cond3A_551 : i32
        scf.if %cond3A_552 {
          %add3A_578 = arith.constant 1 : i32
          %add3A_579 = arith.addi %add3A_494, %add3A_578 : i32
          %sub3A_580 = arith.constant 1 : i32
          %sub3A_581 = arith.subi %sub3A_580, %rem3A_504 : i32
          %mul3A_582 = arith.constant 16 : i32
          %mul3A_583 = arith.muli %add3A_579, %mul3A_582 : i32
          %add3A_584 = arith.addi %mul3A_583, %arg1 : i32
          %mul3A_585 = arith.constant 200 : i32
          %mul3A_586 = arith.muli %add3A_584, %mul3A_585 : i32
          %dma_start3A_587 = arith.constant 0 : i32
          %dma_start3A_588 = arith.constant 0 : i32
          %dma_start3A_589 = tpu.memref_slice %arg11[%sub3A_581, %dma_start3A_587, %dma_start3A_588] : memref<2x200x32xi32, #tpu.memory_space<vmem>> -> memref<1x200x32xi32, #tpu.memory_space<vmem>>
          %dma_start3A_590 = tpu.memref_squeeze %dma_start3A_589 : memref<1x200x32xi32, #tpu.memory_space<vmem>> -> memref<200x32xi32, #tpu.memory_space<vmem>>
          %dma_start3A_591 = arith.constant 0 : i32
          %dma_start3A_592 = tpu.memref_slice %arg3[%mul3A_586, %dma_start3A_591] : memref<10000x32xi32, #tpu.memory_space<hbm>> -> memref<200x32xi32, #tpu.memory_space<hbm>>
          %dma_start3A_593 = tpu.memref_slice %arg23[%sub3A_581] : memref<2x!tpu.dma_semaphore, #tpu.memory_space<semaphore_mem>> -> memref<1x!tpu.dma_semaphore, #tpu.memory_space<semaphore_mem>>
          %dma_start3A_594 = tpu.memref_squeeze %dma_start3A_593 : memref<1x!tpu.dma_semaphore, #tpu.memory_space<semaphore_mem>> -> memref<!tpu.dma_semaphore, #tpu.memory_space<semaphore_mem>>
          %dma_start3A_595 = arith.constant 0 : i32
          %dma_start3A_596 = arith.constant 0 : i32
          %dma_start3A_597 = tpu.memref_slice %arg11[%sub3A_581, %dma_start3A_595, %dma_start3A_596] : memref<2x200x32xi32, #tpu.memory_space<vmem>> -> memref<1x200x32xi32, #tpu.memory_space<vmem>>
          %dma_start3A_598 = tpu.memref_squeeze %dma_start3A_597 : memref<1x200x32xi32, #tpu.memory_space<vmem>> -> memref<200x32xi32, #tpu.memory_space<vmem>>
          %dma_start3A_599 = arith.constant 0 : i32
          %dma_start3A_600 = tpu.memref_slice %arg3[%mul3A_586, %dma_start3A_599] : memref<10000x32xi32, #tpu.memory_space<hbm>> -> memref<200x32xi32, #tpu.memory_space<hbm>>
          tpu.enqueue_dma source(%dma_start3A_600 : memref<200x32xi32, #tpu.memory_space<hbm>>) target(%dma_start3A_598 : memref<200x32xi32, #tpu.memory_space<vmem>>) target_semaphore(%dma_start3A_594 : memref<!tpu.dma_semaphore, #tpu.memory_space<semaphore_mem>>)
          %add3A_601 = arith.constant 1 : i32
          %add3A_602 = arith.addi %add3A_494, %add3A_601 : i32
          %sub3A_603 = arith.constant 1 : i32
          %sub3A_604 = arith.subi %sub3A_603, %rem3A_504 : i32
          %mul3A_605 = arith.constant 16 : i32
          %mul3A_606 = arith.muli %add3A_602, %mul3A_605 : i32
          %add3A_607 = arith.addi %mul3A_606, %arg1 : i32
          %mul3A_608 = arith.constant 200 : i32
          %mul3A_609 = arith.muli %add3A_607, %mul3A_608 : i32
          %dma_start3A_610 = arith.constant 0 : i32
          %dma_start3A_611 = arith.constant 0 : i32
          %dma_start3A_612 = tpu.memref_slice %arg12[%sub3A_604, %dma_start3A_610, %dma_start3A_611] : memref<2x200x32xf32, #tpu.memory_space<vmem>> -> memref<1x200x32xf32, #tpu.memory_space<vmem>>
          %dma_start3A_613 = tpu.memref_squeeze %dma_start3A_612 : memref<1x200x32xf32, #tpu.memory_space<vmem>> -> memref<200x32xf32, #tpu.memory_space<vmem>>
          %dma_start3A_614 = arith.constant 0 : i32
          %dma_start3A_615 = tpu.memref_slice %arg2[%mul3A_609, %dma_start3A_614] : memref<10000x32xf32, #tpu.memory_space<hbm>> -> memref<200x32xf32, #tpu.memory_space<hbm>>
          %dma_start3A_616 = tpu.memref_slice %arg24[%sub3A_604] : memref<2x!tpu.dma_semaphore, #tpu.memory_space<semaphore_mem>> -> memref<1x!tpu.dma_semaphore, #tpu.memory_space<semaphore_mem>>
          %dma_start3A_617 = tpu.memref_squeeze %dma_start3A_616 : memref<1x!tpu.dma_semaphore, #tpu.memory_space<semaphore_mem>> -> memref<!tpu.dma_semaphore, #tpu.memory_space<semaphore_mem>>
          %dma_start3A_618 = arith.constant 0 : i32
          %dma_start3A_619 = arith.constant 0 : i32
          %dma_start3A_620 = tpu.memref_slice %arg12[%sub3A_604, %dma_start3A_618, %dma_start3A_619] : memref<2x200x32xf32, #tpu.memory_space<vmem>> -> memref<1x200x32xf32, #tpu.memory_space<vmem>>
          %dma_start3A_621 = tpu.memref_squeeze %dma_start3A_620 : memref<1x200x32xf32, #tpu.memory_space<vmem>> -> memref<200x32xf32, #tpu.memory_space<vmem>>
          %dma_start3A_622 = arith.constant 0 : i32
          %dma_start3A_623 = tpu.memref_slice %arg2[%mul3A_609, %dma_start3A_622] : memref<10000x32xf32, #tpu.memory_space<hbm>> -> memref<200x32xf32, #tpu.memory_space<hbm>>
          tpu.enqueue_dma source(%dma_start3A_623 : memref<200x32xf32, #tpu.memory_space<hbm>>) target(%dma_start3A_621 : memref<200x32xf32, #tpu.memory_space<vmem>>) target_semaphore(%dma_start3A_617 : memref<!tpu.dma_semaphore, #tpu.memory_space<semaphore_mem>>)
        } else {
        }
        %ge3A_553 = arith.constant 2 : i32
        %ge3A_554 = arith.cmpi sge, %add3A_494, %ge3A_553 : i32
        %convert_element_type3A_555 = arith.extui %ge3A_554 : i1 to i32
        %cond3A_556 = arith.constant 0 : i32
        %cond3A_557 = arith.cmpi ne, %convert_element_type3A_555, %cond3A_556 : i32
        scf.if %cond3A_557 {
          %mul3A_578 = arith.constant 200 : i32
          %mul3A_579 = arith.muli %arg1, %mul3A_578 : i32
          %dma_wait3A_580 = arith.constant 0 : i32
          %dma_wait3A_581 = arith.constant 0 : i32
          %dma_wait3A_582 = tpu.memref_slice %arg10[%rem3A_504, %dma_wait3A_580, %dma_wait3A_581] : memref<2x200x64xf32, #tpu.memory_space<vmem>> -> memref<1x200x64xf32, #tpu.memory_space<vmem>>
          %dma_wait3A_583 = tpu.memref_squeeze %dma_wait3A_582 : memref<1x200x64xf32, #tpu.memory_space<vmem>> -> memref<200x64xf32, #tpu.memory_space<vmem>>
          %dma_wait3A_584 = arith.constant 0 : i32
          %dma_wait3A_585 = tpu.memref_slice %arg8[%mul3A_579, %dma_wait3A_584] : memref<10000x64xf32, #tpu.memory_space<vmem_shared>> -> memref<200x64xf32, #tpu.memory_space<vmem_shared>>
          %dma_wait3A_586 = tpu.memref_slice %arg25[%rem3A_504] : memref<2x!tpu.dma_semaphore, #tpu.memory_space<semaphore_mem>> -> memref<1x!tpu.dma_semaphore, #tpu.memory_space<semaphore_mem>>
          %dma_wait3A_587 = tpu.memref_squeeze %dma_wait3A_586 : memref<1x!tpu.dma_semaphore, #tpu.memory_space<semaphore_mem>> -> memref<!tpu.dma_semaphore, #tpu.memory_space<semaphore_mem>>
          %dma_wait3A_588 = arith.constant 0 : i32
          %dma_wait3A_589 = arith.constant 0 : i32
          %dma_wait3A_590 = tpu.memref_slice %arg10[%rem3A_504, %dma_wait3A_588, %dma_wait3A_589] : memref<2x200x64xf32, #tpu.memory_space<vmem>> -> memref<1x200x64xf32, #tpu.memory_space<vmem>>
          %dma_wait3A_591 = tpu.memref_squeeze %dma_wait3A_590 : memref<1x200x64xf32, #tpu.memory_space<vmem>> -> memref<200x64xf32, #tpu.memory_space<vmem>>
          %dma_wait3A_592 = arith.constant 0 : i32
          %dma_wait3A_593 = tpu.memref_slice %arg8[%mul3A_579, %dma_wait3A_592] : memref<10000x64xf32, #tpu.memory_space<vmem_shared>> -> memref<200x64xf32, #tpu.memory_space<vmem_shared>>
          tpu.wait_dma2 semaphore(%dma_wait3A_587 : memref<!tpu.dma_semaphore, #tpu.memory_space<semaphore_mem>>) src(%dma_wait3A_593 : memref<200x64xf32, #tpu.memory_space<vmem_shared>>) dst(%dma_wait3A_591 : memref<200x64xf32, #tpu.memory_space<vmem>>)
        } else {
        }
        %scan3A_558 = arith.constant 0 : i32
        %scan3A_559 = arith.constant 200 : i32
        %scan3A_560 = arith.addi %scan3A_558, %scan3A_559 : i32
        %scan3A_561 = arith.constant 4 : i32
        scf.for %scan3A_578 = %scan3A_558 to %scan3A_560 step %scan3A_561  : i32 {
          %mul3A_579 = arith.constant 1 : i32
          %mul3A_580 = arith.muli %scan3A_578, %mul3A_579 : i32
          %add3A_581 = arith.constant 0 : i32
          %add3A_582 = arith.addi %add3A_581, %mul3A_580 : i32
          %broadcast_in_dim3A_583 = vector.broadcast %add3A_582 : i32 to vector<16xi32>
          %get3A = arith.index_cast %rem3A_504 : i32 to index
          %get3A_584 = arith.index_cast %add3A_582 : i32 to index
          %get3A_585 = arith.constant 0 : index
          %get3A_586 = tpu.vector_load %arg11[%get3A, %get3A_584, %get3A_585] {strides = array<i32>} : memref<2x200x32xi32, #tpu.memory_space<vmem>>, vector<16xi32>,
          %sub3A_587 = vector.broadcast %mul3A_29 : i32 to vector<16xi32>
          %sub3A_588 = arith.subi %get3A_586, %sub3A_587 : vector<16xi32>
          %get3A_589 = arith.index_cast %rem3A_504 : i32 to index
          %get3A_590 = arith.index_cast %add3A_582 : i32 to index
          %get3A_591 = arith.constant 0 : index
          %get3A_592 = tpu.vector_load %arg12[%get3A_589, %get3A_590, %get3A_591] {strides = array<i32>} : memref<2x200x32xf32, #tpu.memory_space<vmem>>, vector<16xf32>,
          %ge3A_593 = arith.constant 0 : i32
          %ge3A_594 = vector.broadcast %ge3A_593 : i32 to vector<16xi32>
          %ge3A_595 = arith.cmpi sge, %sub3A_588, %ge3A_594 : vector<16xi32>
          %lt3A_596 = arith.constant 64 : i32
          %lt3A_597 = vector.broadcast %lt3A_596 : i32 to vector<16xi32>
          %lt3A_598 = arith.cmpi slt, %sub3A_588, %lt3A_597 : vector<16xi32>
          %and3A_599 = arith.andi %ge3A_595, %lt3A_598 : vector<16xi1>
          %scatter3A = arith.constant 0 : i32
          %scatter3A_600 = arith.constant 0 : i32
          %scatter3A_601 = tpu.memref_slice %arg10[%rem3A_504, %scatter3A, %scatter3A_600] : memref<2x200x64xf32, #tpu.memory_space<vmem>> -> memref<1x200x64xf32, #tpu.memory_space<vmem>>
          %scatter3A_602 = tpu.memref_squeeze %scatter3A_601 : memref<1x200x64xf32, #tpu.memory_space<vmem>> -> memref<200x64xf32, #tpu.memory_space<vmem>>
          tpu.vector_store_idx %scatter3A_602[%broadcast_in_dim3A_583, %sub3A_588], %get3A_592 masked %and3A_599 : memref<200x64xf32, #tpu.memory_space<vmem>>[vector<16xi32>, vector<16xi32>], vector<16xf32>, vector<16xi1>
          %get3A_603 = arith.index_cast %rem3A_504 : i32 to index
          %get3A_604 = arith.index_cast %add3A_582 : i32 to index
          %get3A_605 = arith.constant 16 : index
          %get3A_606 = tpu.vector_load %arg11[%get3A_603, %get3A_604, %get3A_605] {strides = array<i32>} : memref<2x200x32xi32, #tpu.memory_space<vmem>>, vector<16xi32>,
          %sub3A_607 = vector.broadcast %mul3A_29 : i32 to vector<16xi32>
          %sub3A_608 = arith.subi %get3A_606, %sub3A_607 : vector<16xi32>
          %get3A_609 = arith.index_cast %rem3A_504 : i32 to index
          %get3A_610 = arith.index_cast %add3A_582 : i32 to index
          %get3A_611 = arith.constant 16 : index
          %get3A_612 = tpu.vector_load %arg12[%get3A_609, %get3A_610, %get3A_611] {strides = array<i32>} : memref<2x200x32xf32, #tpu.memory_space<vmem>>, vector<16xf32>,
          %ge3A_613 = arith.constant 0 : i32
          %ge3A_614 = vector.broadcast %ge3A_613 : i32 to vector<16xi32>
          %ge3A_615 = arith.cmpi sge, %sub3A_608, %ge3A_614 : vector<16xi32>
          %lt3A_616 = arith.constant 64 : i32
          %lt3A_617 = vector.broadcast %lt3A_616 : i32 to vector<16xi32>
          %lt3A_618 = arith.cmpi slt, %sub3A_608, %lt3A_617 : vector<16xi32>
          %and3A_619 = arith.andi %ge3A_615, %lt3A_618 : vector<16xi1>
          %scatter3A_620 = arith.constant 0 : i32
          %scatter3A_621 = arith.constant 0 : i32
          %scatter3A_622 = tpu.memref_slice %arg10[%rem3A_504, %scatter3A_620, %scatter3A_621] : memref<2x200x64xf32, #tpu.memory_space<vmem>> -> memref<1x200x64xf32, #tpu.memory_space<vmem>>
          %scatter3A_623 = tpu.memref_squeeze %scatter3A_622 : memref<1x200x64xf32, #tpu.memory_space<vmem>> -> memref<200x64xf32, #tpu.memory_space<vmem>>
          tpu.vector_store_idx %scatter3A_623[%broadcast_in_dim3A_583, %sub3A_608], %get3A_612 masked %and3A_619 : memref<200x64xf32, #tpu.memory_space<vmem>>[vector<16xi32>, vector<16xi32>], vector<16xf32>, vector<16xi1>
          %scan3A_624 = arith.constant 1 : i32
          %scan3A_625 = arith.addi %scan3A_578, %scan3A_624 : i32
          %mul3A_626 = arith.constant 1 : i32
          %mul3A_627 = arith.muli %scan3A_625, %mul3A_626 : i32
          %add3A_628 = arith.constant 0 : i32
          %add3A_629 = arith.addi %add3A_628, %mul3A_627 : i32
          %broadcast_in_dim3A_630 = vector.broadcast %add3A_629 : i32 to vector<16xi32>
          %get3A_631 = arith.index_cast %rem3A_504 : i32 to index
          %get3A_632 = arith.index_cast %add3A_629 : i32 to index
          %get3A_633 = arith.constant 0 : index
          %get3A_634 = tpu.vector_load %arg11[%get3A_631, %get3A_632, %get3A_633] {strides = array<i32>} : memref<2x200x32xi32, #tpu.memory_space<vmem>>, vector<16xi32>,
          %sub3A_635 = vector.broadcast %mul3A_29 : i32 to vector<16xi32>
          %sub3A_636 = arith.subi %get3A_634, %sub3A_635 : vector<16xi32>
          %get3A_637 = arith.index_cast %rem3A_504 : i32 to index
          %get3A_638 = arith.index_cast %add3A_629 : i32 to index
          %get3A_639 = arith.constant 0 : index
          %get3A_640 = tpu.vector_load %arg12[%get3A_637, %get3A_638, %get3A_639] {strides = array<i32>} : memref<2x200x32xf32, #tpu.memory_space<vmem>>, vector<16xf32>,
          %ge3A_641 = arith.constant 0 : i32
          %ge3A_642 = vector.broadcast %ge3A_641 : i32 to vector<16xi32>
          %ge3A_643 = arith.cmpi sge, %sub3A_636, %ge3A_642 : vector<16xi32>
          %lt3A_644 = arith.constant 64 : i32
          %lt3A_645 = vector.broadcast %lt3A_644 : i32 to vector<16xi32>
          %lt3A_646 = arith.cmpi slt, %sub3A_636, %lt3A_645 : vector<16xi32>
          %and3A_647 = arith.andi %ge3A_643, %lt3A_646 : vector<16xi1>
          %scatter3A_648 = arith.constant 0 : i32
          %scatter3A_649 = arith.constant 0 : i32
          %scatter3A_650 = tpu.memref_slice %arg10[%rem3A_504, %scatter3A_648, %scatter3A_649] : memref<2x200x64xf32, #tpu.memory_space<vmem>> -> memref<1x200x64xf32, #tpu.memory_space<vmem>>
          %scatter3A_651 = tpu.memref_squeeze %scatter3A_650 : memref<1x200x64xf32, #tpu.memory_space<vmem>> -> memref<200x64xf32, #tpu.memory_space<vmem>>
          tpu.vector_store_idx %scatter3A_651[%broadcast_in_dim3A_630, %sub3A_636], %get3A_640 masked %and3A_647 : memref<200x64xf32, #tpu.memory_space<vmem>>[vector<16xi32>, vector<16xi32>], vector<16xf32>, vector<16xi1>
          %get3A_652 = arith.index_cast %rem3A_504 : i32 to index
          %get3A_653 = arith.index_cast %add3A_629 : i32 to index
          %get3A_654 = arith.constant 16 : index
          %get3A_655 = tpu.vector_load %arg11[%get3A_652, %get3A_653, %get3A_654] {strides = array<i32>} : memref<2x200x32xi32, #tpu.memory_space<vmem>>, vector<16xi32>,
          %sub3A_656 = vector.broadcast %mul3A_29 : i32 to vector<16xi32>
          %sub3A_657 = arith.subi %get3A_655, %sub3A_656 : vector<16xi32>
          %get3A_658 = arith.index_cast %rem3A_504 : i32 to index
          %get3A_659 = arith.index_cast %add3A_629 : i32 to index
          %get3A_660 = arith.constant 16 : index
          %get3A_661 = tpu.vector_load %arg12[%get3A_658, %get3A_659, %get3A_660] {strides = array<i32>} : memref<2x200x32xf32, #tpu.memory_space<vmem>>, vector<16xf32>,
          %ge3A_662 = arith.constant 0 : i32
          %ge3A_663 = vector.broadcast %ge3A_662 : i32 to vector<16xi32>
          %ge3A_664 = arith.cmpi sge, %sub3A_657, %ge3A_663 : vector<16xi32>
          %lt3A_665 = arith.constant 64 : i32
          %lt3A_666 = vector.broadcast %lt3A_665 : i32 to vector<16xi32>
          %lt3A_667 = arith.cmpi slt, %sub3A_657, %lt3A_666 : vector<16xi32>
          %and3A_668 = arith.andi %ge3A_664, %lt3A_667 : vector<16xi1>
          %scatter3A_669 = arith.constant 0 : i32
          %scatter3A_670 = arith.constant 0 : i32
          %scatter3A_671 = tpu.memref_slice %arg10[%rem3A_504, %scatter3A_669, %scatter3A_670] : memref<2x200x64xf32, #tpu.memory_space<vmem>> -> memref<1x200x64xf32, #tpu.memory_space<vmem>>
          %scatter3A_672 = tpu.memref_squeeze %scatter3A_671 : memref<1x200x64xf32, #tpu.memory_space<vmem>> -> memref<200x64xf32, #tpu.memory_space<vmem>>
          tpu.vector_store_idx %scatter3A_672[%broadcast_in_dim3A_630, %sub3A_657], %get3A_661 masked %and3A_668 : memref<200x64xf32, #tpu.memory_space<vmem>>[vector<16xi32>, vector<16xi32>], vector<16xf32>, vector<16xi1>
          %scan3A_673 = arith.constant 2 : i32
          %scan3A_674 = arith.addi %scan3A_578, %scan3A_673 : i32
          %mul3A_675 = arith.constant 1 : i32
          %mul3A_676 = arith.muli %scan3A_674, %mul3A_675 : i32
          %add3A_677 = arith.constant 0 : i32
          %add3A_678 = arith.addi %add3A_677, %mul3A_676 : i32
          %broadcast_in_dim3A_679 = vector.broadcast %add3A_678 : i32 to vector<16xi32>
          %get3A_680 = arith.index_cast %rem3A_504 : i32 to index
          %get3A_681 = arith.index_cast %add3A_678 : i32 to index
          %get3A_682 = arith.constant 0 : index
          %get3A_683 = tpu.vector_load %arg11[%get3A_680, %get3A_681, %get3A_682] {strides = array<i32>} : memref<2x200x32xi32, #tpu.memory_space<vmem>>, vector<16xi32>,
          %sub3A_684 = vector.broadcast %mul3A_29 : i32 to vector<16xi32>
          %sub3A_685 = arith.subi %get3A_683, %sub3A_684 : vector<16xi32>
          %get3A_686 = arith.index_cast %rem3A_504 : i32 to index
          %get3A_687 = arith.index_cast %add3A_678 : i32 to index
          %get3A_688 = arith.constant 0 : index
          %get3A_689 = tpu.vector_load %arg12[%get3A_686, %get3A_687, %get3A_688] {strides = array<i32>} : memref<2x200x32xf32, #tpu.memory_space<vmem>>, vector<16xf32>,
          %ge3A_690 = arith.constant 0 : i32
          %ge3A_691 = vector.broadcast %ge3A_690 : i32 to vector<16xi32>
          %ge3A_692 = arith.cmpi sge, %sub3A_685, %ge3A_691 : vector<16xi32>
          %lt3A_693 = arith.constant 64 : i32
          %lt3A_694 = vector.broadcast %lt3A_693 : i32 to vector<16xi32>
          %lt3A_695 = arith.cmpi slt, %sub3A_685, %lt3A_694 : vector<16xi32>
          %and3A_696 = arith.andi %ge3A_692, %lt3A_695 : vector<16xi1>
          %scatter3A_697 = arith.constant 0 : i32
          %scatter3A_698 = arith.constant 0 : i32
          %scatter3A_699 = tpu.memref_slice %arg10[%rem3A_504, %scatter3A_697, %scatter3A_698] : memref<2x200x64xf32, #tpu.memory_space<vmem>> -> memref<1x200x64xf32, #tpu.memory_space<vmem>>
          %scatter3A_700 = tpu.memref_squeeze %scatter3A_699 : memref<1x200x64xf32, #tpu.memory_space<vmem>> -> memref<200x64xf32, #tpu.memory_space<vmem>>
          tpu.vector_store_idx %scatter3A_700[%broadcast_in_dim3A_679, %sub3A_685], %get3A_689 masked %and3A_696 : memref<200x64xf32, #tpu.memory_space<vmem>>[vector<16xi32>, vector<16xi32>], vector<16xf32>, vector<16xi1>
          %get3A_701 = arith.index_cast %rem3A_504 : i32 to index
          %get3A_702 = arith.index_cast %add3A_678 : i32 to index
          %get3A_703 = arith.constant 16 : index
          %get3A_704 = tpu.vector_load %arg11[%get3A_701, %get3A_702, %get3A_703] {strides = array<i32>} : memref<2x200x32xi32, #tpu.memory_space<vmem>>, vector<16xi32>,
          %sub3A_705 = vector.broadcast %mul3A_29 : i32 to vector<16xi32>
          %sub3A_706 = arith.subi %get3A_704, %sub3A_705 : vector<16xi32>
          %get3A_707 = arith.index_cast %rem3A_504 : i32 to index
          %get3A_708 = arith.index_cast %add3A_678 : i32 to index
          %get3A_709 = arith.constant 16 : index
          %get3A_710 = tpu.vector_load %arg12[%get3A_707, %get3A_708, %get3A_709] {strides = array<i32>} : memref<2x200x32xf32, #tpu.memory_space<vmem>>, vector<16xf32>,
          %ge3A_711 = arith.constant 0 : i32
          %ge3A_712 = vector.broadcast %ge3A_711 : i32 to vector<16xi32>
          %ge3A_713 = arith.cmpi sge, %sub3A_706, %ge3A_712 : vector<16xi32>
          %lt3A_714 = arith.constant 64 : i32
          %lt3A_715 = vector.broadcast %lt3A_714 : i32 to vector<16xi32>
          %lt3A_716 = arith.cmpi slt, %sub3A_706, %lt3A_715 : vector<16xi32>
          %and3A_717 = arith.andi %ge3A_713, %lt3A_716 : vector<16xi1>
          %scatter3A_718 = arith.constant 0 : i32
          %scatter3A_719 = arith.constant 0 : i32
          %scatter3A_720 = tpu.memref_slice %arg10[%rem3A_504, %scatter3A_718, %scatter3A_719] : memref<2x200x64xf32, #tpu.memory_space<vmem>> -> memref<1x200x64xf32, #tpu.memory_space<vmem>>
          %scatter3A_721 = tpu.memref_squeeze %scatter3A_720 : memref<1x200x64xf32, #tpu.memory_space<vmem>> -> memref<200x64xf32, #tpu.memory_space<vmem>>
          tpu.vector_store_idx %scatter3A_721[%broadcast_in_dim3A_679, %sub3A_706], %get3A_710 masked %and3A_717 : memref<200x64xf32, #tpu.memory_space<vmem>>[vector<16xi32>, vector<16xi32>], vector<16xf32>, vector<16xi1>
          %scan3A_722 = arith.constant 3 : i32
          %scan3A_723 = arith.addi %scan3A_578, %scan3A_722 : i32
          %mul3A_724 = arith.constant 1 : i32
          %mul3A_725 = arith.muli %scan3A_723, %mul3A_724 : i32
          %add3A_726 = arith.constant 0 : i32
          %add3A_727 = arith.addi %add3A_726, %mul3A_725 : i32
          %broadcast_in_dim3A_728 = vector.broadcast %add3A_727 : i32 to vector<16xi32>
          %get3A_729 = arith.index_cast %rem3A_504 : i32 to index
          %get3A_730 = arith.index_cast %add3A_727 : i32 to index
          %get3A_731 = arith.constant 0 : index
          %get3A_732 = tpu.vector_load %arg11[%get3A_729, %get3A_730, %get3A_731] {strides = array<i32>} : memref<2x200x32xi32, #tpu.memory_space<vmem>>, vector<16xi32>,
          %sub3A_733 = vector.broadcast %mul3A_29 : i32 to vector<16xi32>
          %sub3A_734 = arith.subi %get3A_732, %sub3A_733 : vector<16xi32>
          %get3A_735 = arith.index_cast %rem3A_504 : i32 to index
          %get3A_736 = arith.index_cast %add3A_727 : i32 to index
          %get3A_737 = arith.constant 0 : index
          %get3A_738 = tpu.vector_load %arg12[%get3A_735, %get3A_736, %get3A_737] {strides = array<i32>} : memref<2x200x32xf32, #tpu.memory_space<vmem>>, vector<16xf32>,
          %ge3A_739 = arith.constant 0 : i32
          %ge3A_740 = vector.broadcast %ge3A_739 : i32 to vector<16xi32>
          %ge3A_741 = arith.cmpi sge, %sub3A_734, %ge3A_740 : vector<16xi32>
          %lt3A_742 = arith.constant 64 : i32
          %lt3A_743 = vector.broadcast %lt3A_742 : i32 to vector<16xi32>
          %lt3A_744 = arith.cmpi slt, %sub3A_734, %lt3A_743 : vector<16xi32>
          %and3A_745 = arith.andi %ge3A_741, %lt3A_744 : vector<16xi1>
          %scatter3A_746 = arith.constant 0 : i32
          %scatter3A_747 = arith.constant 0 : i32
          %scatter3A_748 = tpu.memref_slice %arg10[%rem3A_504, %scatter3A_746, %scatter3A_747] : memref<2x200x64xf32, #tpu.memory_space<vmem>> -> memref<1x200x64xf32, #tpu.memory_space<vmem>>
          %scatter3A_749 = tpu.memref_squeeze %scatter3A_748 : memref<1x200x64xf32, #tpu.memory_space<vmem>> -> memref<200x64xf32, #tpu.memory_space<vmem>>
          tpu.vector_store_idx %scatter3A_749[%broadcast_in_dim3A_728, %sub3A_734], %get3A_738 masked %and3A_745 : memref<200x64xf32, #tpu.memory_space<vmem>>[vector<16xi32>, vector<16xi32>], vector<16xf32>, vector<16xi1>
          %get3A_750 = arith.index_cast %rem3A_504 : i32 to index
          %get3A_751 = arith.index_cast %add3A_727 : i32 to index
          %get3A_752 = arith.constant 16 : index
          %get3A_753 = tpu.vector_load %arg11[%get3A_750, %get3A_751, %get3A_752] {strides = array<i32>} : memref<2x200x32xi32, #tpu.memory_space<vmem>>, vector<16xi32>,
          %sub3A_754 = vector.broadcast %mul3A_29 : i32 to vector<16xi32>
          %sub3A_755 = arith.subi %get3A_753, %sub3A_754 : vector<16xi32>
          %get3A_756 = arith.index_cast %rem3A_504 : i32 to index
          %get3A_757 = arith.index_cast %add3A_727 : i32 to index
          %get3A_758 = arith.constant 16 : index
          %get3A_759 = tpu.vector_load %arg12[%get3A_756, %get3A_757, %get3A_758] {strides = array<i32>} : memref<2x200x32xf32, #tpu.memory_space<vmem>>, vector<16xf32>,
          %ge3A_760 = arith.constant 0 : i32
          %ge3A_761 = vector.broadcast %ge3A_760 : i32 to vector<16xi32>
          %ge3A_762 = arith.cmpi sge, %sub3A_755, %ge3A_761 : vector<16xi32>
          %lt3A_763 = arith.constant 64 : i32
          %lt3A_764 = vector.broadcast %lt3A_763 : i32 to vector<16xi32>
          %lt3A_765 = arith.cmpi slt, %sub3A_755, %lt3A_764 : vector<16xi32>
          %and3A_766 = arith.andi %ge3A_762, %lt3A_765 : vector<16xi1>
          %scatter3A_767 = arith.constant 0 : i32
          %scatter3A_768 = arith.constant 0 : i32
          %scatter3A_769 = tpu.memref_slice %arg10[%rem3A_504, %scatter3A_767, %scatter3A_768] : memref<2x200x64xf32, #tpu.memory_space<vmem>> -> memref<1x200x64xf32, #tpu.memory_space<vmem>>
          %scatter3A_770 = tpu.memref_squeeze %scatter3A_769 : memref<1x200x64xf32, #tpu.memory_space<vmem>> -> memref<200x64xf32, #tpu.memory_space<vmem>>
          tpu.vector_store_idx %scatter3A_770[%broadcast_in_dim3A_728, %sub3A_755], %get3A_759 masked %and3A_766 : memref<200x64xf32, #tpu.memory_space<vmem>>[vector<16xi32>, vector<16xi32>], vector<16xf32>, vector<16xi1>
        }
        %scan3A_562 = arith.constant 200 : i32
        %mul3A_563 = arith.constant 16 : i32
        %mul3A_564 = arith.muli %add3A_494, %mul3A_563 : i32
        %add3A_565 = arith.addi %mul3A_564, %arg1 : i32
        %mul3A_566 = arith.constant 200 : i32
        %mul3A_567 = arith.muli %add3A_565, %mul3A_566 : i32
        "tpu.region"() ({
          %run_scoped3A = tpu.sem_alloc : memref<!tpu.dma_semaphore, #tpu.memory_space<semaphore_mem>>
          %dma_start3A_578 = arith.constant 0 : i32
          %dma_start3A_579 = arith.constant 0 : i32
          %dma_start3A_580 = tpu.memref_slice %arg10[%rem3A_504, %dma_start3A_578, %dma_start3A_579] : memref<2x200x64xf32, #tpu.memory_space<vmem>> -> memref<1x200x64xf32, #tpu.memory_space<vmem>>
          %dma_start3A_581 = tpu.memref_squeeze %dma_start3A_580 : memref<1x200x64xf32, #tpu.memory_space<vmem>> -> memref<200x64xf32, #tpu.memory_space<vmem>>
          %dma_start3A_582 = arith.constant 0 : i32
          %dma_start3A_583 = arith.constant 0 : i32
          %dma_start3A_584 = tpu.memref_slice %arg7[%arg0, %dma_start3A_582, %dma_start3A_583] : memref<2x10000x64xf32, #tpu.memory_space<hbm>> -> memref<1x10000x64xf32, #tpu.memory_space<hbm>>
          %dma_start3A_585 = tpu.memref_squeeze %dma_start3A_584 : memref<1x10000x64xf32, #tpu.memory_space<hbm>> -> memref<10000x64xf32, #tpu.memory_space<hbm>>
          %dma_start3A_586 = arith.constant 0 : i32
          %dma_start3A_587 = tpu.memref_slice %dma_start3A_585[%mul3A_567, %dma_start3A_586] : memref<10000x64xf32, #tpu.memory_space<hbm>> -> memref<200x64xf32, #tpu.memory_space<hbm>>
          %dma_start3A_588 = arith.constant 0 : i32
          %dma_start3A_589 = arith.constant 0 : i32
          %dma_start3A_590 = tpu.memref_slice %arg7[%arg0, %dma_start3A_588, %dma_start3A_589] : memref<2x10000x64xf32, #tpu.memory_space<hbm>> -> memref<1x10000x64xf32, #tpu.memory_space<hbm>>
          %dma_start3A_591 = tpu.memref_squeeze %dma_start3A_590 : memref<1x10000x64xf32, #tpu.memory_space<hbm>> -> memref<10000x64xf32, #tpu.memory_space<hbm>>
          %dma_start3A_592 = arith.constant 0 : i32
          %dma_start3A_593 = tpu.memref_slice %dma_start3A_591[%mul3A_567, %dma_start3A_592] : memref<10000x64xf32, #tpu.memory_space<hbm>> -> memref<200x64xf32, #tpu.memory_space<hbm>>
          %dma_start3A_594 = arith.constant 0 : i32
          %dma_start3A_595 = arith.constant 0 : i32
          %dma_start3A_596 = tpu.memref_slice %arg10[%rem3A_504, %dma_start3A_594, %dma_start3A_595] : memref<2x200x64xf32, #tpu.memory_space<vmem>> -> memref<1x200x64xf32, #tpu.memory_space<vmem>>
          %dma_start3A_597 = tpu.memref_squeeze %dma_start3A_596 : memref<1x200x64xf32, #tpu.memory_space<vmem>> -> memref<200x64xf32, #tpu.memory_space<vmem>>
          tpu.enqueue_dma source(%dma_start3A_597 : memref<200x64xf32, #tpu.memory_space<vmem>>) target(%dma_start3A_593 : memref<200x64xf32, #tpu.memory_space<hbm>>) target_semaphore(%run_scoped3A : memref<!tpu.dma_semaphore, #tpu.memory_space<semaphore_mem>>)
          %dma_wait3A_598 = arith.constant 0 : i32
          %dma_wait3A_599 = arith.constant 0 : i32
          %dma_wait3A_600 = tpu.memref_slice %arg10[%rem3A_504, %dma_wait3A_598, %dma_wait3A_599] : memref<2x200x64xf32, #tpu.memory_space<vmem>> -> memref<1x200x64xf32, #tpu.memory_space<vmem>>
          %dma_wait3A_601 = tpu.memref_squeeze %dma_wait3A_600 : memref<1x200x64xf32, #tpu.memory_space<vmem>> -> memref<200x64xf32, #tpu.memory_space<vmem>>
          %dma_wait3A_602 = arith.constant 0 : i32
          %dma_wait3A_603 = arith.constant 0 : i32
          %dma_wait3A_604 = tpu.memref_slice %arg7[%arg0, %dma_wait3A_602, %dma_wait3A_603] : memref<2x10000x64xf32, #tpu.memory_space<hbm>> -> memref<1x10000x64xf32, #tpu.memory_space<hbm>>
          %dma_wait3A_605 = tpu.memref_squeeze %dma_wait3A_604 : memref<1x10000x64xf32, #tpu.memory_space<hbm>> -> memref<10000x64xf32, #tpu.memory_space<hbm>>
          %dma_wait3A_606 = arith.constant 0 : i32
          %dma_wait3A_607 = tpu.memref_slice %dma_wait3A_605[%mul3A_567, %dma_wait3A_606] : memref<10000x64xf32, #tpu.memory_space<hbm>> -> memref<200x64xf32, #tpu.memory_space<hbm>>
          %dma_wait3A_608 = arith.constant 0 : i32
          %dma_wait3A_609 = arith.constant 0 : i32
          %dma_wait3A_610 = tpu.memref_slice %arg7[%arg0, %dma_wait3A_608, %dma_wait3A_609] : memref<2x10000x64xf32, #tpu.memory_space<hbm>> -> memref<1x10000x64xf32, #tpu.memory_space<hbm>>
          %dma_wait3A_611 = tpu.memref_squeeze %dma_wait3A_610 : memref<1x10000x64xf32, #tpu.memory_space<hbm>> -> memref<10000x64xf32, #tpu.memory_space<hbm>>
          %dma_wait3A_612 = arith.constant 0 : i32
          %dma_wait3A_613 = tpu.memref_slice %dma_wait3A_611[%mul3A_567, %dma_wait3A_612] : memref<10000x64xf32, #tpu.memory_space<hbm>> -> memref<200x64xf32, #tpu.memory_space<hbm>>
          %dma_wait3A_614 = arith.constant 0 : i32
          %dma_wait3A_615 = arith.constant 0 : i32
          %dma_wait3A_616 = tpu.memref_slice %arg10[%rem3A_504, %dma_wait3A_614, %dma_wait3A_615] : memref<2x200x64xf32, #tpu.memory_space<vmem>> -> memref<1x200x64xf32, #tpu.memory_space<vmem>>
          %dma_wait3A_617 = tpu.memref_squeeze %dma_wait3A_616 : memref<1x200x64xf32, #tpu.memory_space<vmem>> -> memref<200x64xf32, #tpu.memory_space<vmem>>
          tpu.wait_dma2 semaphore(%run_scoped3A : memref<!tpu.dma_semaphore, #tpu.memory_space<semaphore_mem>>) src(%dma_wait3A_617 : memref<200x64xf32, #tpu.memory_space<vmem>>) dst(%dma_wait3A_613 : memref<200x64xf32, #tpu.memory_space<hbm>>)
          tpu.yield
        }) : () -> ()
        %add3A_568 = arith.constant 2 : i32
        %add3A_569 = arith.addi %add3A_494, %add3A_568 : i32
        %mul3A_570 = arith.constant 16 : i32
        %mul3A_571 = arith.muli %add3A_569, %mul3A_570 : i32
        %add3A_572 = arith.addi %mul3A_571, %arg1 : i32
        %lt3A_573 = arith.constant 50 : i32
        %lt3A_574 = arith.cmpi slt, %add3A_572, %lt3A_573 : i32
        %convert_element_type3A_575 = arith.extui %lt3A_574 : i1 to i32
        %cond3A_576 = arith.constant 0 : i32
        %cond3A_577 = arith.cmpi ne, %convert_element_type3A_575, %cond3A_576 : i32
        scf.if %cond3A_577 {
          %mul3A_578 = arith.constant 200 : i32
          %mul3A_579 = arith.muli %arg1, %mul3A_578 : i32
          %dma_start3A_580 = arith.constant 0 : i32
          %dma_start3A_581 = arith.constant 0 : i32
          %dma_start3A_582 = tpu.memref_slice %arg10[%rem3A_504, %dma_start3A_580, %dma_start3A_581] : memref<2x200x64xf32, #tpu.memory_space<vmem>> -> memref<1x200x64xf32, #tpu.memory_space<vmem>>
          %dma_start3A_583 = tpu.memref_squeeze %dma_start3A_582 : memref<1x200x64xf32, #tpu.memory_space<vmem>> -> memref<200x64xf32, #tpu.memory_space<vmem>>
          %dma_start3A_584 = arith.constant 0 : i32
          %dma_start3A_585 = tpu.memref_slice %arg8[%mul3A_579, %dma_start3A_584] : memref<10000x64xf32, #tpu.memory_space<vmem_shared>> -> memref<200x64xf32, #tpu.memory_space<vmem_shared>>
          %dma_start3A_586 = tpu.memref_slice %arg25[%rem3A_504] : memref<2x!tpu.dma_semaphore, #tpu.memory_space<semaphore_mem>> -> memref<1x!tpu.dma_semaphore, #tpu.memory_space<semaphore_mem>>
          %dma_start3A_587 = tpu.memref_squeeze %dma_start3A_586 : memref<1x!tpu.dma_semaphore, #tpu.memory_space<semaphore_mem>> -> memref<!tpu.dma_semaphore, #tpu.memory_space<semaphore_mem>>
          %dma_start3A_588 = arith.constant 0 : i32
          %dma_start3A_589 = arith.constant 0 : i32
          %dma_start3A_590 = tpu.memref_slice %arg10[%rem3A_504, %dma_start3A_588, %dma_start3A_589] : memref<2x200x64xf32, #tpu.memory_space<vmem>> -> memref<1x200x64xf32, #tpu.memory_space<vmem>>
          %dma_start3A_591 = tpu.memref_squeeze %dma_start3A_590 : memref<1x200x64xf32, #tpu.memory_space<vmem>> -> memref<200x64xf32, #tpu.memory_space<vmem>>
          %dma_start3A_592 = arith.constant 0 : i32
          %dma_start3A_593 = tpu.memref_slice %arg8[%mul3A_579, %dma_start3A_592] : memref<10000x64xf32, #tpu.memory_space<vmem_shared>> -> memref<200x64xf32, #tpu.memory_space<vmem_shared>>
          tpu.enqueue_dma source(%dma_start3A_593 : memref<200x64xf32, #tpu.memory_space<vmem_shared>>) target(%dma_start3A_591 : memref<200x64xf32, #tpu.memory_space<vmem>>) target_semaphore(%dma_start3A_587 : memref<!tpu.dma_semaphore, #tpu.memory_space<semaphore_mem>>)
        } else {
        }
      } else {
      }
    }
    %scan3A_72 = arith.constant 4 : i32
    %barrier3A = arith.constant 0 : index
    tpu.barrier barrier_id(%barrier3A)
    %mul3A_73 = arith.constant 78 : i32
    %mul3A_74 = arith.muli %arg1, %mul3A_73 : i32
    %min3A = arith.constant 2 : i32
    %min3A_75 = arith.minsi %arg1, %min3A : i32
    %add3A_76 = arith.addi %mul3A_74, %min3A_75 : i32
    %lt3A = arith.constant 2 : i32
    %lt3A_77 = arith.cmpi slt, %arg1, %lt3A : i32
    %jit3A = arith.constant 1 : i32
    %jit3A_78 = arith.constant 0 : i32
    %select_n3A = arith.select %lt3A_77, %jit3A, %jit3A_78 : i32
    %add3A_79 = arith.constant 78 : i32
    %add3A_80 = arith.addi %add3A_79, %select_n3A : i32
    %rem3A = arith.constant 0 : i32
    %rem3A_81 = arith.constant 4 : i32
    %rem3A_82 = arith.remsi %rem3A, %rem3A_81 : i32
    %add3A_83 = arith.constant 0 : i32
    %add3A_84 = arith.addi %add3A_76, %add3A_83 : i32
    %mul3A_85 = arith.constant 256 : i32
    %mul3A_86 = arith.muli %add3A_84, %mul3A_85 : i32
    %dma_start3A_87 = arith.constant 0 : i32
    %dma_start3A_88 = arith.constant 0 : i32
    %dma_start3A_89 = tpu.memref_slice %arg13[%rem3A_82, %dma_start3A_88] : memref<4x256xi32, #tpu.memory_space<vmem>> -> memref<1x256xi32, #tpu.memory_space<vmem>>
    %dma_start3A_90 = tpu.memref_squeeze %dma_start3A_89 : memref<1x256xi32, #tpu.memory_space<vmem>> -> memref<256xi32, #tpu.memory_space<vmem>>
    %dma_start3A_91 = arith.constant 0 : i32
    %dma_start3A_92 = tpu.memref_slice %arg4[%dma_start3A_87, %dma_start3A_91] : memref<2x320000xi32, #tpu.memory_space<hbm>> -> memref<1x320000xi32, #tpu.memory_space<hbm>>
    %dma_start3A_93 = tpu.memref_squeeze %dma_start3A_92 : memref<1x320000xi32, #tpu.memory_space<hbm>> -> memref<320000xi32, #tpu.memory_space<hbm>>
    %dma_start3A_94 = tpu.memref_slice %dma_start3A_93[%mul3A_86] : memref<320000xi32, #tpu.memory_space<hbm>> -> memref<256xi32, #tpu.memory_space<hbm>>
    %dma_start3A_95 = tpu.memref_slice %arg18[%rem3A_82] : memref<4x!tpu.dma_semaphore, #tpu.memory_space<semaphore_mem>> -> memref<1x!tpu.dma_semaphore, #tpu.memory_space<semaphore_mem>>
    %dma_start3A_96 = tpu.memref_squeeze %dma_start3A_95 : memref<1x!tpu.dma_semaphore, #tpu.memory_space<semaphore_mem>> -> memref<!tpu.dma_semaphore, #tpu.memory_space<semaphore_mem>>
    %dma_start3A_97 = arith.constant 0 : i32
    %dma_start3A_98 = tpu.memref_slice %arg13[%rem3A_82, %dma_start3A_97] : memref<4x256xi32, #tpu.memory_space<vmem>> -> memref<1x256xi32, #tpu.memory_space<vmem>>
    %dma_start3A_99 = tpu.memref_squeeze %dma_start3A_98 : memref<1x256xi32, #tpu.memory_space<vmem>> -> memref<256xi32, #tpu.memory_space<vmem>>
    %dma_start3A_100 = arith.constant 0 : i32
    %dma_start3A_101 = tpu.memref_slice %arg4[%dma_start3A_87, %dma_start3A_100] : memref<2x320000xi32, #tpu.memory_space<hbm>> -> memref<1x320000xi32, #tpu.memory_space<hbm>>
    %dma_start3A_102 = tpu.memref_squeeze %dma_start3A_101 : memref<1x320000xi32, #tpu.memory_space<hbm>> -> memref<320000xi32, #tpu.memory_space<hbm>>
    %dma_start3A_103 = tpu.memref_slice %dma_start3A_102[%mul3A_86] : memref<320000xi32, #tpu.memory_space<hbm>> -> memref<256xi32, #tpu.memory_space<hbm>>
    tpu.enqueue_dma source(%dma_start3A_103 : memref<256xi32, #tpu.memory_space<hbm>>) target(%dma_start3A_99 : memref<256xi32, #tpu.memory_space<vmem>>) target_semaphore(%dma_start3A_96 : memref<!tpu.dma_semaphore, #tpu.memory_space<semaphore_mem>>)
    %rem3A_104 = arith.constant 0 : i32
    %rem3A_105 = arith.constant 4 : i32
    %rem3A_106 = arith.remsi %rem3A_104, %rem3A_105 : i32
    %add3A_107 = arith.constant 0 : i32
    %add3A_108 = arith.addi %add3A_76, %add3A_107 : i32
    %mul3A_109 = arith.constant 256 : i32
    %mul3A_110 = arith.muli %add3A_108, %mul3A_109 : i32
    %dma_start3A_111 = arith.constant 1 : i32
    %dma_start3A_112 = arith.constant 0 : i32
    %dma_start3A_113 = tpu.memref_slice %arg14[%rem3A_106, %dma_start3A_112] : memref<4x256xi32, #tpu.memory_space<vmem>> -> memref<1x256xi32, #tpu.memory_space<vmem>>
    %dma_start3A_114 = tpu.memref_squeeze %dma_start3A_113 : memref<1x256xi32, #tpu.memory_space<vmem>> -> memref<256xi32, #tpu.memory_space<vmem>>
    %dma_start3A_115 = arith.constant 0 : i32
    %dma_start3A_116 = tpu.memref_slice %arg4[%dma_start3A_111, %dma_start3A_115] : memref<2x320000xi32, #tpu.memory_space<hbm>> -> memref<1x320000xi32, #tpu.memory_space<hbm>>
    %dma_start3A_117 = tpu.memref_squeeze %dma_start3A_116 : memref<1x320000xi32, #tpu.memory_space<hbm>> -> memref<320000xi32, #tpu.memory_space<hbm>>
    %dma_start3A_118 = tpu.memref_slice %dma_start3A_117[%mul3A_110] : memref<320000xi32, #tpu.memory_space<hbm>> -> memref<256xi32, #tpu.memory_space<hbm>>
    %dma_start3A_119 = tpu.memref_slice %arg19[%rem3A_106] : memref<4x!tpu.dma_semaphore, #tpu.memory_space<semaphore_mem>> -> memref<1x!tpu.dma_semaphore, #tpu.memory_space<semaphore_mem>>
    %dma_start3A_120 = tpu.memref_squeeze %dma_start3A_119 : memref<1x!tpu.dma_semaphore, #tpu.memory_space<semaphore_mem>> -> memref<!tpu.dma_semaphore, #tpu.memory_space<semaphore_mem>>
    %dma_start3A_121 = arith.constant 0 : i32
    %dma_start3A_122 = tpu.memref_slice %arg14[%rem3A_106, %dma_start3A_121] : memref<4x256xi32, #tpu.memory_space<vmem>> -> memref<1x256xi32, #tpu.memory_space<vmem>>
    %dma_start3A_123 = tpu.memref_squeeze %dma_start3A_122 : memref<1x256xi32, #tpu.memory_space<vmem>> -> memref<256xi32, #tpu.memory_space<vmem>>
    %dma_start3A_124 = arith.constant 0 : i32
    %dma_start3A_125 = tpu.memref_slice %arg4[%dma_start3A_111, %dma_start3A_124] : memref<2x320000xi32, #tpu.memory_space<hbm>> -> memref<1x320000xi32, #tpu.memory_space<hbm>>
    %dma_start3A_126 = tpu.memref_squeeze %dma_start3A_125 : memref<1x320000xi32, #tpu.memory_space<hbm>> -> memref<320000xi32, #tpu.memory_space<hbm>>
    %dma_start3A_127 = tpu.memref_slice %dma_start3A_126[%mul3A_110] : memref<320000xi32, #tpu.memory_space<hbm>> -> memref<256xi32, #tpu.memory_space<hbm>>
    tpu.enqueue_dma source(%dma_start3A_127 : memref<256xi32, #tpu.memory_space<hbm>>) target(%dma_start3A_123 : memref<256xi32, #tpu.memory_space<vmem>>) target_semaphore(%dma_start3A_120 : memref<!tpu.dma_semaphore, #tpu.memory_space<semaphore_mem>>)
    %rem3A_128 = arith.constant 1 : i32
    %rem3A_129 = arith.constant 4 : i32
    %rem3A_130 = arith.remsi %rem3A_128, %rem3A_129 : i32
    %add3A_131 = arith.constant 1 : i32
    %add3A_132 = arith.addi %add3A_76, %add3A_131 : i32
    %mul3A_133 = arith.constant 256 : i32
    %mul3A_134 = arith.muli %add3A_132, %mul3A_133 : i32
    %dma_start3A_135 = arith.constant 0 : i32
    %dma_start3A_136 = arith.constant 0 : i32
    %dma_start3A_137 = tpu.memref_slice %arg13[%rem3A_130, %dma_start3A_136] : memref<4x256xi32, #tpu.memory_space<vmem>> -> memref<1x256xi32, #tpu.memory_space<vmem>>
    %dma_start3A_138 = tpu.memref_squeeze %dma_start3A_137 : memref<1x256xi32, #tpu.memory_space<vmem>> -> memref<256xi32, #tpu.memory_space<vmem>>
    %dma_start3A_139 = arith.constant 0 : i32
    %dma_start3A_140 = tpu.memref_slice %arg4[%dma_start3A_135, %dma_start3A_139] : memref<2x320000xi32, #tpu.memory_space<hbm>> -> memref<1x320000xi32, #tpu.memory_space<hbm>>
    %dma_start3A_141 = tpu.memref_squeeze %dma_start3A_140 : memref<1x320000xi32, #tpu.memory_space<hbm>> -> memref<320000xi32, #tpu.memory_space<hbm>>
    %dma_start3A_142 = tpu.memref_slice %dma_start3A_141[%mul3A_134] : memref<320000xi32, #tpu.memory_space<hbm>> -> memref<256xi32, #tpu.memory_space<hbm>>
    %dma_start3A_143 = tpu.memref_slice %arg18[%rem3A_130] : memref<4x!tpu.dma_semaphore, #tpu.memory_space<semaphore_mem>> -> memref<1x!tpu.dma_semaphore, #tpu.memory_space<semaphore_mem>>
    %dma_start3A_144 = tpu.memref_squeeze %dma_start3A_143 : memref<1x!tpu.dma_semaphore, #tpu.memory_space<semaphore_mem>> -> memref<!tpu.dma_semaphore, #tpu.memory_space<semaphore_mem>>
    %dma_start3A_145 = arith.constant 0 : i32
    %dma_start3A_146 = tpu.memref_slice %arg13[%rem3A_130, %dma_start3A_145] : memref<4x256xi32, #tpu.memory_space<vmem>> -> memref<1x256xi32, #tpu.memory_space<vmem>>
    %dma_start3A_147 = tpu.memref_squeeze %dma_start3A_146 : memref<1x256xi32, #tpu.memory_space<vmem>> -> memref<256xi32, #tpu.memory_space<vmem>>
    %dma_start3A_148 = arith.constant 0 : i32
    %dma_start3A_149 = tpu.memref_slice %arg4[%dma_start3A_135, %dma_start3A_148] : memref<2x320000xi32, #tpu.memory_space<hbm>> -> memref<1x320000xi32, #tpu.memory_space<hbm>>
    %dma_start3A_150 = tpu.memref_squeeze %dma_start3A_149 : memref<1x320000xi32, #tpu.memory_space<hbm>> -> memref<320000xi32, #tpu.memory_space<hbm>>
    %dma_start3A_151 = tpu.memref_slice %dma_start3A_150[%mul3A_134] : memref<320000xi32, #tpu.memory_space<hbm>> -> memref<256xi32, #tpu.memory_space<hbm>>
    tpu.enqueue_dma source(%dma_start3A_151 : memref<256xi32, #tpu.memory_space<hbm>>) target(%dma_start3A_147 : memref<256xi32, #tpu.memory_space<vmem>>) target_semaphore(%dma_start3A_144 : memref<!tpu.dma_semaphore, #tpu.memory_space<semaphore_mem>>)
    %rem3A_152 = arith.constant 1 : i32
    %rem3A_153 = arith.constant 4 : i32
    %rem3A_154 = arith.remsi %rem3A_152, %rem3A_153 : i32
    %add3A_155 = arith.constant 1 : i32
    %add3A_156 = arith.addi %add3A_76, %add3A_155 : i32
    %mul3A_157 = arith.constant 256 : i32
    %mul3A_158 = arith.muli %add3A_156, %mul3A_157 : i32
    %dma_start3A_159 = arith.constant 1 : i32
    %dma_start3A_160 = arith.constant 0 : i32
    %dma_start3A_161 = tpu.memref_slice %arg14[%rem3A_154, %dma_start3A_160] : memref<4x256xi32, #tpu.memory_space<vmem>> -> memref<1x256xi32, #tpu.memory_space<vmem>>
    %dma_start3A_162 = tpu.memref_squeeze %dma_start3A_161 : memref<1x256xi32, #tpu.memory_space<vmem>> -> memref<256xi32, #tpu.memory_space<vmem>>
    %dma_start3A_163 = arith.constant 0 : i32
    %dma_start3A_164 = tpu.memref_slice %arg4[%dma_start3A_159, %dma_start3A_163] : memref<2x320000xi32, #tpu.memory_space<hbm>> -> memref<1x320000xi32, #tpu.memory_space<hbm>>
    %dma_start3A_165 = tpu.memref_squeeze %dma_start3A_164 : memref<1x320000xi32, #tpu.memory_space<hbm>> -> memref<320000xi32, #tpu.memory_space<hbm>>
    %dma_start3A_166 = tpu.memref_slice %dma_start3A_165[%mul3A_158] : memref<320000xi32, #tpu.memory_space<hbm>> -> memref<256xi32, #tpu.memory_space<hbm>>
    %dma_start3A_167 = tpu.memref_slice %arg19[%rem3A_154] : memref<4x!tpu.dma_semaphore, #tpu.memory_space<semaphore_mem>> -> memref<1x!tpu.dma_semaphore, #tpu.memory_space<semaphore_mem>>
    %dma_start3A_168 = tpu.memref_squeeze %dma_start3A_167 : memref<1x!tpu.dma_semaphore, #tpu.memory_space<semaphore_mem>> -> memref<!tpu.dma_semaphore, #tpu.memory_space<semaphore_mem>>
    %dma_start3A_169 = arith.constant 0 : i32
    %dma_start3A_170 = tpu.memref_slice %arg14[%rem3A_154, %dma_start3A_169] : memref<4x256xi32, #tpu.memory_space<vmem>> -> memref<1x256xi32, #tpu.memory_space<vmem>>
    %dma_start3A_171 = tpu.memref_squeeze %dma_start3A_170 : memref<1x256xi32, #tpu.memory_space<vmem>> -> memref<256xi32, #tpu.memory_space<vmem>>
    %dma_start3A_172 = arith.constant 0 : i32
    %dma_start3A_173 = tpu.memref_slice %arg4[%dma_start3A_159, %dma_start3A_172] : memref<2x320000xi32, #tpu.memory_space<hbm>> -> memref<1x320000xi32, #tpu.memory_space<hbm>>
    %dma_start3A_174 = tpu.memref_squeeze %dma_start3A_173 : memref<1x320000xi32, #tpu.memory_space<hbm>> -> memref<320000xi32, #tpu.memory_space<hbm>>
    %dma_start3A_175 = tpu.memref_slice %dma_start3A_174[%mul3A_158] : memref<320000xi32, #tpu.memory_space<hbm>> -> memref<256xi32, #tpu.memory_space<hbm>>
    tpu.enqueue_dma source(%dma_start3A_175 : memref<256xi32, #tpu.memory_space<hbm>>) target(%dma_start3A_171 : memref<256xi32, #tpu.memory_space<vmem>>) target_semaphore(%dma_start3A_168 : memref<!tpu.dma_semaphore, #tpu.memory_space<semaphore_mem>>)
    %rem3A_176 = arith.constant 0 : i32
    %rem3A_177 = arith.constant 4 : i32
    %rem3A_178 = arith.remsi %rem3A_176, %rem3A_177 : i32
    %add3A_179 = arith.constant 0 : i32
    %add3A_180 = arith.addi %add3A_76, %add3A_179 : i32
    %mul3A_181 = arith.constant 256 : i32
    %mul3A_182 = arith.muli %add3A_180, %mul3A_181 : i32
    %dma_wait3A = arith.constant 0 : i32
    %dma_wait3A_183 = arith.constant 0 : i32
    %dma_wait3A_184 = tpu.memref_slice %arg13[%rem3A_178, %dma_wait3A_183] : memref<4x256xi32, #tpu.memory_space<vmem>> -> memref<1x256xi32, #tpu.memory_space<vmem>>
    %dma_wait3A_185 = tpu.memref_squeeze %dma_wait3A_184 : memref<1x256xi32, #tpu.memory_space<vmem>> -> memref<256xi32, #tpu.memory_space<vmem>>
    %dma_wait3A_186 = arith.constant 0 : i32
    %dma_wait3A_187 = tpu.memref_slice %arg4[%dma_wait3A, %dma_wait3A_186] : memref<2x320000xi32, #tpu.memory_space<hbm>> -> memref<1x320000xi32, #tpu.memory_space<hbm>>
    %dma_wait3A_188 = tpu.memref_squeeze %dma_wait3A_187 : memref<1x320000xi32, #tpu.memory_space<hbm>> -> memref<320000xi32, #tpu.memory_space<hbm>>
    %dma_wait3A_189 = tpu.memref_slice %dma_wait3A_188[%mul3A_182] : memref<320000xi32, #tpu.memory_space<hbm>> -> memref<256xi32, #tpu.memory_space<hbm>>
    %dma_wait3A_190 = tpu.memref_slice %arg18[%rem3A_178] : memref<4x!tpu.dma_semaphore, #tpu.memory_space<semaphore_mem>> -> memref<1x!tpu.dma_semaphore, #tpu.memory_space<semaphore_mem>>
    %dma_wait3A_191 = tpu.memref_squeeze %dma_wait3A_190 : memref<1x!tpu.dma_semaphore, #tpu.memory_space<semaphore_mem>> -> memref<!tpu.dma_semaphore, #tpu.memory_space<semaphore_mem>>
    %dma_wait3A_192 = arith.constant 0 : i32
    %dma_wait3A_193 = tpu.memref_slice %arg13[%rem3A_178, %dma_wait3A_192] : memref<4x256xi32, #tpu.memory_space<vmem>> -> memref<1x256xi32, #tpu.memory_space<vmem>>
    %dma_wait3A_194 = tpu.memref_squeeze %dma_wait3A_193 : memref<1x256xi32, #tpu.memory_space<vmem>> -> memref<256xi32, #tpu.memory_space<vmem>>
    %dma_wait3A_195 = arith.constant 0 : i32
    %dma_wait3A_196 = tpu.memref_slice %arg4[%dma_wait3A, %dma_wait3A_195] : memref<2x320000xi32, #tpu.memory_space<hbm>> -> memref<1x320000xi32, #tpu.memory_space<hbm>>
    %dma_wait3A_197 = tpu.memref_squeeze %dma_wait3A_196 : memref<1x320000xi32, #tpu.memory_space<hbm>> -> memref<320000xi32, #tpu.memory_space<hbm>>
    %dma_wait3A_198 = tpu.memref_slice %dma_wait3A_197[%mul3A_182] : memref<320000xi32, #tpu.memory_space<hbm>> -> memref<256xi32, #tpu.memory_space<hbm>>
    tpu.wait_dma2 semaphore(%dma_wait3A_191 : memref<!tpu.dma_semaphore, #tpu.memory_space<semaphore_mem>>) src(%dma_wait3A_198 : memref<256xi32, #tpu.memory_space<hbm>>) dst(%dma_wait3A_194 : memref<256xi32, #tpu.memory_space<vmem>>)
    %rem3A_199 = arith.constant 0 : i32
    %rem3A_200 = arith.constant 4 : i32
    %rem3A_201 = arith.remsi %rem3A_199, %rem3A_200 : i32
    %add3A_202 = arith.constant 0 : i32
    %add3A_203 = arith.addi %add3A_76, %add3A_202 : i32
    %mul3A_204 = arith.constant 256 : i32
    %mul3A_205 = arith.muli %add3A_203, %mul3A_204 : i32
    %dma_wait3A_206 = arith.constant 1 : i32
    %dma_wait3A_207 = arith.constant 0 : i32
    %dma_wait3A_208 = tpu.memref_slice %arg14[%rem3A_201, %dma_wait3A_207] : memref<4x256xi32, #tpu.memory_space<vmem>> -> memref<1x256xi32, #tpu.memory_space<vmem>>
    %dma_wait3A_209 = tpu.memref_squeeze %dma_wait3A_208 : memref<1x256xi32, #tpu.memory_space<vmem>> -> memref<256xi32, #tpu.memory_space<vmem>>
    %dma_wait3A_210 = arith.constant 0 : i32
    %dma_wait3A_211 = tpu.memref_slice %arg4[%dma_wait3A_206, %dma_wait3A_210] : memref<2x320000xi32, #tpu.memory_space<hbm>> -> memref<1x320000xi32, #tpu.memory_space<hbm>>
    %dma_wait3A_212 = tpu.memref_squeeze %dma_wait3A_211 : memref<1x320000xi32, #tpu.memory_space<hbm>> -> memref<320000xi32, #tpu.memory_space<hbm>>
    %dma_wait3A_213 = tpu.memref_slice %dma_wait3A_212[%mul3A_205] : memref<320000xi32, #tpu.memory_space<hbm>> -> memref<256xi32, #tpu.memory_space<hbm>>
    %dma_wait3A_214 = tpu.memref_slice %arg19[%rem3A_201] : memref<4x!tpu.dma_semaphore, #tpu.memory_space<semaphore_mem>> -> memref<1x!tpu.dma_semaphore, #tpu.memory_space<semaphore_mem>>
    %dma_wait3A_215 = tpu.memref_squeeze %dma_wait3A_214 : memref<1x!tpu.dma_semaphore, #tpu.memory_space<semaphore_mem>> -> memref<!tpu.dma_semaphore, #tpu.memory_space<semaphore_mem>>
    %dma_wait3A_216 = arith.constant 0 : i32
    %dma_wait3A_217 = tpu.memref_slice %arg14[%rem3A_201, %dma_wait3A_216] : memref<4x256xi32, #tpu.memory_space<vmem>> -> memref<1x256xi32, #tpu.memory_space<vmem>>
    %dma_wait3A_218 = tpu.memref_squeeze %dma_wait3A_217 : memref<1x256xi32, #tpu.memory_space<vmem>> -> memref<256xi32, #tpu.memory_space<vmem>>
    %dma_wait3A_219 = arith.constant 0 : i32
    %dma_wait3A_220 = tpu.memref_slice %arg4[%dma_wait3A_206, %dma_wait3A_219] : memref<2x320000xi32, #tpu.memory_space<hbm>> -> memref<1x320000xi32, #tpu.memory_space<hbm>>
    %dma_wait3A_221 = tpu.memref_squeeze %dma_wait3A_220 : memref<1x320000xi32, #tpu.memory_space<hbm>> -> memref<320000xi32, #tpu.memory_space<hbm>>
    %dma_wait3A_222 = tpu.memref_slice %dma_wait3A_221[%mul3A_205] : memref<320000xi32, #tpu.memory_space<hbm>> -> memref<256xi32, #tpu.memory_space<hbm>>
    tpu.wait_dma2 semaphore(%dma_wait3A_215 : memref<!tpu.dma_semaphore, #tpu.memory_space<semaphore_mem>>) src(%dma_wait3A_222 : memref<256xi32, #tpu.memory_space<hbm>>) dst(%dma_wait3A_218 : memref<256xi32, #tpu.memory_space<vmem>>)
    %rem3A_223 = arith.constant 0 : i32
    %rem3A_224 = arith.constant 2 : i32
    %rem3A_225 = arith.remsi %rem3A_223, %rem3A_224 : i32
    %rem3A_226 = arith.constant 0 : i32
    %rem3A_227 = arith.constant 4 : i32
    %rem3A_228 = arith.remsi %rem3A_226, %rem3A_227 : i32
    %dma_start3A_229 = arith.constant 0 : i32
    %dma_start3A_230 = arith.constant 0 : i32
    %dma_start3A_231 = tpu.memref_slice %arg15[%rem3A_225, %dma_start3A_229, %dma_start3A_230] : memref<2x256x64xf32, #tpu.memory_space<vmem>> -> memref<1x256x64xf32, #tpu.memory_space<vmem>>
    %dma_start3A_232 = tpu.memref_squeeze %dma_start3A_231 : memref<1x256x64xf32, #tpu.memory_space<vmem>> -> memref<256x64xf32, #tpu.memory_space<vmem>>
    %dma_start3A_233 = arith.constant 0 : i32
    %dma_start3A_234 = tpu.memref_slice %arg13[%rem3A_228, %dma_start3A_233] : memref<4x256xi32, #tpu.memory_space<vmem>> -> memref<1x256xi32, #tpu.memory_space<vmem>>
    %dma_start3A_235 = tpu.memref_squeeze %dma_start3A_234 : memref<1x256xi32, #tpu.memory_space<vmem>> -> memref<256xi32, #tpu.memory_space<vmem>>
    %dma_start3A_236 = arith.constant 0 : i32
    %dma_start3A_237 = arith.constant 0 : i32
    %dma_start3A_238 = tpu.memref_slice %arg7[%arg0, %dma_start3A_236, %dma_start3A_237] : memref<2x10000x64xf32, #tpu.memory_space<hbm>> -> memref<1x10000x64xf32, #tpu.memory_space<hbm>>
    %dma_start3A_239 = tpu.memref_squeeze %dma_start3A_238 : memref<1x10000x64xf32, #tpu.memory_space<hbm>> -> memref<10000x64xf32, #tpu.memory_space<hbm>>
    %dma_start3A_240 = arith.constant 0 : i32
    %dma_start3A_241 = arith.constant 0 : i32
    %dma_start3A_242 = tpu.memref_slice %dma_start3A_239[%dma_start3A_240, %dma_start3A_241] : memref<10000x64xf32, #tpu.memory_space<hbm>> -> memref<10000x64xf32, #tpu.memory_space<hbm>>
    %dma_start3A_243 = tpu.memref_slice %arg20[%rem3A_225] : memref<2x!tpu.dma_semaphore, #tpu.memory_space<semaphore_mem>> -> memref<1x!tpu.dma_semaphore, #tpu.memory_space<semaphore_mem>>
    %dma_start3A_244 = tpu.memref_squeeze %dma_start3A_243 : memref<1x!tpu.dma_semaphore, #tpu.memory_space<semaphore_mem>> -> memref<!tpu.dma_semaphore, #tpu.memory_space<semaphore_mem>>
    tpu.enqueue_indirect_dma source(%dma_start3A_242 : memref<10000x64xf32, #tpu.memory_space<hbm>>) target(%dma_start3A_232 : memref<256x64xf32, #tpu.memory_space<vmem>>) offsets(%dma_start3A_235 : memref<256xi32, #tpu.memory_space<vmem>>) semaphore(%dma_start3A_244 : memref<!tpu.dma_semaphore, #tpu.memory_space<semaphore_mem>>)
    %scan3A_245 = arith.constant 0 : i32
    %scan3A_246 = arith.constant 1 : i32
    %scan3A_247 = arith.constant 0 : i32
    %scan3A_248 = arith.constant 76 : i32
    %scan3A_249 = arith.addi %scan3A_247, %scan3A_248 : i32
    %scan3A_250 = arith.constant 2 : i32
    scf.for %scan3A_490 = %scan3A_247 to %scan3A_249 step %scan3A_250  : i32 {
      %mul3A_491 = arith.constant 1 : i32
      %mul3A_492 = arith.muli %scan3A_490, %mul3A_491 : i32
      %add3A_493 = arith.constant 1 : i32
      %add3A_494 = arith.addi %add3A_493, %mul3A_492 : i32
      %add3A_495 = arith.constant 1 : i32
      %add3A_496 = arith.addi %add3A_494, %add3A_495 : i32
      %lt3A_497 = arith.cmpi slt, %add3A_496, %add3A_80 : i32
      %convert_element_type3A_498 = arith.extui %lt3A_497 : i1 to i32
      %cond3A_499 = arith.constant 0 : i32
      %cond3A_500 = arith.cmpi ne, %convert_element_type3A_498, %cond3A_499 : i32
      scf.if %cond3A_500 {
        %add3A_737 = arith.constant 1 : i32
        %add3A_738 = arith.addi %add3A_494, %add3A_737 : i32
        %rem3A_739 = arith.constant 4 : i32
        %rem3A_740 = arith.remsi %add3A_738, %rem3A_739 : i32
        %add3A_741 = arith.addi %add3A_76, %add3A_738 : i32
        %mul3A_742 = arith.constant 256 : i32
        %mul3A_743 = arith.muli %add3A_741, %mul3A_742 : i32
        %dma_start3A_744 = arith.constant 0 : i32
        %dma_start3A_745 = tpu.memref_slice %arg13[%rem3A_740, %dma_start3A_744] : memref<4x256xi32, #tpu.memory_space<vmem>> -> memref<1x256xi32, #tpu.memory_space<vmem>>
        %dma_start3A_746 = tpu.memref_squeeze %dma_start3A_745 : memref<1x256xi32, #tpu.memory_space<vmem>> -> memref<256xi32, #tpu.memory_space<vmem>>
        %dma_start3A_747 = arith.constant 0 : i32
        %dma_start3A_748 = tpu.memref_slice %arg4[%scan3A_245, %dma_start3A_747] : memref<2x320000xi32, #tpu.memory_space<hbm>> -> memref<1x320000xi32, #tpu.memory_space<hbm>>
        %dma_start3A_749 = tpu.memref_squeeze %dma_start3A_748 : memref<1x320000xi32, #tpu.memory_space<hbm>> -> memref<320000xi32, #tpu.memory_space<hbm>>
        %dma_start3A_750 = tpu.memref_slice %dma_start3A_749[%mul3A_743] : memref<320000xi32, #tpu.memory_space<hbm>> -> memref<256xi32, #tpu.memory_space<hbm>>
        %dma_start3A_751 = tpu.memref_slice %arg18[%rem3A_740] : memref<4x!tpu.dma_semaphore, #tpu.memory_space<semaphore_mem>> -> memref<1x!tpu.dma_semaphore, #tpu.memory_space<semaphore_mem>>
        %dma_start3A_752 = tpu.memref_squeeze %dma_start3A_751 : memref<1x!tpu.dma_semaphore, #tpu.memory_space<semaphore_mem>> -> memref<!tpu.dma_semaphore, #tpu.memory_space<semaphore_mem>>
        %dma_start3A_753 = arith.constant 0 : i32
        %dma_start3A_754 = tpu.memref_slice %arg13[%rem3A_740, %dma_start3A_753] : memref<4x256xi32, #tpu.memory_space<vmem>> -> memref<1x256xi32, #tpu.memory_space<vmem>>
        %dma_start3A_755 = tpu.memref_squeeze %dma_start3A_754 : memref<1x256xi32, #tpu.memory_space<vmem>> -> memref<256xi32, #tpu.memory_space<vmem>>
        %dma_start3A_756 = arith.constant 0 : i32
        %dma_start3A_757 = tpu.memref_slice %arg4[%scan3A_245, %dma_start3A_756] : memref<2x320000xi32, #tpu.memory_space<hbm>> -> memref<1x320000xi32, #tpu.memory_space<hbm>>
        %dma_start3A_758 = tpu.memref_squeeze %dma_start3A_757 : memref<1x320000xi32, #tpu.memory_space<hbm>> -> memref<320000xi32, #tpu.memory_space<hbm>>
        %dma_start3A_759 = tpu.memref_slice %dma_start3A_758[%mul3A_743] : memref<320000xi32, #tpu.memory_space<hbm>> -> memref<256xi32, #tpu.memory_space<hbm>>
        tpu.enqueue_dma source(%dma_start3A_759 : memref<256xi32, #tpu.memory_space<hbm>>) target(%dma_start3A_755 : memref<256xi32, #tpu.memory_space<vmem>>) target_semaphore(%dma_start3A_752 : memref<!tpu.dma_semaphore, #tpu.memory_space<semaphore_mem>>)
        %rem3A_760 = arith.constant 4 : i32
        %rem3A_761 = arith.remsi %add3A_738, %rem3A_760 : i32
        %add3A_762 = arith.addi %add3A_76, %add3A_738 : i32
        %mul3A_763 = arith.constant 256 : i32
        %mul3A_764 = arith.muli %add3A_762, %mul3A_763 : i32
        %dma_start3A_765 = arith.constant 0 : i32
        %dma_start3A_766 = tpu.memref_slice %arg14[%rem3A_761, %dma_start3A_765] : memref<4x256xi32, #tpu.memory_space<vmem>> -> memref<1x256xi32, #tpu.memory_space<vmem>>
        %dma_start3A_767 = tpu.memref_squeeze %dma_start3A_766 : memref<1x256xi32, #tpu.memory_space<vmem>> -> memref<256xi32, #tpu.memory_space<vmem>>
        %dma_start3A_768 = arith.constant 0 : i32
        %dma_start3A_769 = tpu.memref_slice %arg4[%scan3A_246, %dma_start3A_768] : memref<2x320000xi32, #tpu.memory_space<hbm>> -> memref<1x320000xi32, #tpu.memory_space<hbm>>
        %dma_start3A_770 = tpu.memref_squeeze %dma_start3A_769 : memref<1x320000xi32, #tpu.memory_space<hbm>> -> memref<320000xi32, #tpu.memory_space<hbm>>
        %dma_start3A_771 = tpu.memref_slice %dma_start3A_770[%mul3A_764] : memref<320000xi32, #tpu.memory_space<hbm>> -> memref<256xi32, #tpu.memory_space<hbm>>
        %dma_start3A_772 = tpu.memref_slice %arg19[%rem3A_761] : memref<4x!tpu.dma_semaphore, #tpu.memory_space<semaphore_mem>> -> memref<1x!tpu.dma_semaphore, #tpu.memory_space<semaphore_mem>>
        %dma_start3A_773 = tpu.memref_squeeze %dma_start3A_772 : memref<1x!tpu.dma_semaphore, #tpu.memory_space<semaphore_mem>> -> memref<!tpu.dma_semaphore, #tpu.memory_space<semaphore_mem>>
        %dma_start3A_774 = arith.constant 0 : i32
        %dma_start3A_775 = tpu.memref_slice %arg14[%rem3A_761, %dma_start3A_774] : memref<4x256xi32, #tpu.memory_space<vmem>> -> memref<1x256xi32, #tpu.memory_space<vmem>>
        %dma_start3A_776 = tpu.memref_squeeze %dma_start3A_775 : memref<1x256xi32, #tpu.memory_space<vmem>> -> memref<256xi32, #tpu.memory_space<vmem>>
        %dma_start3A_777 = arith.constant 0 : i32
        %dma_start3A_778 = tpu.memref_slice %arg4[%scan3A_246, %dma_start3A_777] : memref<2x320000xi32, #tpu.memory_space<hbm>> -> memref<1x320000xi32, #tpu.memory_space<hbm>>
        %dma_start3A_779 = tpu.memref_squeeze %dma_start3A_778 : memref<1x320000xi32, #tpu.memory_space<hbm>> -> memref<320000xi32, #tpu.memory_space<hbm>>
        %dma_start3A_780 = tpu.memref_slice %dma_start3A_779[%mul3A_764] : memref<320000xi32, #tpu.memory_space<hbm>> -> memref<256xi32, #tpu.memory_space<hbm>>
        tpu.enqueue_dma source(%dma_start3A_780 : memref<256xi32, #tpu.memory_space<hbm>>) target(%dma_start3A_776 : memref<256xi32, #tpu.memory_space<vmem>>) target_semaphore(%dma_start3A_773 : memref<!tpu.dma_semaphore, #tpu.memory_space<semaphore_mem>>)
      } else {
      }
      %rem3A_501 = arith.constant 4 : i32
      %rem3A_502 = arith.remsi %add3A_494, %rem3A_501 : i32
      %add3A_503 = arith.addi %add3A_76, %add3A_494 : i32
      %mul3A_504 = arith.constant 256 : i32
      %mul3A_505 = arith.muli %add3A_503, %mul3A_504 : i32
      %dma_wait3A_506 = arith.constant 0 : i32
      %dma_wait3A_507 = tpu.memref_slice %arg13[%rem3A_502, %dma_wait3A_506] : memref<4x256xi32, #tpu.memory_space<vmem>> -> memref<1x256xi32, #tpu.memory_space<vmem>>
      %dma_wait3A_508 = tpu.memref_squeeze %dma_wait3A_507 : memref<1x256xi32, #tpu.memory_space<vmem>> -> memref<256xi32, #tpu.memory_space<vmem>>
      %dma_wait3A_509 = arith.constant 0 : i32
      %dma_wait3A_510 = tpu.memref_slice %arg4[%scan3A_245, %dma_wait3A_509] : memref<2x320000xi32, #tpu.memory_space<hbm>> -> memref<1x320000xi32, #tpu.memory_space<hbm>>
      %dma_wait3A_511 = tpu.memref_squeeze %dma_wait3A_510 : memref<1x320000xi32, #tpu.memory_space<hbm>> -> memref<320000xi32, #tpu.memory_space<hbm>>
      %dma_wait3A_512 = tpu.memref_slice %dma_wait3A_511[%mul3A_505] : memref<320000xi32, #tpu.memory_space<hbm>> -> memref<256xi32, #tpu.memory_space<hbm>>
      %dma_wait3A_513 = tpu.memref_slice %arg18[%rem3A_502] : memref<4x!tpu.dma_semaphore, #tpu.memory_space<semaphore_mem>> -> memref<1x!tpu.dma_semaphore, #tpu.memory_space<semaphore_mem>>
      %dma_wait3A_514 = tpu.memref_squeeze %dma_wait3A_513 : memref<1x!tpu.dma_semaphore, #tpu.memory_space<semaphore_mem>> -> memref<!tpu.dma_semaphore, #tpu.memory_space<semaphore_mem>>
      %dma_wait3A_515 = arith.constant 0 : i32
      %dma_wait3A_516 = tpu.memref_slice %arg13[%rem3A_502, %dma_wait3A_515] : memref<4x256xi32, #tpu.memory_space<vmem>> -> memref<1x256xi32, #tpu.memory_space<vmem>>
      %dma_wait3A_517 = tpu.memref_squeeze %dma_wait3A_516 : memref<1x256xi32, #tpu.memory_space<vmem>> -> memref<256xi32, #tpu.memory_space<vmem>>
      %dma_wait3A_518 = arith.constant 0 : i32
      %dma_wait3A_519 = tpu.memref_slice %arg4[%scan3A_245, %dma_wait3A_518] : memref<2x320000xi32, #tpu.memory_space<hbm>> -> memref<1x320000xi32, #tpu.memory_space<hbm>>
      %dma_wait3A_520 = tpu.memref_squeeze %dma_wait3A_519 : memref<1x320000xi32, #tpu.memory_space<hbm>> -> memref<320000xi32, #tpu.memory_space<hbm>>
      %dma_wait3A_521 = tpu.memref_slice %dma_wait3A_520[%mul3A_505] : memref<320000xi32, #tpu.memory_space<hbm>> -> memref<256xi32, #tpu.memory_space<hbm>>
      tpu.wait_dma2 semaphore(%dma_wait3A_514 : memref<!tpu.dma_semaphore, #tpu.memory_space<semaphore_mem>>) src(%dma_wait3A_521 : memref<256xi32, #tpu.memory_space<hbm>>) dst(%dma_wait3A_517 : memref<256xi32, #tpu.memory_space<vmem>>)
      %rem3A_522 = arith.constant 4 : i32
      %rem3A_523 = arith.remsi %add3A_494, %rem3A_522 : i32
      %add3A_524 = arith.addi %add3A_76, %add3A_494 : i32
      %mul3A_525 = arith.constant 256 : i32
      %mul3A_526 = arith.muli %add3A_524, %mul3A_525 : i32
      %dma_wait3A_527 = arith.constant 0 : i32
      %dma_wait3A_528 = tpu.memref_slice %arg14[%rem3A_523, %dma_wait3A_527] : memref<4x256xi32, #tpu.memory_space<vmem>> -> memref<1x256xi32, #tpu.memory_space<vmem>>
      %dma_wait3A_529 = tpu.memref_squeeze %dma_wait3A_528 : memref<1x256xi32, #tpu.memory_space<vmem>> -> memref<256xi32, #tpu.memory_space<vmem>>
      %dma_wait3A_530 = arith.constant 0 : i32
      %dma_wait3A_531 = tpu.memref_slice %arg4[%scan3A_246, %dma_wait3A_530] : memref<2x320000xi32, #tpu.memory_space<hbm>> -> memref<1x320000xi32, #tpu.memory_space<hbm>>
      %dma_wait3A_532 = tpu.memref_squeeze %dma_wait3A_531 : memref<1x320000xi32, #tpu.memory_space<hbm>> -> memref<320000xi32, #tpu.memory_space<hbm>>
      %dma_wait3A_533 = tpu.memref_slice %dma_wait3A_532[%mul3A_526] : memref<320000xi32, #tpu.memory_space<hbm>> -> memref<256xi32, #tpu.memory_space<hbm>>
      %dma_wait3A_534 = tpu.memref_slice %arg19[%rem3A_523] : memref<4x!tpu.dma_semaphore, #tpu.memory_space<semaphore_mem>> -> memref<1x!tpu.dma_semaphore, #tpu.memory_space<semaphore_mem>>
      %dma_wait3A_535 = tpu.memref_squeeze %dma_wait3A_534 : memref<1x!tpu.dma_semaphore, #tpu.memory_space<semaphore_mem>> -> memref<!tpu.dma_semaphore, #tpu.memory_space<semaphore_mem>>
      %dma_wait3A_536 = arith.constant 0 : i32
      %dma_wait3A_537 = tpu.memref_slice %arg14[%rem3A_523, %dma_wait3A_536] : memref<4x256xi32, #tpu.memory_space<vmem>> -> memref<1x256xi32, #tpu.memory_space<vmem>>
      %dma_wait3A_538 = tpu.memref_squeeze %dma_wait3A_537 : memref<1x256xi32, #tpu.memory_space<vmem>> -> memref<256xi32, #tpu.memory_space<vmem>>
      %dma_wait3A_539 = arith.constant 0 : i32
      %dma_wait3A_540 = tpu.memref_slice %arg4[%scan3A_246, %dma_wait3A_539] : memref<2x320000xi32, #tpu.memory_space<hbm>> -> memref<1x320000xi32, #tpu.memory_space<hbm>>
      %dma_wait3A_541 = tpu.memref_squeeze %dma_wait3A_540 : memref<1x320000xi32, #tpu.memory_space<hbm>> -> memref<320000xi32, #tpu.memory_space<hbm>>
      %dma_wait3A_542 = tpu.memref_slice %dma_wait3A_541[%mul3A_526] : memref<320000xi32, #tpu.memory_space<hbm>> -> memref<256xi32, #tpu.memory_space<hbm>>
      tpu.wait_dma2 semaphore(%dma_wait3A_535 : memref<!tpu.dma_semaphore, #tpu.memory_space<semaphore_mem>>) src(%dma_wait3A_542 : memref<256xi32, #tpu.memory_space<hbm>>) dst(%dma_wait3A_538 : memref<256xi32, #tpu.memory_space<vmem>>)
      %ge3A_543 = arith.constant 2 : i32
      %ge3A_544 = arith.cmpi sge, %add3A_494, %ge3A_543 : i32
      %convert_element_type3A_545 = arith.extui %ge3A_544 : i1 to i32
      %cond3A_546 = arith.constant 0 : i32
      %cond3A_547 = arith.cmpi ne, %convert_element_type3A_545, %cond3A_546 : i32
      scf.if %cond3A_547 {
        %sub3A_737 = arith.constant 2 : i32
        %sub3A_738 = arith.subi %add3A_494, %sub3A_737 : i32
        %rem3A_739 = arith.constant 2 : i32
        %rem3A_740 = arith.remsi %sub3A_738, %rem3A_739 : i32
        %rem3A_741 = arith.constant 4 : i32
        %rem3A_742 = arith.remsi %sub3A_738, %rem3A_741 : i32
        %dma_wait3A_743 = arith.constant 0 : i32
        %dma_wait3A_744 = arith.constant 0 : i32
        %dma_wait3A_745 = tpu.memref_slice %arg15[%rem3A_740, %dma_wait3A_743, %dma_wait3A_744] : memref<2x256x64xf32, #tpu.memory_space<vmem>> -> memref<1x256x64xf32, #tpu.memory_space<vmem>>
        %dma_wait3A_746 = tpu.memref_squeeze %dma_wait3A_745 : memref<1x256x64xf32, #tpu.memory_space<vmem>> -> memref<256x64xf32, #tpu.memory_space<vmem>>
        %dma_wait3A_747 = arith.constant 0 : i32
        %dma_wait3A_748 = tpu.memref_slice %arg14[%rem3A_742, %dma_wait3A_747] : memref<4x256xi32, #tpu.memory_space<vmem>> -> memref<1x256xi32, #tpu.memory_space<vmem>>
        %dma_wait3A_749 = tpu.memref_squeeze %dma_wait3A_748 : memref<1x256xi32, #tpu.memory_space<vmem>> -> memref<256xi32, #tpu.memory_space<vmem>>
        %dma_wait3A_750 = arith.constant 0 : i32
        %dma_wait3A_751 = arith.constant 0 : i32
        %dma_wait3A_752 = tpu.memref_slice %arg8[%dma_wait3A_750, %dma_wait3A_751] : memref<10000x64xf32, #tpu.memory_space<vmem_shared>> -> memref<10000x64xf32, #tpu.memory_space<vmem_shared>>
        %dma_wait3A_753 = tpu.memref_slice %arg21[%rem3A_740] : memref<2x!tpu.dma_semaphore, #tpu.memory_space<semaphore_mem>> -> memref<1x!tpu.dma_semaphore, #tpu.memory_space<semaphore_mem>>
        %dma_wait3A_754 = tpu.memref_squeeze %dma_wait3A_753 : memref<1x!tpu.dma_semaphore, #tpu.memory_space<semaphore_mem>> -> memref<!tpu.dma_semaphore, #tpu.memory_space<semaphore_mem>>
        tpu.wait_indirect_dma semaphore(%dma_wait3A_754 : memref<!tpu.dma_semaphore, #tpu.memory_space<semaphore_mem>>) src(%dma_wait3A_746 : memref<256x64xf32, #tpu.memory_space<vmem>>) dst(%dma_wait3A_752 : memref<10000x64xf32, #tpu.memory_space<vmem_shared>>)
        %eq3A_755 = arith.constant 0 : i32
        %eq3A_756 = arith.cmpi eq, %arg0, %eq3A_755 : i32
        %convert_element_type3A_757 = arith.extui %eq3A_756 : i1 to i32
        %cond3A_758 = arith.constant 0 : i32
        %cond3A_759 = arith.cmpi ne, %convert_element_type3A_757, %cond3A_758 : i32
        scf.if %cond3A_759 {
          %rem3A_760 = arith.constant 2 : i32
          %rem3A_761 = arith.remsi %sub3A_738, %rem3A_760 : i32
          %rem3A_762 = arith.constant 4 : i32
          %rem3A_763 = arith.remsi %sub3A_738, %rem3A_762 : i32
          %dma_wait3A_764 = arith.constant 0 : i32
          %dma_wait3A_765 = tpu.memref_slice %arg14[%rem3A_763, %dma_wait3A_764] : memref<4x256xi32, #tpu.memory_space<vmem>> -> memref<1x256xi32, #tpu.memory_space<vmem>>
          %dma_wait3A_766 = tpu.memref_squeeze %dma_wait3A_765 : memref<1x256xi32, #tpu.memory_space<vmem>> -> memref<256xi32, #tpu.memory_space<vmem>>
          %dma_wait3A_767 = arith.constant 0 : i32
          %dma_wait3A_768 = tpu.memref_slice %arg9[%dma_wait3A_767] : memref<10000xf32, #tpu.memory_space<vmem_shared>> -> memref<10000xf32, #tpu.memory_space<vmem_shared>>
          %dma_wait3A_769 = tpu.memref_slice %arg22[%rem3A_761] : memref<2x!tpu.dma_semaphore, #tpu.memory_space<semaphore_mem>> -> memref<1x!tpu.dma_semaphore, #tpu.memory_space<semaphore_mem>>
          %dma_wait3A_770 = tpu.memref_squeeze %dma_wait3A_769 : memref<1x!tpu.dma_semaphore, #tpu.memory_space<semaphore_mem>> -> memref<!tpu.dma_semaphore, #tpu.memory_space<semaphore_mem>>
          tpu.wait_indirect_dma semaphore(%dma_wait3A_770 : memref<!tpu.dma_semaphore, #tpu.memory_space<semaphore_mem>>) src(%arg16 : memref<256xf32, #tpu.memory_space<vmem>>) dst(%dma_wait3A_768 : memref<10000xf32, #tpu.memory_space<vmem_shared>>)
        } else {
        }
      } else {
      }
      %rem3A_548 = arith.constant 2 : i32
      %rem3A_549 = arith.remsi %add3A_494, %rem3A_548 : i32
      %rem3A_550 = arith.constant 4 : i32
      %rem3A_551 = arith.remsi %add3A_494, %rem3A_550 : i32
      %dma_start3A_552 = arith.constant 0 : i32
      %dma_start3A_553 = arith.constant 0 : i32
      %dma_start3A_554 = tpu.memref_slice %arg15[%rem3A_549, %dma_start3A_552, %dma_start3A_553] : memref<2x256x64xf32, #tpu.memory_space<vmem>> -> memref<1x256x64xf32, #tpu.memory_space<vmem>>
      %dma_start3A_555 = tpu.memref_squeeze %dma_start3A_554 : memref<1x256x64xf32, #tpu.memory_space<vmem>> -> memref<256x64xf32, #tpu.memory_space<vmem>>
      %dma_start3A_556 = arith.constant 0 : i32
      %dma_start3A_557 = tpu.memref_slice %arg13[%rem3A_551, %dma_start3A_556] : memref<4x256xi32, #tpu.memory_space<vmem>> -> memref<1x256xi32, #tpu.memory_space<vmem>>
      %dma_start3A_558 = tpu.memref_squeeze %dma_start3A_557 : memref<1x256xi32, #tpu.memory_space<vmem>> -> memref<256xi32, #tpu.memory_space<vmem>>
      %dma_start3A_559 = arith.constant 0 : i32
      %dma_start3A_560 = arith.constant 0 : i32
      %dma_start3A_561 = tpu.memref_slice %arg7[%arg0, %dma_start3A_559, %dma_start3A_560] : memref<2x10000x64xf32, #tpu.memory_space<hbm>> -> memref<1x10000x64xf32, #tpu.memory_space<hbm>>
      %dma_start3A_562 = tpu.memref_squeeze %dma_start3A_561 : memref<1x10000x64xf32, #tpu.memory_space<hbm>> -> memref<10000x64xf32, #tpu.memory_space<hbm>>
      %dma_start3A_563 = arith.constant 0 : i32
      %dma_start3A_564 = arith.constant 0 : i32
      %dma_start3A_565 = tpu.memref_slice %dma_start3A_562[%dma_start3A_563, %dma_start3A_564] : memref<10000x64xf32, #tpu.memory_space<hbm>> -> memref<10000x64xf32, #tpu.memory_space<hbm>>
      %dma_start3A_566 = tpu.memref_slice %arg20[%rem3A_549] : memref<2x!tpu.dma_semaphore, #tpu.memory_space<semaphore_mem>> -> memref<1x!tpu.dma_semaphore, #tpu.memory_space<semaphore_mem>>
      %dma_start3A_567 = tpu.memref_squeeze %dma_start3A_566 : memref<1x!tpu.dma_semaphore, #tpu.memory_space<semaphore_mem>> -> memref<!tpu.dma_semaphore, #tpu.memory_space<semaphore_mem>>
      tpu.enqueue_indirect_dma source(%dma_start3A_565 : memref<10000x64xf32, #tpu.memory_space<hbm>>) target(%dma_start3A_555 : memref<256x64xf32, #tpu.memory_space<vmem>>) offsets(%dma_start3A_558 : memref<256xi32, #tpu.memory_space<vmem>>) semaphore(%dma_start3A_567 : memref<!tpu.dma_semaphore, #tpu.memory_space<semaphore_mem>>)
      %sub3A_568 = arith.constant 1 : i32
      %sub3A_569 = arith.subi %add3A_494, %sub3A_568 : i32
      %rem3A_570 = arith.constant 2 : i32
      %rem3A_571 = arith.remsi %sub3A_569, %rem3A_570 : i32
      %rem3A_572 = arith.constant 4 : i32
      %rem3A_573 = arith.remsi %sub3A_569, %rem3A_572 : i32
      %dma_wait3A_574 = arith.constant 0 : i32
      %dma_wait3A_575 = arith.constant 0 : i32
      %dma_wait3A_576 = tpu.memref_slice %arg15[%rem3A_571, %dma_wait3A_574, %dma_wait3A_575] : memref<2x256x64xf32, #tpu.memory_space<vmem>> -> memref<1x256x64xf32, #tpu.memory_space<vmem>>
      %dma_wait3A_577 = tpu.memref_squeeze %dma_wait3A_576 : memref<1x256x64xf32, #tpu.memory_space<vmem>> -> memref<256x64xf32, #tpu.memory_space<vmem>>
      %dma_wait3A_578 = arith.constant 0 : i32
      %dma_wait3A_579 = tpu.memref_slice %arg13[%rem3A_573, %dma_wait3A_578] : memref<4x256xi32, #tpu.memory_space<vmem>> -> memref<1x256xi32, #tpu.memory_space<vmem>>
      %dma_wait3A_580 = tpu.memref_squeeze %dma_wait3A_579 : memref<1x256xi32, #tpu.memory_space<vmem>> -> memref<256xi32, #tpu.memory_space<vmem>>
      %dma_wait3A_581 = arith.constant 0 : i32
      %dma_wait3A_582 = arith.constant 0 : i32
      %dma_wait3A_583 = tpu.memref_slice %arg7[%arg0, %dma_wait3A_581, %dma_wait3A_582] : memref<2x10000x64xf32, #tpu.memory_space<hbm>> -> memref<1x10000x64xf32, #tpu.memory_space<hbm>>
      %dma_wait3A_584 = tpu.memref_squeeze %dma_wait3A_583 : memref<1x10000x64xf32, #tpu.memory_space<hbm>> -> memref<10000x64xf32, #tpu.memory_space<hbm>>
      %dma_wait3A_585 = arith.constant 0 : i32
      %dma_wait3A_586 = arith.constant 0 : i32
      %dma_wait3A_587 = tpu.memref_slice %dma_wait3A_584[%dma_wait3A_585, %dma_wait3A_586] : memref<10000x64xf32, #tpu.memory_space<hbm>> -> memref<10000x64xf32, #tpu.memory_space<hbm>>
      %dma_wait3A_588 = tpu.memref_slice %arg20[%rem3A_571] : memref<2x!tpu.dma_semaphore, #tpu.memory_space<semaphore_mem>> -> memref<1x!tpu.dma_semaphore, #tpu.memory_space<semaphore_mem>>
      %dma_wait3A_589 = tpu.memref_squeeze %dma_wait3A_588 : memref<1x!tpu.dma_semaphore, #tpu.memory_space<semaphore_mem>> -> memref<!tpu.dma_semaphore, #tpu.memory_space<semaphore_mem>>
      tpu.wait_indirect_dma semaphore(%dma_wait3A_589 : memref<!tpu.dma_semaphore, #tpu.memory_space<semaphore_mem>>) src(%dma_wait3A_587 : memref<10000x64xf32, #tpu.memory_space<hbm>>) dst(%dma_wait3A_577 : memref<256x64xf32, #tpu.memory_space<vmem>>)
      %sub3A_590 = arith.constant 1 : i32
      %sub3A_591 = arith.subi %add3A_494, %sub3A_590 : i32
      %rem3A_592 = arith.constant 2 : i32
      %rem3A_593 = arith.remsi %sub3A_591, %rem3A_592 : i32
      %rem3A_594 = arith.constant 4 : i32
      %rem3A_595 = arith.remsi %sub3A_591, %rem3A_594 : i32
      %dma_start3A_596 = arith.constant 0 : i32
      %dma_start3A_597 = arith.constant 0 : i32
      %dma_start3A_598 = tpu.memref_slice %arg15[%rem3A_593, %dma_start3A_596, %dma_start3A_597] : memref<2x256x64xf32, #tpu.memory_space<vmem>> -> memref<1x256x64xf32, #tpu.memory_space<vmem>>
      %dma_start3A_599 = tpu.memref_squeeze %dma_start3A_598 : memref<1x256x64xf32, #tpu.memory_space<vmem>> -> memref<256x64xf32, #tpu.memory_space<vmem>>
      %dma_start3A_600 = arith.constant 0 : i32
      %dma_start3A_601 = tpu.memref_slice %arg14[%rem3A_595, %dma_start3A_600] : memref<4x256xi32, #tpu.memory_space<vmem>> -> memref<1x256xi32, #tpu.memory_space<vmem>>
      %dma_start3A_602 = tpu.memref_squeeze %dma_start3A_601 : memref<1x256xi32, #tpu.memory_space<vmem>> -> memref<256xi32, #tpu.memory_space<vmem>>
      %dma_start3A_603 = arith.constant 0 : i32
      %dma_start3A_604 = arith.constant 0 : i32
      %dma_start3A_605 = tpu.memref_slice %arg8[%dma_start3A_603, %dma_start3A_604] : memref<10000x64xf32, #tpu.memory_space<vmem_shared>> -> memref<10000x64xf32, #tpu.memory_space<vmem_shared>>
      %dma_start3A_606 = tpu.memref_slice %arg21[%rem3A_593] : memref<2x!tpu.dma_semaphore, #tpu.memory_space<semaphore_mem>> -> memref<1x!tpu.dma_semaphore, #tpu.memory_space<semaphore_mem>>
      %dma_start3A_607 = tpu.memref_squeeze %dma_start3A_606 : memref<1x!tpu.dma_semaphore, #tpu.memory_space<semaphore_mem>> -> memref<!tpu.dma_semaphore, #tpu.memory_space<semaphore_mem>>
      tpu.enqueue_indirect_dma source(%dma_start3A_599 : memref<256x64xf32, #tpu.memory_space<vmem>>) target(%dma_start3A_605 : memref<10000x64xf32, #tpu.memory_space<vmem_shared>>) offsets(%dma_start3A_602 : memref<256xi32, #tpu.memory_space<vmem>>) semaphore(%dma_start3A_607 : memref<!tpu.dma_semaphore, #tpu.memory_space<semaphore_mem>>) {add = true}
      %eq3A_608 = arith.constant 0 : i32
      %eq3A_609 = arith.cmpi eq, %arg0, %eq3A_608 : i32
      %convert_element_type3A_610 = arith.extui %eq3A_609 : i1 to i32
      %cond3A_611 = arith.constant 0 : i32
      %cond3A_612 = arith.cmpi ne, %convert_element_type3A_610, %cond3A_611 : i32
      scf.if %cond3A_612 {
        %rem3A_737 = arith.constant 2 : i32
        %rem3A_738 = arith.remsi %sub3A_591, %rem3A_737 : i32
        %rem3A_739 = arith.constant 4 : i32
        %rem3A_740 = arith.remsi %sub3A_591, %rem3A_739 : i32
        %dma_start3A_741 = arith.constant 0 : i32
        %dma_start3A_742 = tpu.memref_slice %arg14[%rem3A_740, %dma_start3A_741] : memref<4x256xi32, #tpu.memory_space<vmem>> -> memref<1x256xi32, #tpu.memory_space<vmem>>
        %dma_start3A_743 = tpu.memref_squeeze %dma_start3A_742 : memref<1x256xi32, #tpu.memory_space<vmem>> -> memref<256xi32, #tpu.memory_space<vmem>>
        %dma_start3A_744 = arith.constant 0 : i32
        %dma_start3A_745 = tpu.memref_slice %arg9[%dma_start3A_744] : memref<10000xf32, #tpu.memory_space<vmem_shared>> -> memref<10000xf32, #tpu.memory_space<vmem_shared>>
        %dma_start3A_746 = tpu.memref_slice %arg22[%rem3A_738] : memref<2x!tpu.dma_semaphore, #tpu.memory_space<semaphore_mem>> -> memref<1x!tpu.dma_semaphore, #tpu.memory_space<semaphore_mem>>
        %dma_start3A_747 = tpu.memref_squeeze %dma_start3A_746 : memref<1x!tpu.dma_semaphore, #tpu.memory_space<semaphore_mem>> -> memref<!tpu.dma_semaphore, #tpu.memory_space<semaphore_mem>>
        tpu.enqueue_indirect_dma source(%arg16 : memref<256xf32, #tpu.memory_space<vmem>>) target(%dma_start3A_745 : memref<10000xf32, #tpu.memory_space<vmem_shared>>) offsets(%dma_start3A_743 : memref<256xi32, #tpu.memory_space<vmem>>) semaphore(%dma_start3A_747 : memref<!tpu.dma_semaphore, #tpu.memory_space<semaphore_mem>>) {add = true}
      } else {
      }
      %scan3A_613 = arith.constant 1 : i32
      %scan3A_614 = arith.addi %scan3A_490, %scan3A_613 : i32
      %mul3A_615 = arith.constant 1 : i32
      %mul3A_616 = arith.muli %scan3A_614, %mul3A_615 : i32
      %add3A_617 = arith.constant 1 : i32
      %add3A_618 = arith.addi %add3A_617, %mul3A_616 : i32
      %add3A_619 = arith.constant 1 : i32
      %add3A_620 = arith.addi %add3A_618, %add3A_619 : i32
      %lt3A_621 = arith.cmpi slt, %add3A_620, %add3A_80 : i32
      %convert_element_type3A_622 = arith.extui %lt3A_621 : i1 to i32
      %cond3A_623 = arith.constant 0 : i32
      %cond3A_624 = arith.cmpi ne, %convert_element_type3A_622, %cond3A_623 : i32
      scf.if %cond3A_624 {
        %add3A_737 = arith.constant 1 : i32
        %add3A_738 = arith.addi %add3A_618, %add3A_737 : i32
        %rem3A_739 = arith.constant 4 : i32
        %rem3A_740 = arith.remsi %add3A_738, %rem3A_739 : i32
        %add3A_741 = arith.addi %add3A_76, %add3A_738 : i32
        %mul3A_742 = arith.constant 256 : i32
        %mul3A_743 = arith.muli %add3A_741, %mul3A_742 : i32
        %dma_start3A_744 = arith.constant 0 : i32
        %dma_start3A_745 = tpu.memref_slice %arg13[%rem3A_740, %dma_start3A_744] : memref<4x256xi32, #tpu.memory_space<vmem>> -> memref<1x256xi32, #tpu.memory_space<vmem>>
        %dma_start3A_746 = tpu.memref_squeeze %dma_start3A_745 : memref<1x256xi32, #tpu.memory_space<vmem>> -> memref<256xi32, #tpu.memory_space<vmem>>
        %dma_start3A_747 = arith.constant 0 : i32
        %dma_start3A_748 = tpu.memref_slice %arg4[%scan3A_245, %dma_start3A_747] : memref<2x320000xi32, #tpu.memory_space<hbm>> -> memref<1x320000xi32, #tpu.memory_space<hbm>>
        %dma_start3A_749 = tpu.memref_squeeze %dma_start3A_748 : memref<1x320000xi32, #tpu.memory_space<hbm>> -> memref<320000xi32, #tpu.memory_space<hbm>>
        %dma_start3A_750 = tpu.memref_slice %dma_start3A_749[%mul3A_743] : memref<320000xi32, #tpu.memory_space<hbm>> -> memref<256xi32, #tpu.memory_space<hbm>>
        %dma_start3A_751 = tpu.memref_slice %arg18[%rem3A_740] : memref<4x!tpu.dma_semaphore, #tpu.memory_space<semaphore_mem>> -> memref<1x!tpu.dma_semaphore, #tpu.memory_space<semaphore_mem>>
        %dma_start3A_752 = tpu.memref_squeeze %dma_start3A_751 : memref<1x!tpu.dma_semaphore, #tpu.memory_space<semaphore_mem>> -> memref<!tpu.dma_semaphore, #tpu.memory_space<semaphore_mem>>
        %dma_start3A_753 = arith.constant 0 : i32
        %dma_start3A_754 = tpu.memref_slice %arg13[%rem3A_740, %dma_start3A_753] : memref<4x256xi32, #tpu.memory_space<vmem>> -> memref<1x256xi32, #tpu.memory_space<vmem>>
        %dma_start3A_755 = tpu.memref_squeeze %dma_start3A_754 : memref<1x256xi32, #tpu.memory_space<vmem>> -> memref<256xi32, #tpu.memory_space<vmem>>
        %dma_start3A_756 = arith.constant 0 : i32
        %dma_start3A_757 = tpu.memref_slice %arg4[%scan3A_245, %dma_start3A_756] : memref<2x320000xi32, #tpu.memory_space<hbm>> -> memref<1x320000xi32, #tpu.memory_space<hbm>>
        %dma_start3A_758 = tpu.memref_squeeze %dma_start3A_757 : memref<1x320000xi32, #tpu.memory_space<hbm>> -> memref<320000xi32, #tpu.memory_space<hbm>>
        %dma_start3A_759 = tpu.memref_slice %dma_start3A_758[%mul3A_743] : memref<320000xi32, #tpu.memory_space<hbm>> -> memref<256xi32, #tpu.memory_space<hbm>>
        tpu.enqueue_dma source(%dma_start3A_759 : memref<256xi32, #tpu.memory_space<hbm>>) target(%dma_start3A_755 : memref<256xi32, #tpu.memory_space<vmem>>) target_semaphore(%dma_start3A_752 : memref<!tpu.dma_semaphore, #tpu.memory_space<semaphore_mem>>)
        %rem3A_760 = arith.constant 4 : i32
        %rem3A_761 = arith.remsi %add3A_738, %rem3A_760 : i32
        %add3A_762 = arith.addi %add3A_76, %add3A_738 : i32
        %mul3A_763 = arith.constant 256 : i32
        %mul3A_764 = arith.muli %add3A_762, %mul3A_763 : i32
        %dma_start3A_765 = arith.constant 0 : i32
        %dma_start3A_766 = tpu.memref_slice %arg14[%rem3A_761, %dma_start3A_765] : memref<4x256xi32, #tpu.memory_space<vmem>> -> memref<1x256xi32, #tpu.memory_space<vmem>>
        %dma_start3A_767 = tpu.memref_squeeze %dma_start3A_766 : memref<1x256xi32, #tpu.memory_space<vmem>> -> memref<256xi32, #tpu.memory_space<vmem>>
        %dma_start3A_768 = arith.constant 0 : i32
        %dma_start3A_769 = tpu.memref_slice %arg4[%scan3A_246, %dma_start3A_768] : memref<2x320000xi32, #tpu.memory_space<hbm>> -> memref<1x320000xi32, #tpu.memory_space<hbm>>
        %dma_start3A_770 = tpu.memref_squeeze %dma_start3A_769 : memref<1x320000xi32, #tpu.memory_space<hbm>> -> memref<320000xi32, #tpu.memory_space<hbm>>
        %dma_start3A_771 = tpu.memref_slice %dma_start3A_770[%mul3A_764] : memref<320000xi32, #tpu.memory_space<hbm>> -> memref<256xi32, #tpu.memory_space<hbm>>
        %dma_start3A_772 = tpu.memref_slice %arg19[%rem3A_761] : memref<4x!tpu.dma_semaphore, #tpu.memory_space<semaphore_mem>> -> memref<1x!tpu.dma_semaphore, #tpu.memory_space<semaphore_mem>>
        %dma_start3A_773 = tpu.memref_squeeze %dma_start3A_772 : memref<1x!tpu.dma_semaphore, #tpu.memory_space<semaphore_mem>> -> memref<!tpu.dma_semaphore, #tpu.memory_space<semaphore_mem>>
        %dma_start3A_774 = arith.constant 0 : i32
        %dma_start3A_775 = tpu.memref_slice %arg14[%rem3A_761, %dma_start3A_774] : memref<4x256xi32, #tpu.memory_space<vmem>> -> memref<1x256xi32, #tpu.memory_space<vmem>>
        %dma_start3A_776 = tpu.memref_squeeze %dma_start3A_775 : memref<1x256xi32, #tpu.memory_space<vmem>> -> memref<256xi32, #tpu.memory_space<vmem>>
        %dma_start3A_777 = arith.constant 0 : i32
        %dma_start3A_778 = tpu.memref_slice %arg4[%scan3A_246, %dma_start3A_777] : memref<2x320000xi32, #tpu.memory_space<hbm>> -> memref<1x320000xi32, #tpu.memory_space<hbm>>
        %dma_start3A_779 = tpu.memref_squeeze %dma_start3A_778 : memref<1x320000xi32, #tpu.memory_space<hbm>> -> memref<320000xi32, #tpu.memory_space<hbm>>
        %dma_start3A_780 = tpu.memref_slice %dma_start3A_779[%mul3A_764] : memref<320000xi32, #tpu.memory_space<hbm>> -> memref<256xi32, #tpu.memory_space<hbm>>
        tpu.enqueue_dma source(%dma_start3A_780 : memref<256xi32, #tpu.memory_space<hbm>>) target(%dma_start3A_776 : memref<256xi32, #tpu.memory_space<vmem>>) target_semaphore(%dma_start3A_773 : memref<!tpu.dma_semaphore, #tpu.memory_space<semaphore_mem>>)
      } else {
      }
      %rem3A_625 = arith.constant 4 : i32
      %rem3A_626 = arith.remsi %add3A_618, %rem3A_625 : i32
      %add3A_627 = arith.addi %add3A_76, %add3A_618 : i32
      %mul3A_628 = arith.constant 256 : i32
      %mul3A_629 = arith.muli %add3A_627, %mul3A_628 : i32
      %dma_wait3A_630 = arith.constant 0 : i32
      %dma_wait3A_631 = tpu.memref_slice %arg13[%rem3A_626, %dma_wait3A_630] : memref<4x256xi32, #tpu.memory_space<vmem>> -> memref<1x256xi32, #tpu.memory_space<vmem>>
      %dma_wait3A_632 = tpu.memref_squeeze %dma_wait3A_631 : memref<1x256xi32, #tpu.memory_space<vmem>> -> memref<256xi32, #tpu.memory_space<vmem>>
      %dma_wait3A_633 = arith.constant 0 : i32
      %dma_wait3A_634 = tpu.memref_slice %arg4[%scan3A_245, %dma_wait3A_633] : memref<2x320000xi32, #tpu.memory_space<hbm>> -> memref<1x320000xi32, #tpu.memory_space<hbm>>
      %dma_wait3A_635 = tpu.memref_squeeze %dma_wait3A_634 : memref<1x320000xi32, #tpu.memory_space<hbm>> -> memref<320000xi32, #tpu.memory_space<hbm>>
      %dma_wait3A_636 = tpu.memref_slice %dma_wait3A_635[%mul3A_629] : memref<320000xi32, #tpu.memory_space<hbm>> -> memref<256xi32, #tpu.memory_space<hbm>>
      %dma_wait3A_637 = tpu.memref_slice %arg18[%rem3A_626] : memref<4x!tpu.dma_semaphore, #tpu.memory_space<semaphore_mem>> -> memref<1x!tpu.dma_semaphore, #tpu.memory_space<semaphore_mem>>
      %dma_wait3A_638 = tpu.memref_squeeze %dma_wait3A_637 : memref<1x!tpu.dma_semaphore, #tpu.memory_space<semaphore_mem>> -> memref<!tpu.dma_semaphore, #tpu.memory_space<semaphore_mem>>
      %dma_wait3A_639 = arith.constant 0 : i32
      %dma_wait3A_640 = tpu.memref_slice %arg13[%rem3A_626, %dma_wait3A_639] : memref<4x256xi32, #tpu.memory_space<vmem>> -> memref<1x256xi32, #tpu.memory_space<vmem>>
      %dma_wait3A_641 = tpu.memref_squeeze %dma_wait3A_640 : memref<1x256xi32, #tpu.memory_space<vmem>> -> memref<256xi32, #tpu.memory_space<vmem>>
      %dma_wait3A_642 = arith.constant 0 : i32
      %dma_wait3A_643 = tpu.memref_slice %arg4[%scan3A_245, %dma_wait3A_642] : memref<2x320000xi32, #tpu.memory_space<hbm>> -> memref<1x320000xi32, #tpu.memory_space<hbm>>
      %dma_wait3A_644 = tpu.memref_squeeze %dma_wait3A_643 : memref<1x320000xi32, #tpu.memory_space<hbm>> -> memref<320000xi32, #tpu.memory_space<hbm>>
      %dma_wait3A_645 = tpu.memref_slice %dma_wait3A_644[%mul3A_629] : memref<320000xi32, #tpu.memory_space<hbm>> -> memref<256xi32, #tpu.memory_space<hbm>>
      tpu.wait_dma2 semaphore(%dma_wait3A_638 : memref<!tpu.dma_semaphore, #tpu.memory_space<semaphore_mem>>) src(%dma_wait3A_645 : memref<256xi32, #tpu.memory_space<hbm>>) dst(%dma_wait3A_641 : memref<256xi32, #tpu.memory_space<vmem>>)
      %rem3A_646 = arith.constant 4 : i32
      %rem3A_647 = arith.remsi %add3A_618, %rem3A_646 : i32
      %add3A_648 = arith.addi %add3A_76, %add3A_618 : i32
      %mul3A_649 = arith.constant 256 : i32
      %mul3A_650 = arith.muli %add3A_648, %mul3A_649 : i32
      %dma_wait3A_651 = arith.constant 0 : i32
      %dma_wait3A_652 = tpu.memref_slice %arg14[%rem3A_647, %dma_wait3A_651] : memref<4x256xi32, #tpu.memory_space<vmem>> -> memref<1x256xi32, #tpu.memory_space<vmem>>
      %dma_wait3A_653 = tpu.memref_squeeze %dma_wait3A_652 : memref<1x256xi32, #tpu.memory_space<vmem>> -> memref<256xi32, #tpu.memory_space<vmem>>
      %dma_wait3A_654 = arith.constant 0 : i32
      %dma_wait3A_655 = tpu.memref_slice %arg4[%scan3A_246, %dma_wait3A_654] : memref<2x320000xi32, #tpu.memory_space<hbm>> -> memref<1x320000xi32, #tpu.memory_space<hbm>>
      %dma_wait3A_656 = tpu.memref_squeeze %dma_wait3A_655 : memref<1x320000xi32, #tpu.memory_space<hbm>> -> memref<320000xi32, #tpu.memory_space<hbm>>
      %dma_wait3A_657 = tpu.memref_slice %dma_wait3A_656[%mul3A_650] : memref<320000xi32, #tpu.memory_space<hbm>> -> memref<256xi32, #tpu.memory_space<hbm>>
      %dma_wait3A_658 = tpu.memref_slice %arg19[%rem3A_647] : memref<4x!tpu.dma_semaphore, #tpu.memory_space<semaphore_mem>> -> memref<1x!tpu.dma_semaphore, #tpu.memory_space<semaphore_mem>>
      %dma_wait3A_659 = tpu.memref_squeeze %dma_wait3A_658 : memref<1x!tpu.dma_semaphore, #tpu.memory_space<semaphore_mem>> -> memref<!tpu.dma_semaphore, #tpu.memory_space<semaphore_mem>>
      %dma_wait3A_660 = arith.constant 0 : i32
      %dma_wait3A_661 = tpu.memref_slice %arg14[%rem3A_647, %dma_wait3A_660] : memref<4x256xi32, #tpu.memory_space<vmem>> -> memref<1x256xi32, #tpu.memory_space<vmem>>
      %dma_wait3A_662 = tpu.memref_squeeze %dma_wait3A_661 : memref<1x256xi32, #tpu.memory_space<vmem>> -> memref<256xi32, #tpu.memory_space<vmem>>
      %dma_wait3A_663 = arith.constant 0 : i32
      %dma_wait3A_664 = tpu.memref_slice %arg4[%scan3A_246, %dma_wait3A_663] : memref<2x320000xi32, #tpu.memory_space<hbm>> -> memref<1x320000xi32, #tpu.memory_space<hbm>>
      %dma_wait3A_665 = tpu.memref_squeeze %dma_wait3A_664 : memref<1x320000xi32, #tpu.memory_space<hbm>> -> memref<320000xi32, #tpu.memory_space<hbm>>
      %dma_wait3A_666 = tpu.memref_slice %dma_wait3A_665[%mul3A_650] : memref<320000xi32, #tpu.memory_space<hbm>> -> memref<256xi32, #tpu.memory_space<hbm>>
      tpu.wait_dma2 semaphore(%dma_wait3A_659 : memref<!tpu.dma_semaphore, #tpu.memory_space<semaphore_mem>>) src(%dma_wait3A_666 : memref<256xi32, #tpu.memory_space<hbm>>) dst(%dma_wait3A_662 : memref<256xi32, #tpu.memory_space<vmem>>)
      %ge3A_667 = arith.constant 2 : i32
      %ge3A_668 = arith.cmpi sge, %add3A_618, %ge3A_667 : i32
      %convert_element_type3A_669 = arith.extui %ge3A_668 : i1 to i32
      %cond3A_670 = arith.constant 0 : i32
      %cond3A_671 = arith.cmpi ne, %convert_element_type3A_669, %cond3A_670 : i32
      scf.if %cond3A_671 {
        %sub3A_737 = arith.constant 2 : i32
        %sub3A_738 = arith.subi %add3A_618, %sub3A_737 : i32
        %rem3A_739 = arith.constant 2 : i32
        %rem3A_740 = arith.remsi %sub3A_738, %rem3A_739 : i32
        %rem3A_741 = arith.constant 4 : i32
        %rem3A_742 = arith.remsi %sub3A_738, %rem3A_741 : i32
        %dma_wait3A_743 = arith.constant 0 : i32
        %dma_wait3A_744 = arith.constant 0 : i32
        %dma_wait3A_745 = tpu.memref_slice %arg15[%rem3A_740, %dma_wait3A_743, %dma_wait3A_744] : memref<2x256x64xf32, #tpu.memory_space<vmem>> -> memref<1x256x64xf32, #tpu.memory_space<vmem>>
        %dma_wait3A_746 = tpu.memref_squeeze %dma_wait3A_745 : memref<1x256x64xf32, #tpu.memory_space<vmem>> -> memref<256x64xf32, #tpu.memory_space<vmem>>
        %dma_wait3A_747 = arith.constant 0 : i32
        %dma_wait3A_748 = tpu.memref_slice %arg14[%rem3A_742, %dma_wait3A_747] : memref<4x256xi32, #tpu.memory_space<vmem>> -> memref<1x256xi32, #tpu.memory_space<vmem>>
        %dma_wait3A_749 = tpu.memref_squeeze %dma_wait3A_748 : memref<1x256xi32, #tpu.memory_space<vmem>> -> memref<256xi32, #tpu.memory_space<vmem>>
        %dma_wait3A_750 = arith.constant 0 : i32
        %dma_wait3A_751 = arith.constant 0 : i32
        %dma_wait3A_752 = tpu.memref_slice %arg8[%dma_wait3A_750, %dma_wait3A_751] : memref<10000x64xf32, #tpu.memory_space<vmem_shared>> -> memref<10000x64xf32, #tpu.memory_space<vmem_shared>>
        %dma_wait3A_753 = tpu.memref_slice %arg21[%rem3A_740] : memref<2x!tpu.dma_semaphore, #tpu.memory_space<semaphore_mem>> -> memref<1x!tpu.dma_semaphore, #tpu.memory_space<semaphore_mem>>
        %dma_wait3A_754 = tpu.memref_squeeze %dma_wait3A_753 : memref<1x!tpu.dma_semaphore, #tpu.memory_space<semaphore_mem>> -> memref<!tpu.dma_semaphore, #tpu.memory_space<semaphore_mem>>
        tpu.wait_indirect_dma semaphore(%dma_wait3A_754 : memref<!tpu.dma_semaphore, #tpu.memory_space<semaphore_mem>>) src(%dma_wait3A_746 : memref<256x64xf32, #tpu.memory_space<vmem>>) dst(%dma_wait3A_752 : memref<10000x64xf32, #tpu.memory_space<vmem_shared>>)
        %eq3A_755 = arith.constant 0 : i32
        %eq3A_756 = arith.cmpi eq, %arg0, %eq3A_755 : i32
        %convert_element_type3A_757 = arith.extui %eq3A_756 : i1 to i32
        %cond3A_758 = arith.constant 0 : i32
        %cond3A_759 = arith.cmpi ne, %convert_element_type3A_757, %cond3A_758 : i32
        scf.if %cond3A_759 {
          %rem3A_760 = arith.constant 2 : i32
          %rem3A_761 = arith.remsi %sub3A_738, %rem3A_760 : i32
          %rem3A_762 = arith.constant 4 : i32
          %rem3A_763 = arith.remsi %sub3A_738, %rem3A_762 : i32
          %dma_wait3A_764 = arith.constant 0 : i32
          %dma_wait3A_765 = tpu.memref_slice %arg14[%rem3A_763, %dma_wait3A_764] : memref<4x256xi32, #tpu.memory_space<vmem>> -> memref<1x256xi32, #tpu.memory_space<vmem>>
          %dma_wait3A_766 = tpu.memref_squeeze %dma_wait3A_765 : memref<1x256xi32, #tpu.memory_space<vmem>> -> memref<256xi32, #tpu.memory_space<vmem>>
          %dma_wait3A_767 = arith.constant 0 : i32
          %dma_wait3A_768 = tpu.memref_slice %arg9[%dma_wait3A_767] : memref<10000xf32, #tpu.memory_space<vmem_shared>> -> memref<10000xf32, #tpu.memory_space<vmem_shared>>
          %dma_wait3A_769 = tpu.memref_slice %arg22[%rem3A_761] : memref<2x!tpu.dma_semaphore, #tpu.memory_space<semaphore_mem>> -> memref<1x!tpu.dma_semaphore, #tpu.memory_space<semaphore_mem>>
          %dma_wait3A_770 = tpu.memref_squeeze %dma_wait3A_769 : memref<1x!tpu.dma_semaphore, #tpu.memory_space<semaphore_mem>> -> memref<!tpu.dma_semaphore, #tpu.memory_space<semaphore_mem>>
          tpu.wait_indirect_dma semaphore(%dma_wait3A_770 : memref<!tpu.dma_semaphore, #tpu.memory_space<semaphore_mem>>) src(%arg16 : memref<256xf32, #tpu.memory_space<vmem>>) dst(%dma_wait3A_768 : memref<10000xf32, #tpu.memory_space<vmem_shared>>)
        } else {
        }
      } else {
      }
      %rem3A_672 = arith.constant 2 : i32
      %rem3A_673 = arith.remsi %add3A_618, %rem3A_672 : i32
      %rem3A_674 = arith.constant 4 : i32
      %rem3A_675 = arith.remsi %add3A_618, %rem3A_674 : i32
      %dma_start3A_676 = arith.constant 0 : i32
      %dma_start3A_677 = arith.constant 0 : i32
      %dma_start3A_678 = tpu.memref_slice %arg15[%rem3A_673, %dma_start3A_676, %dma_start3A_677] : memref<2x256x64xf32, #tpu.memory_space<vmem>> -> memref<1x256x64xf32, #tpu.memory_space<vmem>>
      %dma_start3A_679 = tpu.memref_squeeze %dma_start3A_678 : memref<1x256x64xf32, #tpu.memory_space<vmem>> -> memref<256x64xf32, #tpu.memory_space<vmem>>
      %dma_start3A_680 = arith.constant 0 : i32
      %dma_start3A_681 = tpu.memref_slice %arg13[%rem3A_675, %dma_start3A_680] : memref<4x256xi32, #tpu.memory_space<vmem>> -> memref<1x256xi32, #tpu.memory_space<vmem>>
      %dma_start3A_682 = tpu.memref_squeeze %dma_start3A_681 : memref<1x256xi32, #tpu.memory_space<vmem>> -> memref<256xi32, #tpu.memory_space<vmem>>
      %dma_start3A_683 = arith.constant 0 : i32
      %dma_start3A_684 = arith.constant 0 : i32
      %dma_start3A_685 = tpu.memref_slice %arg7[%arg0, %dma_start3A_683, %dma_start3A_684] : memref<2x10000x64xf32, #tpu.memory_space<hbm>> -> memref<1x10000x64xf32, #tpu.memory_space<hbm>>
      %dma_start3A_686 = tpu.memref_squeeze %dma_start3A_685 : memref<1x10000x64xf32, #tpu.memory_space<hbm>> -> memref<10000x64xf32, #tpu.memory_space<hbm>>
      %dma_start3A_687 = arith.constant 0 : i32
      %dma_start3A_688 = arith.constant 0 : i32
      %dma_start3A_689 = tpu.memref_slice %dma_start3A_686[%dma_start3A_687, %dma_start3A_688] : memref<10000x64xf32, #tpu.memory_space<hbm>> -> memref<10000x64xf32, #tpu.memory_space<hbm>>
      %dma_start3A_690 = tpu.memref_slice %arg20[%rem3A_673] : memref<2x!tpu.dma_semaphore, #tpu.memory_space<semaphore_mem>> -> memref<1x!tpu.dma_semaphore, #tpu.memory_space<semaphore_mem>>
      %dma_start3A_691 = tpu.memref_squeeze %dma_start3A_690 : memref<1x!tpu.dma_semaphore, #tpu.memory_space<semaphore_mem>> -> memref<!tpu.dma_semaphore, #tpu.memory_space<semaphore_mem>>
      tpu.enqueue_indirect_dma source(%dma_start3A_689 : memref<10000x64xf32, #tpu.memory_space<hbm>>) target(%dma_start3A_679 : memref<256x64xf32, #tpu.memory_space<vmem>>) offsets(%dma_start3A_682 : memref<256xi32, #tpu.memory_space<vmem>>) semaphore(%dma_start3A_691 : memref<!tpu.dma_semaphore, #tpu.memory_space<semaphore_mem>>)
      %sub3A_692 = arith.constant 1 : i32
      %sub3A_693 = arith.subi %add3A_618, %sub3A_692 : i32
      %rem3A_694 = arith.constant 2 : i32
      %rem3A_695 = arith.remsi %sub3A_693, %rem3A_694 : i32
      %rem3A_696 = arith.constant 4 : i32
      %rem3A_697 = arith.remsi %sub3A_693, %rem3A_696 : i32
      %dma_wait3A_698 = arith.constant 0 : i32
      %dma_wait3A_699 = arith.constant 0 : i32
      %dma_wait3A_700 = tpu.memref_slice %arg15[%rem3A_695, %dma_wait3A_698, %dma_wait3A_699] : memref<2x256x64xf32, #tpu.memory_space<vmem>> -> memref<1x256x64xf32, #tpu.memory_space<vmem>>
      %dma_wait3A_701 = tpu.memref_squeeze %dma_wait3A_700 : memref<1x256x64xf32, #tpu.memory_space<vmem>> -> memref<256x64xf32, #tpu.memory_space<vmem>>
      %dma_wait3A_702 = arith.constant 0 : i32
      %dma_wait3A_703 = tpu.memref_slice %arg13[%rem3A_697, %dma_wait3A_702] : memref<4x256xi32, #tpu.memory_space<vmem>> -> memref<1x256xi32, #tpu.memory_space<vmem>>
      %dma_wait3A_704 = tpu.memref_squeeze %dma_wait3A_703 : memref<1x256xi32, #tpu.memory_space<vmem>> -> memref<256xi32, #tpu.memory_space<vmem>>
      %dma_wait3A_705 = arith.constant 0 : i32
      %dma_wait3A_706 = arith.constant 0 : i32
      %dma_wait3A_707 = tpu.memref_slice %arg7[%arg0, %dma_wait3A_705, %dma_wait3A_706] : memref<2x10000x64xf32, #tpu.memory_space<hbm>> -> memref<1x10000x64xf32, #tpu.memory_space<hbm>>
      %dma_wait3A_708 = tpu.memref_squeeze %dma_wait3A_707 : memref<1x10000x64xf32, #tpu.memory_space<hbm>> -> memref<10000x64xf32, #tpu.memory_space<hbm>>
      %dma_wait3A_709 = arith.constant 0 : i32
      %dma_wait3A_710 = arith.constant 0 : i32
      %dma_wait3A_711 = tpu.memref_slice %dma_wait3A_708[%dma_wait3A_709, %dma_wait3A_710] : memref<10000x64xf32, #tpu.memory_space<hbm>> -> memref<10000x64xf32, #tpu.memory_space<hbm>>
      %dma_wait3A_712 = tpu.memref_slice %arg20[%rem3A_695] : memref<2x!tpu.dma_semaphore, #tpu.memory_space<semaphore_mem>> -> memref<1x!tpu.dma_semaphore, #tpu.memory_space<semaphore_mem>>
      %dma_wait3A_713 = tpu.memref_squeeze %dma_wait3A_712 : memref<1x!tpu.dma_semaphore, #tpu.memory_space<semaphore_mem>> -> memref<!tpu.dma_semaphore, #tpu.memory_space<semaphore_mem>>
      tpu.wait_indirect_dma semaphore(%dma_wait3A_713 : memref<!tpu.dma_semaphore, #tpu.memory_space<semaphore_mem>>) src(%dma_wait3A_711 : memref<10000x64xf32, #tpu.memory_space<hbm>>) dst(%dma_wait3A_701 : memref<256x64xf32, #tpu.memory_space<vmem>>)
      %sub3A_714 = arith.constant 1 : i32
      %sub3A_715 = arith.subi %add3A_618, %sub3A_714 : i32
      %rem3A_716 = arith.constant 2 : i32
      %rem3A_717 = arith.remsi %sub3A_715, %rem3A_716 : i32
      %rem3A_718 = arith.constant 4 : i32
      %rem3A_719 = arith.remsi %sub3A_715, %rem3A_718 : i32
      %dma_start3A_720 = arith.constant 0 : i32
      %dma_start3A_721 = arith.constant 0 : i32
      %dma_start3A_722 = tpu.memref_slice %arg15[%rem3A_717, %dma_start3A_720, %dma_start3A_721] : memref<2x256x64xf32, #tpu.memory_space<vmem>> -> memref<1x256x64xf32, #tpu.memory_space<vmem>>
      %dma_start3A_723 = tpu.memref_squeeze %dma_start3A_722 : memref<1x256x64xf32, #tpu.memory_space<vmem>> -> memref<256x64xf32, #tpu.memory_space<vmem>>
      %dma_start3A_724 = arith.constant 0 : i32
      %dma_start3A_725 = tpu.memref_slice %arg14[%rem3A_719, %dma_start3A_724] : memref<4x256xi32, #tpu.memory_space<vmem>> -> memref<1x256xi32, #tpu.memory_space<vmem>>
      %dma_start3A_726 = tpu.memref_squeeze %dma_start3A_725 : memref<1x256xi32, #tpu.memory_space<vmem>> -> memref<256xi32, #tpu.memory_space<vmem>>
      %dma_start3A_727 = arith.constant 0 : i32
      %dma_start3A_728 = arith.constant 0 : i32
      %dma_start3A_729 = tpu.memref_slice %arg8[%dma_start3A_727, %dma_start3A_728] : memref<10000x64xf32, #tpu.memory_space<vmem_shared>> -> memref<10000x64xf32, #tpu.memory_space<vmem_shared>>
      %dma_start3A_730 = tpu.memref_slice %arg21[%rem3A_717] : memref<2x!tpu.dma_semaphore, #tpu.memory_space<semaphore_mem>> -> memref<1x!tpu.dma_semaphore, #tpu.memory_space<semaphore_mem>>
      %dma_start3A_731 = tpu.memref_squeeze %dma_start3A_730 : memref<1x!tpu.dma_semaphore, #tpu.memory_space<semaphore_mem>> -> memref<!tpu.dma_semaphore, #tpu.memory_space<semaphore_mem>>
      tpu.enqueue_indirect_dma source(%dma_start3A_723 : memref<256x64xf32, #tpu.memory_space<vmem>>) target(%dma_start3A_729 : memref<10000x64xf32, #tpu.memory_space<vmem_shared>>) offsets(%dma_start3A_726 : memref<256xi32, #tpu.memory_space<vmem>>) semaphore(%dma_start3A_731 : memref<!tpu.dma_semaphore, #tpu.memory_space<semaphore_mem>>) {add = true}
      %eq3A_732 = arith.constant 0 : i32
      %eq3A_733 = arith.cmpi eq, %arg0, %eq3A_732 : i32
      %convert_element_type3A_734 = arith.extui %eq3A_733 : i1 to i32
      %cond3A_735 = arith.constant 0 : i32
      %cond3A_736 = arith.cmpi ne, %convert_element_type3A_734, %cond3A_735 : i32
      scf.if %cond3A_736 {
        %rem3A_737 = arith.constant 2 : i32
        %rem3A_738 = arith.remsi %sub3A_715, %rem3A_737 : i32
        %rem3A_739 = arith.constant 4 : i32
        %rem3A_740 = arith.remsi %sub3A_715, %rem3A_739 : i32
        %dma_start3A_741 = arith.constant 0 : i32
        %dma_start3A_742 = tpu.memref_slice %arg14[%rem3A_740, %dma_start3A_741] : memref<4x256xi32, #tpu.memory_space<vmem>> -> memref<1x256xi32, #tpu.memory_space<vmem>>
        %dma_start3A_743 = tpu.memref_squeeze %dma_start3A_742 : memref<1x256xi32, #tpu.memory_space<vmem>> -> memref<256xi32, #tpu.memory_space<vmem>>
        %dma_start3A_744 = arith.constant 0 : i32
        %dma_start3A_745 = tpu.memref_slice %arg9[%dma_start3A_744] : memref<10000xf32, #tpu.memory_space<vmem_shared>> -> memref<10000xf32, #tpu.memory_space<vmem_shared>>
        %dma_start3A_746 = tpu.memref_slice %arg22[%rem3A_738] : memref<2x!tpu.dma_semaphore, #tpu.memory_space<semaphore_mem>> -> memref<1x!tpu.dma_semaphore, #tpu.memory_space<semaphore_mem>>
        %dma_start3A_747 = tpu.memref_squeeze %dma_start3A_746 : memref<1x!tpu.dma_semaphore, #tpu.memory_space<semaphore_mem>> -> memref<!tpu.dma_semaphore, #tpu.memory_space<semaphore_mem>>
        tpu.enqueue_indirect_dma source(%arg16 : memref<256xf32, #tpu.memory_space<vmem>>) target(%dma_start3A_745 : memref<10000xf32, #tpu.memory_space<vmem_shared>>) offsets(%dma_start3A_743 : memref<256xi32, #tpu.memory_space<vmem>>) semaphore(%dma_start3A_747 : memref<!tpu.dma_semaphore, #tpu.memory_space<semaphore_mem>>) {add = true}
      } else {
      }
    }
    %scan3A_251 = arith.constant 76 : i32
    %scan3A_252 = arith.addi %scan3A_247, %scan3A_251 : i32
    %mul3A_253 = arith.constant 1 : i32
    %mul3A_254 = arith.muli %scan3A_252, %mul3A_253 : i32
    %add3A_255 = arith.constant 1 : i32
    %add3A_256 = arith.addi %add3A_255, %mul3A_254 : i32
    %add3A_257 = arith.constant 1 : i32
    %add3A_258 = arith.addi %add3A_256, %add3A_257 : i32
    %lt3A_259 = arith.cmpi slt, %add3A_258, %add3A_80 : i32
    %convert_element_type3A_260 = arith.extui %lt3A_259 : i1 to i32
    %cond3A_261 = arith.constant 0 : i32
    %cond3A_262 = arith.cmpi ne, %convert_element_type3A_260, %cond3A_261 : i32
    scf.if %cond3A_262 {
      %add3A_490 = arith.constant 1 : i32
      %add3A_491 = arith.addi %add3A_256, %add3A_490 : i32
      %rem3A_492 = arith.constant 4 : i32
      %rem3A_493 = arith.remsi %add3A_491, %rem3A_492 : i32
      %add3A_494 = arith.addi %add3A_76, %add3A_491 : i32
      %mul3A_495 = arith.constant 256 : i32
      %mul3A_496 = arith.muli %add3A_494, %mul3A_495 : i32
      %dma_start3A_497 = arith.constant 0 : i32
      %dma_start3A_498 = tpu.memref_slice %arg13[%rem3A_493, %dma_start3A_497] : memref<4x256xi32, #tpu.memory_space<vmem>> -> memref<1x256xi32, #tpu.memory_space<vmem>>
      %dma_start3A_499 = tpu.memref_squeeze %dma_start3A_498 : memref<1x256xi32, #tpu.memory_space<vmem>> -> memref<256xi32, #tpu.memory_space<vmem>>
      %dma_start3A_500 = arith.constant 0 : i32
      %dma_start3A_501 = tpu.memref_slice %arg4[%scan3A_245, %dma_start3A_500] : memref<2x320000xi32, #tpu.memory_space<hbm>> -> memref<1x320000xi32, #tpu.memory_space<hbm>>
      %dma_start3A_502 = tpu.memref_squeeze %dma_start3A_501 : memref<1x320000xi32, #tpu.memory_space<hbm>> -> memref<320000xi32, #tpu.memory_space<hbm>>
      %dma_start3A_503 = tpu.memref_slice %dma_start3A_502[%mul3A_496] : memref<320000xi32, #tpu.memory_space<hbm>> -> memref<256xi32, #tpu.memory_space<hbm>>
      %dma_start3A_504 = tpu.memref_slice %arg18[%rem3A_493] : memref<4x!tpu.dma_semaphore, #tpu.memory_space<semaphore_mem>> -> memref<1x!tpu.dma_semaphore, #tpu.memory_space<semaphore_mem>>
      %dma_start3A_505 = tpu.memref_squeeze %dma_start3A_504 : memref<1x!tpu.dma_semaphore, #tpu.memory_space<semaphore_mem>> -> memref<!tpu.dma_semaphore, #tpu.memory_space<semaphore_mem>>
      %dma_start3A_506 = arith.constant 0 : i32
      %dma_start3A_507 = tpu.memref_slice %arg13[%rem3A_493, %dma_start3A_506] : memref<4x256xi32, #tpu.memory_space<vmem>> -> memref<1x256xi32, #tpu.memory_space<vmem>>
      %dma_start3A_508 = tpu.memref_squeeze %dma_start3A_507 : memref<1x256xi32, #tpu.memory_space<vmem>> -> memref<256xi32, #tpu.memory_space<vmem>>
      %dma_start3A_509 = arith.constant 0 : i32
      %dma_start3A_510 = tpu.memref_slice %arg4[%scan3A_245, %dma_start3A_509] : memref<2x320000xi32, #tpu.memory_space<hbm>> -> memref<1x320000xi32, #tpu.memory_space<hbm>>
      %dma_start3A_511 = tpu.memref_squeeze %dma_start3A_510 : memref<1x320000xi32, #tpu.memory_space<hbm>> -> memref<320000xi32, #tpu.memory_space<hbm>>
      %dma_start3A_512 = tpu.memref_slice %dma_start3A_511[%mul3A_496] : memref<320000xi32, #tpu.memory_space<hbm>> -> memref<256xi32, #tpu.memory_space<hbm>>
      tpu.enqueue_dma source(%dma_start3A_512 : memref<256xi32, #tpu.memory_space<hbm>>) target(%dma_start3A_508 : memref<256xi32, #tpu.memory_space<vmem>>) target_semaphore(%dma_start3A_505 : memref<!tpu.dma_semaphore, #tpu.memory_space<semaphore_mem>>)
      %rem3A_513 = arith.constant 4 : i32
      %rem3A_514 = arith.remsi %add3A_491, %rem3A_513 : i32
      %add3A_515 = arith.addi %add3A_76, %add3A_491 : i32
      %mul3A_516 = arith.constant 256 : i32
      %mul3A_517 = arith.muli %add3A_515, %mul3A_516 : i32
      %dma_start3A_518 = arith.constant 0 : i32
      %dma_start3A_519 = tpu.memref_slice %arg14[%rem3A_514, %dma_start3A_518] : memref<4x256xi32, #tpu.memory_space<vmem>> -> memref<1x256xi32, #tpu.memory_space<vmem>>
      %dma_start3A_520 = tpu.memref_squeeze %dma_start3A_519 : memref<1x256xi32, #tpu.memory_space<vmem>> -> memref<256xi32, #tpu.memory_space<vmem>>
      %dma_start3A_521 = arith.constant 0 : i32
      %dma_start3A_522 = tpu.memref_slice %arg4[%scan3A_246, %dma_start3A_521] : memref<2x320000xi32, #tpu.memory_space<hbm>> -> memref<1x320000xi32, #tpu.memory_space<hbm>>
      %dma_start3A_523 = tpu.memref_squeeze %dma_start3A_522 : memref<1x320000xi32, #tpu.memory_space<hbm>> -> memref<320000xi32, #tpu.memory_space<hbm>>
      %dma_start3A_524 = tpu.memref_slice %dma_start3A_523[%mul3A_517] : memref<320000xi32, #tpu.memory_space<hbm>> -> memref<256xi32, #tpu.memory_space<hbm>>
      %dma_start3A_525 = tpu.memref_slice %arg19[%rem3A_514] : memref<4x!tpu.dma_semaphore, #tpu.memory_space<semaphore_mem>> -> memref<1x!tpu.dma_semaphore, #tpu.memory_space<semaphore_mem>>
      %dma_start3A_526 = tpu.memref_squeeze %dma_start3A_525 : memref<1x!tpu.dma_semaphore, #tpu.memory_space<semaphore_mem>> -> memref<!tpu.dma_semaphore, #tpu.memory_space<semaphore_mem>>
      %dma_start3A_527 = arith.constant 0 : i32
      %dma_start3A_528 = tpu.memref_slice %arg14[%rem3A_514, %dma_start3A_527] : memref<4x256xi32, #tpu.memory_space<vmem>> -> memref<1x256xi32, #tpu.memory_space<vmem>>
      %dma_start3A_529 = tpu.memref_squeeze %dma_start3A_528 : memref<1x256xi32, #tpu.memory_space<vmem>> -> memref<256xi32, #tpu.memory_space<vmem>>
      %dma_start3A_530 = arith.constant 0 : i32
      %dma_start3A_531 = tpu.memref_slice %arg4[%scan3A_246, %dma_start3A_530] : memref<2x320000xi32, #tpu.memory_space<hbm>> -> memref<1x320000xi32, #tpu.memory_space<hbm>>
      %dma_start3A_532 = tpu.memref_squeeze %dma_start3A_531 : memref<1x320000xi32, #tpu.memory_space<hbm>> -> memref<320000xi32, #tpu.memory_space<hbm>>
      %dma_start3A_533 = tpu.memref_slice %dma_start3A_532[%mul3A_517] : memref<320000xi32, #tpu.memory_space<hbm>> -> memref<256xi32, #tpu.memory_space<hbm>>
      tpu.enqueue_dma source(%dma_start3A_533 : memref<256xi32, #tpu.memory_space<hbm>>) target(%dma_start3A_529 : memref<256xi32, #tpu.memory_space<vmem>>) target_semaphore(%dma_start3A_526 : memref<!tpu.dma_semaphore, #tpu.memory_space<semaphore_mem>>)
    } else {
    }
    %rem3A_263 = arith.constant 4 : i32
    %rem3A_264 = arith.remsi %add3A_256, %rem3A_263 : i32
    %add3A_265 = arith.addi %add3A_76, %add3A_256 : i32
    %mul3A_266 = arith.constant 256 : i32
    %mul3A_267 = arith.muli %add3A_265, %mul3A_266 : i32
    %dma_wait3A_268 = arith.constant 0 : i32
    %dma_wait3A_269 = tpu.memref_slice %arg13[%rem3A_264, %dma_wait3A_268] : memref<4x256xi32, #tpu.memory_space<vmem>> -> memref<1x256xi32, #tpu.memory_space<vmem>>
    %dma_wait3A_270 = tpu.memref_squeeze %dma_wait3A_269 : memref<1x256xi32, #tpu.memory_space<vmem>> -> memref<256xi32, #tpu.memory_space<vmem>>
    %dma_wait3A_271 = arith.constant 0 : i32
    %dma_wait3A_272 = tpu.memref_slice %arg4[%scan3A_245, %dma_wait3A_271] : memref<2x320000xi32, #tpu.memory_space<hbm>> -> memref<1x320000xi32, #tpu.memory_space<hbm>>
    %dma_wait3A_273 = tpu.memref_squeeze %dma_wait3A_272 : memref<1x320000xi32, #tpu.memory_space<hbm>> -> memref<320000xi32, #tpu.memory_space<hbm>>
    %dma_wait3A_274 = tpu.memref_slice %dma_wait3A_273[%mul3A_267] : memref<320000xi32, #tpu.memory_space<hbm>> -> memref<256xi32, #tpu.memory_space<hbm>>
    %dma_wait3A_275 = tpu.memref_slice %arg18[%rem3A_264] : memref<4x!tpu.dma_semaphore, #tpu.memory_space<semaphore_mem>> -> memref<1x!tpu.dma_semaphore, #tpu.memory_space<semaphore_mem>>
    %dma_wait3A_276 = tpu.memref_squeeze %dma_wait3A_275 : memref<1x!tpu.dma_semaphore, #tpu.memory_space<semaphore_mem>> -> memref<!tpu.dma_semaphore, #tpu.memory_space<semaphore_mem>>
    %dma_wait3A_277 = arith.constant 0 : i32
    %dma_wait3A_278 = tpu.memref_slice %arg13[%rem3A_264, %dma_wait3A_277] : memref<4x256xi32, #tpu.memory_space<vmem>> -> memref<1x256xi32, #tpu.memory_space<vmem>>
    %dma_wait3A_279 = tpu.memref_squeeze %dma_wait3A_278 : memref<1x256xi32, #tpu.memory_space<vmem>> -> memref<256xi32, #tpu.memory_space<vmem>>
    %dma_wait3A_280 = arith.constant 0 : i32
    %dma_wait3A_281 = tpu.memref_slice %arg4[%scan3A_245, %dma_wait3A_280] : memref<2x320000xi32, #tpu.memory_space<hbm>> -> memref<1x320000xi32, #tpu.memory_space<hbm>>
    %dma_wait3A_282 = tpu.memref_squeeze %dma_wait3A_281 : memref<1x320000xi32, #tpu.memory_space<hbm>> -> memref<320000xi32, #tpu.memory_space<hbm>>
    %dma_wait3A_283 = tpu.memref_slice %dma_wait3A_282[%mul3A_267] : memref<320000xi32, #tpu.memory_space<hbm>> -> memref<256xi32, #tpu.memory_space<hbm>>
    tpu.wait_dma2 semaphore(%dma_wait3A_276 : memref<!tpu.dma_semaphore, #tpu.memory_space<semaphore_mem>>) src(%dma_wait3A_283 : memref<256xi32, #tpu.memory_space<hbm>>) dst(%dma_wait3A_279 : memref<256xi32, #tpu.memory_space<vmem>>)
    %rem3A_284 = arith.constant 4 : i32
    %rem3A_285 = arith.remsi %add3A_256, %rem3A_284 : i32
    %add3A_286 = arith.addi %add3A_76, %add3A_256 : i32
    %mul3A_287 = arith.constant 256 : i32
    %mul3A_288 = arith.muli %add3A_286, %mul3A_287 : i32
    %dma_wait3A_289 = arith.constant 0 : i32
    %dma_wait3A_290 = tpu.memref_slice %arg14[%rem3A_285, %dma_wait3A_289] : memref<4x256xi32, #tpu.memory_space<vmem>> -> memref<1x256xi32, #tpu.memory_space<vmem>>
    %dma_wait3A_291 = tpu.memref_squeeze %dma_wait3A_290 : memref<1x256xi32, #tpu.memory_space<vmem>> -> memref<256xi32, #tpu.memory_space<vmem>>
    %dma_wait3A_292 = arith.constant 0 : i32
    %dma_wait3A_293 = tpu.memref_slice %arg4[%scan3A_246, %dma_wait3A_292] : memref<2x320000xi32, #tpu.memory_space<hbm>> -> memref<1x320000xi32, #tpu.memory_space<hbm>>
    %dma_wait3A_294 = tpu.memref_squeeze %dma_wait3A_293 : memref<1x320000xi32, #tpu.memory_space<hbm>> -> memref<320000xi32, #tpu.memory_space<hbm>>
    %dma_wait3A_295 = tpu.memref_slice %dma_wait3A_294[%mul3A_288] : memref<320000xi32, #tpu.memory_space<hbm>> -> memref<256xi32, #tpu.memory_space<hbm>>
    %dma_wait3A_296 = tpu.memref_slice %arg19[%rem3A_285] : memref<4x!tpu.dma_semaphore, #tpu.memory_space<semaphore_mem>> -> memref<1x!tpu.dma_semaphore, #tpu.memory_space<semaphore_mem>>
    %dma_wait3A_297 = tpu.memref_squeeze %dma_wait3A_296 : memref<1x!tpu.dma_semaphore, #tpu.memory_space<semaphore_mem>> -> memref<!tpu.dma_semaphore, #tpu.memory_space<semaphore_mem>>
    %dma_wait3A_298 = arith.constant 0 : i32
    %dma_wait3A_299 = tpu.memref_slice %arg14[%rem3A_285, %dma_wait3A_298] : memref<4x256xi32, #tpu.memory_space<vmem>> -> memref<1x256xi32, #tpu.memory_space<vmem>>
    %dma_wait3A_300 = tpu.memref_squeeze %dma_wait3A_299 : memref<1x256xi32, #tpu.memory_space<vmem>> -> memref<256xi32, #tpu.memory_space<vmem>>
    %dma_wait3A_301 = arith.constant 0 : i32
    %dma_wait3A_302 = tpu.memref_slice %arg4[%scan3A_246, %dma_wait3A_301] : memref<2x320000xi32, #tpu.memory_space<hbm>> -> memref<1x320000xi32, #tpu.memory_space<hbm>>
    %dma_wait3A_303 = tpu.memref_squeeze %dma_wait3A_302 : memref<1x320000xi32, #tpu.memory_space<hbm>> -> memref<320000xi32, #tpu.memory_space<hbm>>
    %dma_wait3A_304 = tpu.memref_slice %dma_wait3A_303[%mul3A_288] : memref<320000xi32, #tpu.memory_space<hbm>> -> memref<256xi32, #tpu.memory_space<hbm>>
    tpu.wait_dma2 semaphore(%dma_wait3A_297 : memref<!tpu.dma_semaphore, #tpu.memory_space<semaphore_mem>>) src(%dma_wait3A_304 : memref<256xi32, #tpu.memory_space<hbm>>) dst(%dma_wait3A_300 : memref<256xi32, #tpu.memory_space<vmem>>)
    %ge3A = arith.constant 2 : i32
    %ge3A_305 = arith.cmpi sge, %add3A_256, %ge3A : i32
    %convert_element_type3A_306 = arith.extui %ge3A_305 : i1 to i32
    %cond3A_307 = arith.constant 0 : i32
    %cond3A_308 = arith.cmpi ne, %convert_element_type3A_306, %cond3A_307 : i32
    scf.if %cond3A_308 {
      %sub3A_490 = arith.constant 2 : i32
      %sub3A_491 = arith.subi %add3A_256, %sub3A_490 : i32
      %rem3A_492 = arith.constant 2 : i32
      %rem3A_493 = arith.remsi %sub3A_491, %rem3A_492 : i32
      %rem3A_494 = arith.constant 4 : i32
      %rem3A_495 = arith.remsi %sub3A_491, %rem3A_494 : i32
      %dma_wait3A_496 = arith.constant 0 : i32
      %dma_wait3A_497 = arith.constant 0 : i32
      %dma_wait3A_498 = tpu.memref_slice %arg15[%rem3A_493, %dma_wait3A_496, %dma_wait3A_497] : memref<2x256x64xf32, #tpu.memory_space<vmem>> -> memref<1x256x64xf32, #tpu.memory_space<vmem>>
      %dma_wait3A_499 = tpu.memref_squeeze %dma_wait3A_498 : memref<1x256x64xf32, #tpu.memory_space<vmem>> -> memref<256x64xf32, #tpu.memory_space<vmem>>
      %dma_wait3A_500 = arith.constant 0 : i32
      %dma_wait3A_501 = tpu.memref_slice %arg14[%rem3A_495, %dma_wait3A_500] : memref<4x256xi32, #tpu.memory_space<vmem>> -> memref<1x256xi32, #tpu.memory_space<vmem>>
      %dma_wait3A_502 = tpu.memref_squeeze %dma_wait3A_501 : memref<1x256xi32, #tpu.memory_space<vmem>> -> memref<256xi32, #tpu.memory_space<vmem>>
      %dma_wait3A_503 = arith.constant 0 : i32
      %dma_wait3A_504 = arith.constant 0 : i32
      %dma_wait3A_505 = tpu.memref_slice %arg8[%dma_wait3A_503, %dma_wait3A_504] : memref<10000x64xf32, #tpu.memory_space<vmem_shared>> -> memref<10000x64xf32, #tpu.memory_space<vmem_shared>>
      %dma_wait3A_506 = tpu.memref_slice %arg21[%rem3A_493] : memref<2x!tpu.dma_semaphore, #tpu.memory_space<semaphore_mem>> -> memref<1x!tpu.dma_semaphore, #tpu.memory_space<semaphore_mem>>
      %dma_wait3A_507 = tpu.memref_squeeze %dma_wait3A_506 : memref<1x!tpu.dma_semaphore, #tpu.memory_space<semaphore_mem>> -> memref<!tpu.dma_semaphore, #tpu.memory_space<semaphore_mem>>
      tpu.wait_indirect_dma semaphore(%dma_wait3A_507 : memref<!tpu.dma_semaphore, #tpu.memory_space<semaphore_mem>>) src(%dma_wait3A_499 : memref<256x64xf32, #tpu.memory_space<vmem>>) dst(%dma_wait3A_505 : memref<10000x64xf32, #tpu.memory_space<vmem_shared>>)
      %eq3A_508 = arith.constant 0 : i32
      %eq3A_509 = arith.cmpi eq, %arg0, %eq3A_508 : i32
      %convert_element_type3A_510 = arith.extui %eq3A_509 : i1 to i32
      %cond3A_511 = arith.constant 0 : i32
      %cond3A_512 = arith.cmpi ne, %convert_element_type3A_510, %cond3A_511 : i32
      scf.if %cond3A_512 {
        %rem3A_513 = arith.constant 2 : i32
        %rem3A_514 = arith.remsi %sub3A_491, %rem3A_513 : i32
        %rem3A_515 = arith.constant 4 : i32
        %rem3A_516 = arith.remsi %sub3A_491, %rem3A_515 : i32
        %dma_wait3A_517 = arith.constant 0 : i32
        %dma_wait3A_518 = tpu.memref_slice %arg14[%rem3A_516, %dma_wait3A_517] : memref<4x256xi32, #tpu.memory_space<vmem>> -> memref<1x256xi32, #tpu.memory_space<vmem>>
        %dma_wait3A_519 = tpu.memref_squeeze %dma_wait3A_518 : memref<1x256xi32, #tpu.memory_space<vmem>> -> memref<256xi32, #tpu.memory_space<vmem>>
        %dma_wait3A_520 = arith.constant 0 : i32
        %dma_wait3A_521 = tpu.memref_slice %arg9[%dma_wait3A_520] : memref<10000xf32, #tpu.memory_space<vmem_shared>> -> memref<10000xf32, #tpu.memory_space<vmem_shared>>
        %dma_wait3A_522 = tpu.memref_slice %arg22[%rem3A_514] : memref<2x!tpu.dma_semaphore, #tpu.memory_space<semaphore_mem>> -> memref<1x!tpu.dma_semaphore, #tpu.memory_space<semaphore_mem>>
        %dma_wait3A_523 = tpu.memref_squeeze %dma_wait3A_522 : memref<1x!tpu.dma_semaphore, #tpu.memory_space<semaphore_mem>> -> memref<!tpu.dma_semaphore, #tpu.memory_space<semaphore_mem>>
        tpu.wait_indirect_dma semaphore(%dma_wait3A_523 : memref<!tpu.dma_semaphore, #tpu.memory_space<semaphore_mem>>) src(%arg16 : memref<256xf32, #tpu.memory_space<vmem>>) dst(%dma_wait3A_521 : memref<10000xf32, #tpu.memory_space<vmem_shared>>)
      } else {
      }
    } else {
    }
    %rem3A_309 = arith.constant 2 : i32
    %rem3A_310 = arith.remsi %add3A_256, %rem3A_309 : i32
    %rem3A_311 = arith.constant 4 : i32
    %rem3A_312 = arith.remsi %add3A_256, %rem3A_311 : i32
    %dma_start3A_313 = arith.constant 0 : i32
    %dma_start3A_314 = arith.constant 0 : i32
    %dma_start3A_315 = tpu.memref_slice %arg15[%rem3A_310, %dma_start3A_313, %dma_start3A_314] : memref<2x256x64xf32, #tpu.memory_space<vmem>> -> memref<1x256x64xf32, #tpu.memory_space<vmem>>
    %dma_start3A_316 = tpu.memref_squeeze %dma_start3A_315 : memref<1x256x64xf32, #tpu.memory_space<vmem>> -> memref<256x64xf32, #tpu.memory_space<vmem>>
    %dma_start3A_317 = arith.constant 0 : i32
    %dma_start3A_318 = tpu.memref_slice %arg13[%rem3A_312, %dma_start3A_317] : memref<4x256xi32, #tpu.memory_space<vmem>> -> memref<1x256xi32, #tpu.memory_space<vmem>>
    %dma_start3A_319 = tpu.memref_squeeze %dma_start3A_318 : memref<1x256xi32, #tpu.memory_space<vmem>> -> memref<256xi32, #tpu.memory_space<vmem>>
    %dma_start3A_320 = arith.constant 0 : i32
    %dma_start3A_321 = arith.constant 0 : i32
    %dma_start3A_322 = tpu.memref_slice %arg7[%arg0, %dma_start3A_320, %dma_start3A_321] : memref<2x10000x64xf32, #tpu.memory_space<hbm>> -> memref<1x10000x64xf32, #tpu.memory_space<hbm>>
    %dma_start3A_323 = tpu.memref_squeeze %dma_start3A_322 : memref<1x10000x64xf32, #tpu.memory_space<hbm>> -> memref<10000x64xf32, #tpu.memory_space<hbm>>
    %dma_start3A_324 = arith.constant 0 : i32
    %dma_start3A_325 = arith.constant 0 : i32
    %dma_start3A_326 = tpu.memref_slice %dma_start3A_323[%dma_start3A_324, %dma_start3A_325] : memref<10000x64xf32, #tpu.memory_space<hbm>> -> memref<10000x64xf32, #tpu.memory_space<hbm>>
    %dma_start3A_327 = tpu.memref_slice %arg20[%rem3A_310] : memref<2x!tpu.dma_semaphore, #tpu.memory_space<semaphore_mem>> -> memref<1x!tpu.dma_semaphore, #tpu.memory_space<semaphore_mem>>
    %dma_start3A_328 = tpu.memref_squeeze %dma_start3A_327 : memref<1x!tpu.dma_semaphore, #tpu.memory_space<semaphore_mem>> -> memref<!tpu.dma_semaphore, #tpu.memory_space<semaphore_mem>>
    tpu.enqueue_indirect_dma source(%dma_start3A_326 : memref<10000x64xf32, #tpu.memory_space<hbm>>) target(%dma_start3A_316 : memref<256x64xf32, #tpu.memory_space<vmem>>) offsets(%dma_start3A_319 : memref<256xi32, #tpu.memory_space<vmem>>) semaphore(%dma_start3A_328 : memref<!tpu.dma_semaphore, #tpu.memory_space<semaphore_mem>>)
    %sub3A = arith.constant 1 : i32
    %sub3A_329 = arith.subi %add3A_256, %sub3A : i32
    %rem3A_330 = arith.constant 2 : i32
    %rem3A_331 = arith.remsi %sub3A_329, %rem3A_330 : i32
    %rem3A_332 = arith.constant 4 : i32
    %rem3A_333 = arith.remsi %sub3A_329, %rem3A_332 : i32
    %dma_wait3A_334 = arith.constant 0 : i32
    %dma_wait3A_335 = arith.constant 0 : i32
    %dma_wait3A_336 = tpu.memref_slice %arg15[%rem3A_331, %dma_wait3A_334, %dma_wait3A_335] : memref<2x256x64xf32, #tpu.memory_space<vmem>> -> memref<1x256x64xf32, #tpu.memory_space<vmem>>
    %dma_wait3A_337 = tpu.memref_squeeze %dma_wait3A_336 : memref<1x256x64xf32, #tpu.memory_space<vmem>> -> memref<256x64xf32, #tpu.memory_space<vmem>>
    %dma_wait3A_338 = arith.constant 0 : i32
    %dma_wait3A_339 = tpu.memref_slice %arg13[%rem3A_333, %dma_wait3A_338] : memref<4x256xi32, #tpu.memory_space<vmem>> -> memref<1x256xi32, #tpu.memory_space<vmem>>
    %dma_wait3A_340 = tpu.memref_squeeze %dma_wait3A_339 : memref<1x256xi32, #tpu.memory_space<vmem>> -> memref<256xi32, #tpu.memory_space<vmem>>
    %dma_wait3A_341 = arith.constant 0 : i32
    %dma_wait3A_342 = arith.constant 0 : i32
    %dma_wait3A_343 = tpu.memref_slice %arg7[%arg0, %dma_wait3A_341, %dma_wait3A_342] : memref<2x10000x64xf32, #tpu.memory_space<hbm>> -> memref<1x10000x64xf32, #tpu.memory_space<hbm>>
    %dma_wait3A_344 = tpu.memref_squeeze %dma_wait3A_343 : memref<1x10000x64xf32, #tpu.memory_space<hbm>> -> memref<10000x64xf32, #tpu.memory_space<hbm>>
    %dma_wait3A_345 = arith.constant 0 : i32
    %dma_wait3A_346 = arith.constant 0 : i32
    %dma_wait3A_347 = tpu.memref_slice %dma_wait3A_344[%dma_wait3A_345, %dma_wait3A_346] : memref<10000x64xf32, #tpu.memory_space<hbm>> -> memref<10000x64xf32, #tpu.memory_space<hbm>>
    %dma_wait3A_348 = tpu.memref_slice %arg20[%rem3A_331] : memref<2x!tpu.dma_semaphore, #tpu.memory_space<semaphore_mem>> -> memref<1x!tpu.dma_semaphore, #tpu.memory_space<semaphore_mem>>
    %dma_wait3A_349 = tpu.memref_squeeze %dma_wait3A_348 : memref<1x!tpu.dma_semaphore, #tpu.memory_space<semaphore_mem>> -> memref<!tpu.dma_semaphore, #tpu.memory_space<semaphore_mem>>
    tpu.wait_indirect_dma semaphore(%dma_wait3A_349 : memref<!tpu.dma_semaphore, #tpu.memory_space<semaphore_mem>>) src(%dma_wait3A_347 : memref<10000x64xf32, #tpu.memory_space<hbm>>) dst(%dma_wait3A_337 : memref<256x64xf32, #tpu.memory_space<vmem>>)
    %sub3A_350 = arith.constant 1 : i32
    %sub3A_351 = arith.subi %add3A_256, %sub3A_350 : i32
    %rem3A_352 = arith.constant 2 : i32
    %rem3A_353 = arith.remsi %sub3A_351, %rem3A_352 : i32
    %rem3A_354 = arith.constant 4 : i32
    %rem3A_355 = arith.remsi %sub3A_351, %rem3A_354 : i32
    %dma_start3A_356 = arith.constant 0 : i32
    %dma_start3A_357 = arith.constant 0 : i32
    %dma_start3A_358 = tpu.memref_slice %arg15[%rem3A_353, %dma_start3A_356, %dma_start3A_357] : memref<2x256x64xf32, #tpu.memory_space<vmem>> -> memref<1x256x64xf32, #tpu.memory_space<vmem>>
    %dma_start3A_359 = tpu.memref_squeeze %dma_start3A_358 : memref<1x256x64xf32, #tpu.memory_space<vmem>> -> memref<256x64xf32, #tpu.memory_space<vmem>>
    %dma_start3A_360 = arith.constant 0 : i32
    %dma_start3A_361 = tpu.memref_slice %arg14[%rem3A_355, %dma_start3A_360] : memref<4x256xi32, #tpu.memory_space<vmem>> -> memref<1x256xi32, #tpu.memory_space<vmem>>
    %dma_start3A_362 = tpu.memref_squeeze %dma_start3A_361 : memref<1x256xi32, #tpu.memory_space<vmem>> -> memref<256xi32, #tpu.memory_space<vmem>>
    %dma_start3A_363 = arith.constant 0 : i32
    %dma_start3A_364 = arith.constant 0 : i32
    %dma_start3A_365 = tpu.memref_slice %arg8[%dma_start3A_363, %dma_start3A_364] : memref<10000x64xf32, #tpu.memory_space<vmem_shared>> -> memref<10000x64xf32, #tpu.memory_space<vmem_shared>>
    %dma_start3A_366 = tpu.memref_slice %arg21[%rem3A_353] : memref<2x!tpu.dma_semaphore, #tpu.memory_space<semaphore_mem>> -> memref<1x!tpu.dma_semaphore, #tpu.memory_space<semaphore_mem>>
    %dma_start3A_367 = tpu.memref_squeeze %dma_start3A_366 : memref<1x!tpu.dma_semaphore, #tpu.memory_space<semaphore_mem>> -> memref<!tpu.dma_semaphore, #tpu.memory_space<semaphore_mem>>
    tpu.enqueue_indirect_dma source(%dma_start3A_359 : memref<256x64xf32, #tpu.memory_space<vmem>>) target(%dma_start3A_365 : memref<10000x64xf32, #tpu.memory_space<vmem_shared>>) offsets(%dma_start3A_362 : memref<256xi32, #tpu.memory_space<vmem>>) semaphore(%dma_start3A_367 : memref<!tpu.dma_semaphore, #tpu.memory_space<semaphore_mem>>) {add = true}
    %eq3A_368 = arith.constant 0 : i32
    %eq3A_369 = arith.cmpi eq, %arg0, %eq3A_368 : i32
    %convert_element_type3A_370 = arith.extui %eq3A_369 : i1 to i32
    %cond3A_371 = arith.constant 0 : i32
    %cond3A_372 = arith.cmpi ne, %convert_element_type3A_370, %cond3A_371 : i32
    scf.if %cond3A_372 {
      %rem3A_490 = arith.constant 2 : i32
      %rem3A_491 = arith.remsi %sub3A_351, %rem3A_490 : i32
      %rem3A_492 = arith.constant 4 : i32
      %rem3A_493 = arith.remsi %sub3A_351, %rem3A_492 : i32
      %dma_start3A_494 = arith.constant 0 : i32
      %dma_start3A_495 = tpu.memref_slice %arg14[%rem3A_493, %dma_start3A_494] : memref<4x256xi32, #tpu.memory_space<vmem>> -> memref<1x256xi32, #tpu.memory_space<vmem>>
      %dma_start3A_496 = tpu.memref_squeeze %dma_start3A_495 : memref<1x256xi32, #tpu.memory_space<vmem>> -> memref<256xi32, #tpu.memory_space<vmem>>
      %dma_start3A_497 = arith.constant 0 : i32
      %dma_start3A_498 = tpu.memref_slice %arg9[%dma_start3A_497] : memref<10000xf32, #tpu.memory_space<vmem_shared>> -> memref<10000xf32, #tpu.memory_space<vmem_shared>>
      %dma_start3A_499 = tpu.memref_slice %arg22[%rem3A_491] : memref<2x!tpu.dma_semaphore, #tpu.memory_space<semaphore_mem>> -> memref<1x!tpu.dma_semaphore, #tpu.memory_space<semaphore_mem>>
      %dma_start3A_500 = tpu.memref_squeeze %dma_start3A_499 : memref<1x!tpu.dma_semaphore, #tpu.memory_space<semaphore_mem>> -> memref<!tpu.dma_semaphore, #tpu.memory_space<semaphore_mem>>
      tpu.enqueue_indirect_dma source(%arg16 : memref<256xf32, #tpu.memory_space<vmem>>) target(%dma_start3A_498 : memref<10000xf32, #tpu.memory_space<vmem_shared>>) offsets(%dma_start3A_496 : memref<256xi32, #tpu.memory_space<vmem>>) semaphore(%dma_start3A_500 : memref<!tpu.dma_semaphore, #tpu.memory_space<semaphore_mem>>) {add = true}
    } else {
    }
    %scan3A_373 = arith.constant 77 : i32
    %gt3A = arith.constant 78 : i32
    %gt3A_374 = arith.cmpi sgt, %add3A_80, %gt3A : i32
    %convert_element_type3A_375 = arith.extui %gt3A_374 : i1 to i32
    %cond3A_376 = arith.constant 0 : i32
    %cond3A_377 = arith.constant 1 : i32
    %cond3A_378 = arith.constant 0 : i32
    %cond3A_379 = arith.cmpi ne, %convert_element_type3A_375, %cond3A_378 : i32
    scf.if %cond3A_379 {
      %gt3A_490 = arith.constant 79 : i32
      %gt3A_491 = arith.cmpi sgt, %add3A_80, %gt3A_490 : i32
      %convert_element_type3A_492 = arith.extui %gt3A_491 : i1 to i32
      %cond3A_493 = arith.constant 0 : i32
      %cond3A_494 = arith.cmpi ne, %convert_element_type3A_492, %cond3A_493 : i32
      scf.if %cond3A_494 {
        %rem3A_631 = arith.constant 79 : i32
        %rem3A_632 = arith.constant 4 : i32
        %rem3A_633 = arith.remsi %rem3A_631, %rem3A_632 : i32
        %add3A_634 = arith.constant 79 : i32
        %add3A_635 = arith.addi %add3A_76, %add3A_634 : i32
        %mul3A_636 = arith.constant 256 : i32
        %mul3A_637 = arith.muli %add3A_635, %mul3A_636 : i32
        %dma_start3A_638 = arith.constant 0 : i32
        %dma_start3A_639 = tpu.memref_slice %arg13[%rem3A_633, %dma_start3A_638] : memref<4x256xi32, #tpu.memory_space<vmem>> -> memref<1x256xi32, #tpu.memory_space<vmem>>
        %dma_start3A_640 = tpu.memref_squeeze %dma_start3A_639 : memref<1x256xi32, #tpu.memory_space<vmem>> -> memref<256xi32, #tpu.memory_space<vmem>>
        %dma_start3A_641 = arith.constant 0 : i32
        %dma_start3A_642 = tpu.memref_slice %arg4[%cond3A_376, %dma_start3A_641] : memref<2x320000xi32, #tpu.memory_space<hbm>> -> memref<1x320000xi32, #tpu.memory_space<hbm>>
        %dma_start3A_643 = tpu.memref_squeeze %dma_start3A_642 : memref<1x320000xi32, #tpu.memory_space<hbm>> -> memref<320000xi32, #tpu.memory_space<hbm>>
        %dma_start3A_644 = tpu.memref_slice %dma_start3A_643[%mul3A_637] : memref<320000xi32, #tpu.memory_space<hbm>> -> memref<256xi32, #tpu.memory_space<hbm>>
        %dma_start3A_645 = tpu.memref_slice %arg18[%rem3A_633] : memref<4x!tpu.dma_semaphore, #tpu.memory_space<semaphore_mem>> -> memref<1x!tpu.dma_semaphore, #tpu.memory_space<semaphore_mem>>
        %dma_start3A_646 = tpu.memref_squeeze %dma_start3A_645 : memref<1x!tpu.dma_semaphore, #tpu.memory_space<semaphore_mem>> -> memref<!tpu.dma_semaphore, #tpu.memory_space<semaphore_mem>>
        %dma_start3A_647 = arith.constant 0 : i32
        %dma_start3A_648 = tpu.memref_slice %arg13[%rem3A_633, %dma_start3A_647] : memref<4x256xi32, #tpu.memory_space<vmem>> -> memref<1x256xi32, #tpu.memory_space<vmem>>
        %dma_start3A_649 = tpu.memref_squeeze %dma_start3A_648 : memref<1x256xi32, #tpu.memory_space<vmem>> -> memref<256xi32, #tpu.memory_space<vmem>>
        %dma_start3A_650 = arith.constant 0 : i32
        %dma_start3A_651 = tpu.memref_slice %arg4[%cond3A_376, %dma_start3A_650] : memref<2x320000xi32, #tpu.memory_space<hbm>> -> memref<1x320000xi32, #tpu.memory_space<hbm>>
        %dma_start3A_652 = tpu.memref_squeeze %dma_start3A_651 : memref<1x320000xi32, #tpu.memory_space<hbm>> -> memref<320000xi32, #tpu.memory_space<hbm>>
        %dma_start3A_653 = tpu.memref_slice %dma_start3A_652[%mul3A_637] : memref<320000xi32, #tpu.memory_space<hbm>> -> memref<256xi32, #tpu.memory_space<hbm>>
        tpu.enqueue_dma source(%dma_start3A_653 : memref<256xi32, #tpu.memory_space<hbm>>) target(%dma_start3A_649 : memref<256xi32, #tpu.memory_space<vmem>>) target_semaphore(%dma_start3A_646 : memref<!tpu.dma_semaphore, #tpu.memory_space<semaphore_mem>>)
        %rem3A_654 = arith.constant 79 : i32
        %rem3A_655 = arith.constant 4 : i32
        %rem3A_656 = arith.remsi %rem3A_654, %rem3A_655 : i32
        %add3A_657 = arith.constant 79 : i32
        %add3A_658 = arith.addi %add3A_76, %add3A_657 : i32
        %mul3A_659 = arith.constant 256 : i32
        %mul3A_660 = arith.muli %add3A_658, %mul3A_659 : i32
        %dma_start3A_661 = arith.constant 0 : i32
        %dma_start3A_662 = tpu.memref_slice %arg14[%rem3A_656, %dma_start3A_661] : memref<4x256xi32, #tpu.memory_space<vmem>> -> memref<1x256xi32, #tpu.memory_space<vmem>>
        %dma_start3A_663 = tpu.memref_squeeze %dma_start3A_662 : memref<1x256xi32, #tpu.memory_space<vmem>> -> memref<256xi32, #tpu.memory_space<vmem>>
        %dma_start3A_664 = arith.constant 0 : i32
        %dma_start3A_665 = tpu.memref_slice %arg4[%cond3A_377, %dma_start3A_664] : memref<2x320000xi32, #tpu.memory_space<hbm>> -> memref<1x320000xi32, #tpu.memory_space<hbm>>
        %dma_start3A_666 = tpu.memref_squeeze %dma_start3A_665 : memref<1x320000xi32, #tpu.memory_space<hbm>> -> memref<320000xi32, #tpu.memory_space<hbm>>
        %dma_start3A_667 = tpu.memref_slice %dma_start3A_666[%mul3A_660] : memref<320000xi32, #tpu.memory_space<hbm>> -> memref<256xi32, #tpu.memory_space<hbm>>
        %dma_start3A_668 = tpu.memref_slice %arg19[%rem3A_656] : memref<4x!tpu.dma_semaphore, #tpu.memory_space<semaphore_mem>> -> memref<1x!tpu.dma_semaphore, #tpu.memory_space<semaphore_mem>>
        %dma_start3A_669 = tpu.memref_squeeze %dma_start3A_668 : memref<1x!tpu.dma_semaphore, #tpu.memory_space<semaphore_mem>> -> memref<!tpu.dma_semaphore, #tpu.memory_space<semaphore_mem>>
        %dma_start3A_670 = arith.constant 0 : i32
        %dma_start3A_671 = tpu.memref_slice %arg14[%rem3A_656, %dma_start3A_670] : memref<4x256xi32, #tpu.memory_space<vmem>> -> memref<1x256xi32, #tpu.memory_space<vmem>>
        %dma_start3A_672 = tpu.memref_squeeze %dma_start3A_671 : memref<1x256xi32, #tpu.memory_space<vmem>> -> memref<256xi32, #tpu.memory_space<vmem>>
        %dma_start3A_673 = arith.constant 0 : i32
        %dma_start3A_674 = tpu.memref_slice %arg4[%cond3A_377, %dma_start3A_673] : memref<2x320000xi32, #tpu.memory_space<hbm>> -> memref<1x320000xi32, #tpu.memory_space<hbm>>
        %dma_start3A_675 = tpu.memref_squeeze %dma_start3A_674 : memref<1x320000xi32, #tpu.memory_space<hbm>> -> memref<320000xi32, #tpu.memory_space<hbm>>
        %dma_start3A_676 = tpu.memref_slice %dma_start3A_675[%mul3A_660] : memref<320000xi32, #tpu.memory_space<hbm>> -> memref<256xi32, #tpu.memory_space<hbm>>
        tpu.enqueue_dma source(%dma_start3A_676 : memref<256xi32, #tpu.memory_space<hbm>>) target(%dma_start3A_672 : memref<256xi32, #tpu.memory_space<vmem>>) target_semaphore(%dma_start3A_669 : memref<!tpu.dma_semaphore, #tpu.memory_space<semaphore_mem>>)
      } else {
      }
      %rem3A_495 = arith.constant 78 : i32
      %rem3A_496 = arith.constant 4 : i32
      %rem3A_497 = arith.remsi %rem3A_495, %rem3A_496 : i32
      %add3A_498 = arith.constant 78 : i32
      %add3A_499 = arith.addi %add3A_76, %add3A_498 : i32
      %mul3A_500 = arith.constant 256 : i32
      %mul3A_501 = arith.muli %add3A_499, %mul3A_500 : i32
      %dma_wait3A_502 = arith.constant 0 : i32
      %dma_wait3A_503 = tpu.memref_slice %arg13[%rem3A_497, %dma_wait3A_502] : memref<4x256xi32, #tpu.memory_space<vmem>> -> memref<1x256xi32, #tpu.memory_space<vmem>>
      %dma_wait3A_504 = tpu.memref_squeeze %dma_wait3A_503 : memref<1x256xi32, #tpu.memory_space<vmem>> -> memref<256xi32, #tpu.memory_space<vmem>>
      %dma_wait3A_505 = arith.constant 0 : i32
      %dma_wait3A_506 = tpu.memref_slice %arg4[%cond3A_376, %dma_wait3A_505] : memref<2x320000xi32, #tpu.memory_space<hbm>> -> memref<1x320000xi32, #tpu.memory_space<hbm>>
      %dma_wait3A_507 = tpu.memref_squeeze %dma_wait3A_506 : memref<1x320000xi32, #tpu.memory_space<hbm>> -> memref<320000xi32, #tpu.memory_space<hbm>>
      %dma_wait3A_508 = tpu.memref_slice %dma_wait3A_507[%mul3A_501] : memref<320000xi32, #tpu.memory_space<hbm>> -> memref<256xi32, #tpu.memory_space<hbm>>
      %dma_wait3A_509 = tpu.memref_slice %arg18[%rem3A_497] : memref<4x!tpu.dma_semaphore, #tpu.memory_space<semaphore_mem>> -> memref<1x!tpu.dma_semaphore, #tpu.memory_space<semaphore_mem>>
      %dma_wait3A_510 = tpu.memref_squeeze %dma_wait3A_509 : memref<1x!tpu.dma_semaphore, #tpu.memory_space<semaphore_mem>> -> memref<!tpu.dma_semaphore, #tpu.memory_space<semaphore_mem>>
      %dma_wait3A_511 = arith.constant 0 : i32
      %dma_wait3A_512 = tpu.memref_slice %arg13[%rem3A_497, %dma_wait3A_511] : memref<4x256xi32, #tpu.memory_space<vmem>> -> memref<1x256xi32, #tpu.memory_space<vmem>>
      %dma_wait3A_513 = tpu.memref_squeeze %dma_wait3A_512 : memref<1x256xi32, #tpu.memory_space<vmem>> -> memref<256xi32, #tpu.memory_space<vmem>>
      %dma_wait3A_514 = arith.constant 0 : i32
      %dma_wait3A_515 = tpu.memref_slice %arg4[%cond3A_376, %dma_wait3A_514] : memref<2x320000xi32, #tpu.memory_space<hbm>> -> memref<1x320000xi32, #tpu.memory_space<hbm>>
      %dma_wait3A_516 = tpu.memref_squeeze %dma_wait3A_515 : memref<1x320000xi32, #tpu.memory_space<hbm>> -> memref<320000xi32, #tpu.memory_space<hbm>>
      %dma_wait3A_517 = tpu.memref_slice %dma_wait3A_516[%mul3A_501] : memref<320000xi32, #tpu.memory_space<hbm>> -> memref<256xi32, #tpu.memory_space<hbm>>
      tpu.wait_dma2 semaphore(%dma_wait3A_510 : memref<!tpu.dma_semaphore, #tpu.memory_space<semaphore_mem>>) src(%dma_wait3A_517 : memref<256xi32, #tpu.memory_space<hbm>>) dst(%dma_wait3A_513 : memref<256xi32, #tpu.memory_space<vmem>>)
      %rem3A_518 = arith.constant 78 : i32
      %rem3A_519 = arith.constant 4 : i32
      %rem3A_520 = arith.remsi %rem3A_518, %rem3A_519 : i32
      %add3A_521 = arith.constant 78 : i32
      %add3A_522 = arith.addi %add3A_76, %add3A_521 : i32
      %mul3A_523 = arith.constant 256 : i32
      %mul3A_524 = arith.muli %add3A_522, %mul3A_523 : i32
      %dma_wait3A_525 = arith.constant 0 : i32
      %dma_wait3A_526 = tpu.memref_slice %arg14[%rem3A_520, %dma_wait3A_525] : memref<4x256xi32, #tpu.memory_space<vmem>> -> memref<1x256xi32, #tpu.memory_space<vmem>>
      %dma_wait3A_527 = tpu.memref_squeeze %dma_wait3A_526 : memref<1x256xi32, #tpu.memory_space<vmem>> -> memref<256xi32, #tpu.memory_space<vmem>>
      %dma_wait3A_528 = arith.constant 0 : i32
      %dma_wait3A_529 = tpu.memref_slice %arg4[%cond3A_377, %dma_wait3A_528] : memref<2x320000xi32, #tpu.memory_space<hbm>> -> memref<1x320000xi32, #tpu.memory_space<hbm>>
      %dma_wait3A_530 = tpu.memref_squeeze %dma_wait3A_529 : memref<1x320000xi32, #tpu.memory_space<hbm>> -> memref<320000xi32, #tpu.memory_space<hbm>>
      %dma_wait3A_531 = tpu.memref_slice %dma_wait3A_530[%mul3A_524] : memref<320000xi32, #tpu.memory_space<hbm>> -> memref<256xi32, #tpu.memory_space<hbm>>
      %dma_wait3A_532 = tpu.memref_slice %arg19[%rem3A_520] : memref<4x!tpu.dma_semaphore, #tpu.memory_space<semaphore_mem>> -> memref<1x!tpu.dma_semaphore, #tpu.memory_space<semaphore_mem>>
      %dma_wait3A_533 = tpu.memref_squeeze %dma_wait3A_532 : memref<1x!tpu.dma_semaphore, #tpu.memory_space<semaphore_mem>> -> memref<!tpu.dma_semaphore, #tpu.memory_space<semaphore_mem>>
      %dma_wait3A_534 = arith.constant 0 : i32
      %dma_wait3A_535 = tpu.memref_slice %arg14[%rem3A_520, %dma_wait3A_534] : memref<4x256xi32, #tpu.memory_space<vmem>> -> memref<1x256xi32, #tpu.memory_space<vmem>>
      %dma_wait3A_536 = tpu.memref_squeeze %dma_wait3A_535 : memref<1x256xi32, #tpu.memory_space<vmem>> -> memref<256xi32, #tpu.memory_space<vmem>>
      %dma_wait3A_537 = arith.constant 0 : i32
      %dma_wait3A_538 = tpu.memref_slice %arg4[%cond3A_377, %dma_wait3A_537] : memref<2x320000xi32, #tpu.memory_space<hbm>> -> memref<1x320000xi32, #tpu.memory_space<hbm>>
      %dma_wait3A_539 = tpu.memref_squeeze %dma_wait3A_538 : memref<1x320000xi32, #tpu.memory_space<hbm>> -> memref<320000xi32, #tpu.memory_space<hbm>>
      %dma_wait3A_540 = tpu.memref_slice %dma_wait3A_539[%mul3A_524] : memref<320000xi32, #tpu.memory_space<hbm>> -> memref<256xi32, #tpu.memory_space<hbm>>
      tpu.wait_dma2 semaphore(%dma_wait3A_533 : memref<!tpu.dma_semaphore, #tpu.memory_space<semaphore_mem>>) src(%dma_wait3A_540 : memref<256xi32, #tpu.memory_space<hbm>>) dst(%dma_wait3A_536 : memref<256xi32, #tpu.memory_space<vmem>>)
      %rem3A_541 = arith.constant 76 : i32
      %rem3A_542 = arith.constant 2 : i32
      %rem3A_543 = arith.remsi %rem3A_541, %rem3A_542 : i32
      %rem3A_544 = arith.constant 76 : i32
      %rem3A_545 = arith.constant 4 : i32
      %rem3A_546 = arith.remsi %rem3A_544, %rem3A_545 : i32
      %dma_wait3A_547 = arith.constant 0 : i32
      %dma_wait3A_548 = arith.constant 0 : i32
      %dma_wait3A_549 = tpu.memref_slice %arg15[%rem3A_543, %dma_wait3A_547, %dma_wait3A_548] : memref<2x256x64xf32, #tpu.memory_space<vmem>> -> memref<1x256x64xf32, #tpu.memory_space<vmem>>
      %dma_wait3A_550 = tpu.memref_squeeze %dma_wait3A_549 : memref<1x256x64xf32, #tpu.memory_space<vmem>> -> memref<256x64xf32, #tpu.memory_space<vmem>>
      %dma_wait3A_551 = arith.constant 0 : i32
      %dma_wait3A_552 = tpu.memref_slice %arg14[%rem3A_546, %dma_wait3A_551] : memref<4x256xi32, #tpu.memory_space<vmem>> -> memref<1x256xi32, #tpu.memory_space<vmem>>
      %dma_wait3A_553 = tpu.memref_squeeze %dma_wait3A_552 : memref<1x256xi32, #tpu.memory_space<vmem>> -> memref<256xi32, #tpu.memory_space<vmem>>
      %dma_wait3A_554 = arith.constant 0 : i32
      %dma_wait3A_555 = arith.constant 0 : i32
      %dma_wait3A_556 = tpu.memref_slice %arg8[%dma_wait3A_554, %dma_wait3A_555] : memref<10000x64xf32, #tpu.memory_space<vmem_shared>> -> memref<10000x64xf32, #tpu.memory_space<vmem_shared>>
      %dma_wait3A_557 = tpu.memref_slice %arg21[%rem3A_543] : memref<2x!tpu.dma_semaphore, #tpu.memory_space<semaphore_mem>> -> memref<1x!tpu.dma_semaphore, #tpu.memory_space<semaphore_mem>>
      %dma_wait3A_558 = tpu.memref_squeeze %dma_wait3A_557 : memref<1x!tpu.dma_semaphore, #tpu.memory_space<semaphore_mem>> -> memref<!tpu.dma_semaphore, #tpu.memory_space<semaphore_mem>>
      tpu.wait_indirect_dma semaphore(%dma_wait3A_558 : memref<!tpu.dma_semaphore, #tpu.memory_space<semaphore_mem>>) src(%dma_wait3A_550 : memref<256x64xf32, #tpu.memory_space<vmem>>) dst(%dma_wait3A_556 : memref<10000x64xf32, #tpu.memory_space<vmem_shared>>)
      %eq3A_559 = arith.constant 0 : i32
      %eq3A_560 = arith.cmpi eq, %arg0, %eq3A_559 : i32
      %convert_element_type3A_561 = arith.extui %eq3A_560 : i1 to i32
      %cond3A_562 = arith.constant 0 : i32
      %cond3A_563 = arith.cmpi ne, %convert_element_type3A_561, %cond3A_562 : i32
      scf.if %cond3A_563 {
        %rem3A_631 = arith.constant 76 : i32
        %rem3A_632 = arith.constant 2 : i32
        %rem3A_633 = arith.remsi %rem3A_631, %rem3A_632 : i32
        %rem3A_634 = arith.constant 76 : i32
        %rem3A_635 = arith.constant 4 : i32
        %rem3A_636 = arith.remsi %rem3A_634, %rem3A_635 : i32
        %dma_wait3A_637 = arith.constant 0 : i32
        %dma_wait3A_638 = tpu.memref_slice %arg14[%rem3A_636, %dma_wait3A_637] : memref<4x256xi32, #tpu.memory_space<vmem>> -> memref<1x256xi32, #tpu.memory_space<vmem>>
        %dma_wait3A_639 = tpu.memref_squeeze %dma_wait3A_638 : memref<1x256xi32, #tpu.memory_space<vmem>> -> memref<256xi32, #tpu.memory_space<vmem>>
        %dma_wait3A_640 = arith.constant 0 : i32
        %dma_wait3A_641 = tpu.memref_slice %arg9[%dma_wait3A_640] : memref<10000xf32, #tpu.memory_space<vmem_shared>> -> memref<10000xf32, #tpu.memory_space<vmem_shared>>
        %dma_wait3A_642 = tpu.memref_slice %arg22[%rem3A_633] : memref<2x!tpu.dma_semaphore, #tpu.memory_space<semaphore_mem>> -> memref<1x!tpu.dma_semaphore, #tpu.memory_space<semaphore_mem>>
        %dma_wait3A_643 = tpu.memref_squeeze %dma_wait3A_642 : memref<1x!tpu.dma_semaphore, #tpu.memory_space<semaphore_mem>> -> memref<!tpu.dma_semaphore, #tpu.memory_space<semaphore_mem>>
        tpu.wait_indirect_dma semaphore(%dma_wait3A_643 : memref<!tpu.dma_semaphore, #tpu.memory_space<semaphore_mem>>) src(%arg16 : memref<256xf32, #tpu.memory_space<vmem>>) dst(%dma_wait3A_641 : memref<10000xf32, #tpu.memory_space<vmem_shared>>)
      } else {
      }
      %rem3A_564 = arith.constant 78 : i32
      %rem3A_565 = arith.constant 2 : i32
      %rem3A_566 = arith.remsi %rem3A_564, %rem3A_565 : i32
      %rem3A_567 = arith.constant 78 : i32
      %rem3A_568 = arith.constant 4 : i32
      %rem3A_569 = arith.remsi %rem3A_567, %rem3A_568 : i32
      %dma_start3A_570 = arith.constant 0 : i32
      %dma_start3A_571 = arith.constant 0 : i32
      %dma_start3A_572 = tpu.memref_slice %arg15[%rem3A_566, %dma_start3A_570, %dma_start3A_571] : memref<2x256x64xf32, #tpu.memory_space<vmem>> -> memref<1x256x64xf32, #tpu.memory_space<vmem>>
      %dma_start3A_573 = tpu.memref_squeeze %dma_start3A_572 : memref<1x256x64xf32, #tpu.memory_space<vmem>> -> memref<256x64xf32, #tpu.memory_space<vmem>>
      %dma_start3A_574 = arith.constant 0 : i32
      %dma_start3A_575 = tpu.memref_slice %arg13[%rem3A_569, %dma_start3A_574] : memref<4x256xi32, #tpu.memory_space<vmem>> -> memref<1x256xi32, #tpu.memory_space<vmem>>
      %dma_start3A_576 = tpu.memref_squeeze %dma_start3A_575 : memref<1x256xi32, #tpu.memory_space<vmem>> -> memref<256xi32, #tpu.memory_space<vmem>>
      %dma_start3A_577 = arith.constant 0 : i32
      %dma_start3A_578 = arith.constant 0 : i32
      %dma_start3A_579 = tpu.memref_slice %arg7[%arg0, %dma_start3A_577, %dma_start3A_578] : memref<2x10000x64xf32, #tpu.memory_space<hbm>> -> memref<1x10000x64xf32, #tpu.memory_space<hbm>>
      %dma_start3A_580 = tpu.memref_squeeze %dma_start3A_579 : memref<1x10000x64xf32, #tpu.memory_space<hbm>> -> memref<10000x64xf32, #tpu.memory_space<hbm>>
      %dma_start3A_581 = arith.constant 0 : i32
      %dma_start3A_582 = arith.constant 0 : i32
      %dma_start3A_583 = tpu.memref_slice %dma_start3A_580[%dma_start3A_581, %dma_start3A_582] : memref<10000x64xf32, #tpu.memory_space<hbm>> -> memref<10000x64xf32, #tpu.memory_space<hbm>>
      %dma_start3A_584 = tpu.memref_slice %arg20[%rem3A_566] : memref<2x!tpu.dma_semaphore, #tpu.memory_space<semaphore_mem>> -> memref<1x!tpu.dma_semaphore, #tpu.memory_space<semaphore_mem>>
      %dma_start3A_585 = tpu.memref_squeeze %dma_start3A_584 : memref<1x!tpu.dma_semaphore, #tpu.memory_space<semaphore_mem>> -> memref<!tpu.dma_semaphore, #tpu.memory_space<semaphore_mem>>
      tpu.enqueue_indirect_dma source(%dma_start3A_583 : memref<10000x64xf32, #tpu.memory_space<hbm>>) target(%dma_start3A_573 : memref<256x64xf32, #tpu.memory_space<vmem>>) offsets(%dma_start3A_576 : memref<256xi32, #tpu.memory_space<vmem>>) semaphore(%dma_start3A_585 : memref<!tpu.dma_semaphore, #tpu.memory_space<semaphore_mem>>)
      %rem3A_586 = arith.constant 77 : i32
      %rem3A_587 = arith.constant 2 : i32
      %rem3A_588 = arith.remsi %rem3A_586, %rem3A_587 : i32
      %rem3A_589 = arith.constant 77 : i32
      %rem3A_590 = arith.constant 4 : i32
      %rem3A_591 = arith.remsi %rem3A_589, %rem3A_590 : i32
      %dma_wait3A_592 = arith.constant 0 : i32
      %dma_wait3A_593 = arith.constant 0 : i32
      %dma_wait3A_594 = tpu.memref_slice %arg15[%rem3A_588, %dma_wait3A_592, %dma_wait3A_593] : memref<2x256x64xf32, #tpu.memory_space<vmem>> -> memref<1x256x64xf32, #tpu.memory_space<vmem>>
      %dma_wait3A_595 = tpu.memref_squeeze %dma_wait3A_594 : memref<1x256x64xf32, #tpu.memory_space<vmem>> -> memref<256x64xf32, #tpu.memory_space<vmem>>
      %dma_wait3A_596 = arith.constant 0 : i32
      %dma_wait3A_597 = tpu.memref_slice %arg13[%rem3A_591, %dma_wait3A_596] : memref<4x256xi32, #tpu.memory_space<vmem>> -> memref<1x256xi32, #tpu.memory_space<vmem>>
      %dma_wait3A_598 = tpu.memref_squeeze %dma_wait3A_597 : memref<1x256xi32, #tpu.memory_space<vmem>> -> memref<256xi32, #tpu.memory_space<vmem>>
      %dma_wait3A_599 = arith.constant 0 : i32
      %dma_wait3A_600 = arith.constant 0 : i32
      %dma_wait3A_601 = tpu.memref_slice %arg7[%arg0, %dma_wait3A_599, %dma_wait3A_600] : memref<2x10000x64xf32, #tpu.memory_space<hbm>> -> memref<1x10000x64xf32, #tpu.memory_space<hbm>>
      %dma_wait3A_602 = tpu.memref_squeeze %dma_wait3A_601 : memref<1x10000x64xf32, #tpu.memory_space<hbm>> -> memref<10000x64xf32, #tpu.memory_space<hbm>>
      %dma_wait3A_603 = arith.constant 0 : i32
      %dma_wait3A_604 = arith.constant 0 : i32
      %dma_wait3A_605 = tpu.memref_slice %dma_wait3A_602[%dma_wait3A_603, %dma_wait3A_604] : memref<10000x64xf32, #tpu.memory_space<hbm>> -> memref<10000x64xf32, #tpu.memory_space<hbm>>
      %dma_wait3A_606 = tpu.memref_slice %arg20[%rem3A_588] : memref<2x!tpu.dma_semaphore, #tpu.memory_space<semaphore_mem>> -> memref<1x!tpu.dma_semaphore, #tpu.memory_space<semaphore_mem>>
      %dma_wait3A_607 = tpu.memref_squeeze %dma_wait3A_606 : memref<1x!tpu.dma_semaphore, #tpu.memory_space<semaphore_mem>> -> memref<!tpu.dma_semaphore, #tpu.memory_space<semaphore_mem>>
      tpu.wait_indirect_dma semaphore(%dma_wait3A_607 : memref<!tpu.dma_semaphore, #tpu.memory_space<semaphore_mem>>) src(%dma_wait3A_605 : memref<10000x64xf32, #tpu.memory_space<hbm>>) dst(%dma_wait3A_595 : memref<256x64xf32, #tpu.memory_space<vmem>>)
      %rem3A_608 = arith.constant 77 : i32
      %rem3A_609 = arith.constant 2 : i32
      %rem3A_610 = arith.remsi %rem3A_608, %rem3A_609 : i32
      %rem3A_611 = arith.constant 77 : i32
      %rem3A_612 = arith.constant 4 : i32
      %rem3A_613 = arith.remsi %rem3A_611, %rem3A_612 : i32
      %dma_start3A_614 = arith.constant 0 : i32
      %dma_start3A_615 = arith.constant 0 : i32
      %dma_start3A_616 = tpu.memref_slice %arg15[%rem3A_610, %dma_start3A_614, %dma_start3A_615] : memref<2x256x64xf32, #tpu.memory_space<vmem>> -> memref<1x256x64xf32, #tpu.memory_space<vmem>>
      %dma_start3A_617 = tpu.memref_squeeze %dma_start3A_616 : memref<1x256x64xf32, #tpu.memory_space<vmem>> -> memref<256x64xf32, #tpu.memory_space<vmem>>
      %dma_start3A_618 = arith.constant 0 : i32
      %dma_start3A_619 = tpu.memref_slice %arg14[%rem3A_613, %dma_start3A_618] : memref<4x256xi32, #tpu.memory_space<vmem>> -> memref<1x256xi32, #tpu.memory_space<vmem>>
      %dma_start3A_620 = tpu.memref_squeeze %dma_start3A_619 : memref<1x256xi32, #tpu.memory_space<vmem>> -> memref<256xi32, #tpu.memory_space<vmem>>
      %dma_start3A_621 = arith.constant 0 : i32
      %dma_start3A_622 = arith.constant 0 : i32
      %dma_start3A_623 = tpu.memref_slice %arg8[%dma_start3A_621, %dma_start3A_622] : memref<10000x64xf32, #tpu.memory_space<vmem_shared>> -> memref<10000x64xf32, #tpu.memory_space<vmem_shared>>
      %dma_start3A_624 = tpu.memref_slice %arg21[%rem3A_610] : memref<2x!tpu.dma_semaphore, #tpu.memory_space<semaphore_mem>> -> memref<1x!tpu.dma_semaphore, #tpu.memory_space<semaphore_mem>>
      %dma_start3A_625 = tpu.memref_squeeze %dma_start3A_624 : memref<1x!tpu.dma_semaphore, #tpu.memory_space<semaphore_mem>> -> memref<!tpu.dma_semaphore, #tpu.memory_space<semaphore_mem>>
      tpu.enqueue_indirect_dma source(%dma_start3A_617 : memref<256x64xf32, #tpu.memory_space<vmem>>) target(%dma_start3A_623 : memref<10000x64xf32, #tpu.memory_space<vmem_shared>>) offsets(%dma_start3A_620 : memref<256xi32, #tpu.memory_space<vmem>>) semaphore(%dma_start3A_625 : memref<!tpu.dma_semaphore, #tpu.memory_space<semaphore_mem>>) {add = true}
      %eq3A_626 = arith.constant 0 : i32
      %eq3A_627 = arith.cmpi eq, %arg0, %eq3A_626 : i32
      %convert_element_type3A_628 = arith.extui %eq3A_627 : i1 to i32
      %cond3A_629 = arith.constant 0 : i32
      %cond3A_630 = arith.cmpi ne, %convert_element_type3A_628, %cond3A_629 : i32
      scf.if %cond3A_630 {
        %rem3A_631 = arith.constant 77 : i32
        %rem3A_632 = arith.constant 2 : i32
        %rem3A_633 = arith.remsi %rem3A_631, %rem3A_632 : i32
        %rem3A_634 = arith.constant 77 : i32
        %rem3A_635 = arith.constant 4 : i32
        %rem3A_636 = arith.remsi %rem3A_634, %rem3A_635 : i32
        %dma_start3A_637 = arith.constant 0 : i32
        %dma_start3A_638 = tpu.memref_slice %arg14[%rem3A_636, %dma_start3A_637] : memref<4x256xi32, #tpu.memory_space<vmem>> -> memref<1x256xi32, #tpu.memory_space<vmem>>
        %dma_start3A_639 = tpu.memref_squeeze %dma_start3A_638 : memref<1x256xi32, #tpu.memory_space<vmem>> -> memref<256xi32, #tpu.memory_space<vmem>>
        %dma_start3A_640 = arith.constant 0 : i32
        %dma_start3A_641 = tpu.memref_slice %arg9[%dma_start3A_640] : memref<10000xf32, #tpu.memory_space<vmem_shared>> -> memref<10000xf32, #tpu.memory_space<vmem_shared>>
        %dma_start3A_642 = tpu.memref_slice %arg22[%rem3A_633] : memref<2x!tpu.dma_semaphore, #tpu.memory_space<semaphore_mem>> -> memref<1x!tpu.dma_semaphore, #tpu.memory_space<semaphore_mem>>
        %dma_start3A_643 = tpu.memref_squeeze %dma_start3A_642 : memref<1x!tpu.dma_semaphore, #tpu.memory_space<semaphore_mem>> -> memref<!tpu.dma_semaphore, #tpu.memory_space<semaphore_mem>>
        tpu.enqueue_indirect_dma source(%arg16 : memref<256xf32, #tpu.memory_space<vmem>>) target(%dma_start3A_641 : memref<10000xf32, #tpu.memory_space<vmem_shared>>) offsets(%dma_start3A_639 : memref<256xi32, #tpu.memory_space<vmem>>) semaphore(%dma_start3A_643 : memref<!tpu.dma_semaphore, #tpu.memory_space<semaphore_mem>>) {add = true}
      } else {
      }
    } else {
    }
    %sub3A_380 = arith.constant 1 : i32
    %sub3A_381 = arith.subi %add3A_80, %sub3A_380 : i32
    %rem3A_382 = arith.constant 2 : i32
    %rem3A_383 = arith.remsi %sub3A_381, %rem3A_382 : i32
    %rem3A_384 = arith.constant 4 : i32
    %rem3A_385 = arith.remsi %sub3A_381, %rem3A_384 : i32
    %dma_wait3A_386 = arith.constant 0 : i32
    %dma_wait3A_387 = arith.constant 0 : i32
    %dma_wait3A_388 = tpu.memref_slice %arg15[%rem3A_383, %dma_wait3A_386, %dma_wait3A_387] : memref<2x256x64xf32, #tpu.memory_space<vmem>> -> memref<1x256x64xf32, #tpu.memory_space<vmem>>
    %dma_wait3A_389 = tpu.memref_squeeze %dma_wait3A_388 : memref<1x256x64xf32, #tpu.memory_space<vmem>> -> memref<256x64xf32, #tpu.memory_space<vmem>>
    %dma_wait3A_390 = arith.constant 0 : i32
    %dma_wait3A_391 = tpu.memref_slice %arg13[%rem3A_385, %dma_wait3A_390] : memref<4x256xi32, #tpu.memory_space<vmem>> -> memref<1x256xi32, #tpu.memory_space<vmem>>
    %dma_wait3A_392 = tpu.memref_squeeze %dma_wait3A_391 : memref<1x256xi32, #tpu.memory_space<vmem>> -> memref<256xi32, #tpu.memory_space<vmem>>
    %dma_wait3A_393 = arith.constant 0 : i32
    %dma_wait3A_394 = arith.constant 0 : i32
    %dma_wait3A_395 = tpu.memref_slice %arg7[%arg0, %dma_wait3A_393, %dma_wait3A_394] : memref<2x10000x64xf32, #tpu.memory_space<hbm>> -> memref<1x10000x64xf32, #tpu.memory_space<hbm>>
    %dma_wait3A_396 = tpu.memref_squeeze %dma_wait3A_395 : memref<1x10000x64xf32, #tpu.memory_space<hbm>> -> memref<10000x64xf32, #tpu.memory_space<hbm>>
    %dma_wait3A_397 = arith.constant 0 : i32
    %dma_wait3A_398 = arith.constant 0 : i32
    %dma_wait3A_399 = tpu.memref_slice %dma_wait3A_396[%dma_wait3A_397, %dma_wait3A_398] : memref<10000x64xf32, #tpu.memory_space<hbm>> -> memref<10000x64xf32, #tpu.memory_space<hbm>>
    %dma_wait3A_400 = tpu.memref_slice %arg20[%rem3A_383] : memref<2x!tpu.dma_semaphore, #tpu.memory_space<semaphore_mem>> -> memref<1x!tpu.dma_semaphore, #tpu.memory_space<semaphore_mem>>
    %dma_wait3A_401 = tpu.memref_squeeze %dma_wait3A_400 : memref<1x!tpu.dma_semaphore, #tpu.memory_space<semaphore_mem>> -> memref<!tpu.dma_semaphore, #tpu.memory_space<semaphore_mem>>
    tpu.wait_indirect_dma semaphore(%dma_wait3A_401 : memref<!tpu.dma_semaphore, #tpu.memory_space<semaphore_mem>>) src(%dma_wait3A_399 : memref<10000x64xf32, #tpu.memory_space<hbm>>) dst(%dma_wait3A_389 : memref<256x64xf32, #tpu.memory_space<vmem>>)
    %sub3A_402 = arith.constant 1 : i32
    %sub3A_403 = arith.subi %add3A_80, %sub3A_402 : i32
    %rem3A_404 = arith.constant 2 : i32
    %rem3A_405 = arith.remsi %sub3A_403, %rem3A_404 : i32
    %rem3A_406 = arith.constant 4 : i32
    %rem3A_407 = arith.remsi %sub3A_403, %rem3A_406 : i32
    %dma_start3A_408 = arith.constant 0 : i32
    %dma_start3A_409 = arith.constant 0 : i32
    %dma_start3A_410 = tpu.memref_slice %arg15[%rem3A_405, %dma_start3A_408, %dma_start3A_409] : memref<2x256x64xf32, #tpu.memory_space<vmem>> -> memref<1x256x64xf32, #tpu.memory_space<vmem>>
    %dma_start3A_411 = tpu.memref_squeeze %dma_start3A_410 : memref<1x256x64xf32, #tpu.memory_space<vmem>> -> memref<256x64xf32, #tpu.memory_space<vmem>>
    %dma_start3A_412 = arith.constant 0 : i32
    %dma_start3A_413 = tpu.memref_slice %arg14[%rem3A_407, %dma_start3A_412] : memref<4x256xi32, #tpu.memory_space<vmem>> -> memref<1x256xi32, #tpu.memory_space<vmem>>
    %dma_start3A_414 = tpu.memref_squeeze %dma_start3A_413 : memref<1x256xi32, #tpu.memory_space<vmem>> -> memref<256xi32, #tpu.memory_space<vmem>>
    %dma_start3A_415 = arith.constant 0 : i32
    %dma_start3A_416 = arith.constant 0 : i32
    %dma_start3A_417 = tpu.memref_slice %arg8[%dma_start3A_415, %dma_start3A_416] : memref<10000x64xf32, #tpu.memory_space<vmem_shared>> -> memref<10000x64xf32, #tpu.memory_space<vmem_shared>>
    %dma_start3A_418 = tpu.memref_slice %arg21[%rem3A_405] : memref<2x!tpu.dma_semaphore, #tpu.memory_space<semaphore_mem>> -> memref<1x!tpu.dma_semaphore, #tpu.memory_space<semaphore_mem>>
    %dma_start3A_419 = tpu.memref_squeeze %dma_start3A_418 : memref<1x!tpu.dma_semaphore, #tpu.memory_space<semaphore_mem>> -> memref<!tpu.dma_semaphore, #tpu.memory_space<semaphore_mem>>
    tpu.enqueue_indirect_dma source(%dma_start3A_411 : memref<256x64xf32, #tpu.memory_space<vmem>>) target(%dma_start3A_417 : memref<10000x64xf32, #tpu.memory_space<vmem_shared>>) offsets(%dma_start3A_414 : memref<256xi32, #tpu.memory_space<vmem>>) semaphore(%dma_start3A_419 : memref<!tpu.dma_semaphore, #tpu.memory_space<semaphore_mem>>) {add = true}
    %eq3A_420 = arith.constant 0 : i32
    %eq3A_421 = arith.cmpi eq, %arg0, %eq3A_420 : i32
    %convert_element_type3A_422 = arith.extui %eq3A_421 : i1 to i32
    %cond3A_423 = arith.constant 0 : i32
    %cond3A_424 = arith.cmpi ne, %convert_element_type3A_422, %cond3A_423 : i32
    scf.if %cond3A_424 {
      %rem3A_490 = arith.constant 2 : i32
      %rem3A_491 = arith.remsi %sub3A_403, %rem3A_490 : i32
      %rem3A_492 = arith.constant 4 : i32
      %rem3A_493 = arith.remsi %sub3A_403, %rem3A_492 : i32
      %dma_start3A_494 = arith.constant 0 : i32
      %dma_start3A_495 = tpu.memref_slice %arg14[%rem3A_493, %dma_start3A_494] : memref<4x256xi32, #tpu.memory_space<vmem>> -> memref<1x256xi32, #tpu.memory_space<vmem>>
      %dma_start3A_496 = tpu.memref_squeeze %dma_start3A_495 : memref<1x256xi32, #tpu.memory_space<vmem>> -> memref<256xi32, #tpu.memory_space<vmem>>
      %dma_start3A_497 = arith.constant 0 : i32
      %dma_start3A_498 = tpu.memref_slice %arg9[%dma_start3A_497] : memref<10000xf32, #tpu.memory_space<vmem_shared>> -> memref<10000xf32, #tpu.memory_space<vmem_shared>>
      %dma_start3A_499 = tpu.memref_slice %arg22[%rem3A_491] : memref<2x!tpu.dma_semaphore, #tpu.memory_space<semaphore_mem>> -> memref<1x!tpu.dma_semaphore, #tpu.memory_space<semaphore_mem>>
      %dma_start3A_500 = tpu.memref_squeeze %dma_start3A_499 : memref<1x!tpu.dma_semaphore, #tpu.memory_space<semaphore_mem>> -> memref<!tpu.dma_semaphore, #tpu.memory_space<semaphore_mem>>
      tpu.enqueue_indirect_dma source(%arg16 : memref<256xf32, #tpu.memory_space<vmem>>) target(%dma_start3A_498 : memref<10000xf32, #tpu.memory_space<vmem_shared>>) offsets(%dma_start3A_496 : memref<256xi32, #tpu.memory_space<vmem>>) semaphore(%dma_start3A_500 : memref<!tpu.dma_semaphore, #tpu.memory_space<semaphore_mem>>) {add = true}
    } else {
    }
    %sub3A_425 = arith.constant 2 : i32
    %sub3A_426 = arith.subi %add3A_80, %sub3A_425 : i32
    %rem3A_427 = arith.constant 2 : i32
    %rem3A_428 = arith.remsi %sub3A_426, %rem3A_427 : i32
    %rem3A_429 = arith.constant 4 : i32
    %rem3A_430 = arith.remsi %sub3A_426, %rem3A_429 : i32
    %dma_wait3A_431 = arith.constant 0 : i32
    %dma_wait3A_432 = arith.constant 0 : i32
    %dma_wait3A_433 = tpu.memref_slice %arg15[%rem3A_428, %dma_wait3A_431, %dma_wait3A_432] : memref<2x256x64xf32, #tpu.memory_space<vmem>> -> memref<1x256x64xf32, #tpu.memory_space<vmem>>
    %dma_wait3A_434 = tpu.memref_squeeze %dma_wait3A_433 : memref<1x256x64xf32, #tpu.memory_space<vmem>> -> memref<256x64xf32, #tpu.memory_space<vmem>>
    %dma_wait3A_435 = arith.constant 0 : i32
    %dma_wait3A_436 = tpu.memref_slice %arg14[%rem3A_430, %dma_wait3A_435] : memref<4x256xi32, #tpu.memory_space<vmem>> -> memref<1x256xi32, #tpu.memory_space<vmem>>
    %dma_wait3A_437 = tpu.memref_squeeze %dma_wait3A_436 : memref<1x256xi32, #tpu.memory_space<vmem>> -> memref<256xi32, #tpu.memory_space<vmem>>
    %dma_wait3A_438 = arith.constant 0 : i32
    %dma_wait3A_439 = arith.constant 0 : i32
    %dma_wait3A_440 = tpu.memref_slice %arg8[%dma_wait3A_438, %dma_wait3A_439] : memref<10000x64xf32, #tpu.memory_space<vmem_shared>> -> memref<10000x64xf32, #tpu.memory_space<vmem_shared>>
    %dma_wait3A_441 = tpu.memref_slice %arg21[%rem3A_428] : memref<2x!tpu.dma_semaphore, #tpu.memory_space<semaphore_mem>> -> memref<1x!tpu.dma_semaphore, #tpu.memory_space<semaphore_mem>>
    %dma_wait3A_442 = tpu.memref_squeeze %dma_wait3A_441 : memref<1x!tpu.dma_semaphore, #tpu.memory_space<semaphore_mem>> -> memref<!tpu.dma_semaphore, #tpu.memory_space<semaphore_mem>>
    tpu.wait_indirect_dma semaphore(%dma_wait3A_442 : memref<!tpu.dma_semaphore, #tpu.memory_space<semaphore_mem>>) src(%dma_wait3A_434 : memref<256x64xf32, #tpu.memory_space<vmem>>) dst(%dma_wait3A_440 : memref<10000x64xf32, #tpu.memory_space<vmem_shared>>)
    %eq3A_443 = arith.constant 0 : i32
    %eq3A_444 = arith.cmpi eq, %arg0, %eq3A_443 : i32
    %convert_element_type3A_445 = arith.extui %eq3A_444 : i1 to i32
    %cond3A_446 = arith.constant 0 : i32
    %cond3A_447 = arith.cmpi ne, %convert_element_type3A_445, %cond3A_446 : i32
    scf.if %cond3A_447 {
      %rem3A_490 = arith.constant 2 : i32
      %rem3A_491 = arith.remsi %sub3A_426, %rem3A_490 : i32
      %rem3A_492 = arith.constant 4 : i32
      %rem3A_493 = arith.remsi %sub3A_426, %rem3A_492 : i32
      %dma_wait3A_494 = arith.constant 0 : i32
      %dma_wait3A_495 = tpu.memref_slice %arg14[%rem3A_493, %dma_wait3A_494] : memref<4x256xi32, #tpu.memory_space<vmem>> -> memref<1x256xi32, #tpu.memory_space<vmem>>
      %dma_wait3A_496 = tpu.memref_squeeze %dma_wait3A_495 : memref<1x256xi32, #tpu.memory_space<vmem>> -> memref<256xi32, #tpu.memory_space<vmem>>
      %dma_wait3A_497 = arith.constant 0 : i32
      %dma_wait3A_498 = tpu.memref_slice %arg9[%dma_wait3A_497] : memref<10000xf32, #tpu.memory_space<vmem_shared>> -> memref<10000xf32, #tpu.memory_space<vmem_shared>>
      %dma_wait3A_499 = tpu.memref_slice %arg22[%rem3A_491] : memref<2x!tpu.dma_semaphore, #tpu.memory_space<semaphore_mem>> -> memref<1x!tpu.dma_semaphore, #tpu.memory_space<semaphore_mem>>
      %dma_wait3A_500 = tpu.memref_squeeze %dma_wait3A_499 : memref<1x!tpu.dma_semaphore, #tpu.memory_space<semaphore_mem>> -> memref<!tpu.dma_semaphore, #tpu.memory_space<semaphore_mem>>
      tpu.wait_indirect_dma semaphore(%dma_wait3A_500 : memref<!tpu.dma_semaphore, #tpu.memory_space<semaphore_mem>>) src(%arg16 : memref<256xf32, #tpu.memory_space<vmem>>) dst(%dma_wait3A_498 : memref<10000xf32, #tpu.memory_space<vmem_shared>>)
    } else {
    }
    %sub3A_448 = arith.constant 1 : i32
    %sub3A_449 = arith.subi %add3A_80, %sub3A_448 : i32
    %rem3A_450 = arith.constant 2 : i32
    %rem3A_451 = arith.remsi %sub3A_449, %rem3A_450 : i32
    %rem3A_452 = arith.constant 4 : i32
    %rem3A_453 = arith.remsi %sub3A_449, %rem3A_452 : i32
    %dma_wait3A_454 = arith.constant 0 : i32
    %dma_wait3A_455 = arith.constant 0 : i32
    %dma_wait3A_456 = tpu.memref_slice %arg15[%rem3A_451, %dma_wait3A_454, %dma_wait3A_455] : memref<2x256x64xf32, #tpu.memory_space<vmem>> -> memref<1x256x64xf32, #tpu.memory_space<vmem>>
    %dma_wait3A_457 = tpu.memref_squeeze %dma_wait3A_456 : memref<1x256x64xf32, #tpu.memory_space<vmem>> -> memref<256x64xf32, #tpu.memory_space<vmem>>
    %dma_wait3A_458 = arith.constant 0 : i32
    %dma_wait3A_459 = tpu.memref_slice %arg14[%rem3A_453, %dma_wait3A_458] : memref<4x256xi32, #tpu.memory_space<vmem>> -> memref<1x256xi32, #tpu.memory_space<vmem>>
    %dma_wait3A_460 = tpu.memref_squeeze %dma_wait3A_459 : memref<1x256xi32, #tpu.memory_space<vmem>> -> memref<256xi32, #tpu.memory_space<vmem>>
    %dma_wait3A_461 = arith.constant 0 : i32
    %dma_wait3A_462 = arith.constant 0 : i32
    %dma_wait3A_463 = tpu.memref_slice %arg8[%dma_wait3A_461, %dma_wait3A_462] : memref<10000x64xf32, #tpu.memory_space<vmem_shared>> -> memref<10000x64xf32, #tpu.memory_space<vmem_shared>>
    %dma_wait3A_464 = tpu.memref_slice %arg21[%rem3A_451] : memref<2x!tpu.dma_semaphore, #tpu.memory_space<semaphore_mem>> -> memref<1x!tpu.dma_semaphore, #tpu.memory_space<semaphore_mem>>
    %dma_wait3A_465 = tpu.memref_squeeze %dma_wait3A_464 : memref<1x!tpu.dma_semaphore, #tpu.memory_space<semaphore_mem>> -> memref<!tpu.dma_semaphore, #tpu.memory_space<semaphore_mem>>
    tpu.wait_indirect_dma semaphore(%dma_wait3A_465 : memref<!tpu.dma_semaphore, #tpu.memory_space<semaphore_mem>>) src(%dma_wait3A_457 : memref<256x64xf32, #tpu.memory_space<vmem>>) dst(%dma_wait3A_463 : memref<10000x64xf32, #tpu.memory_space<vmem_shared>>)
    %eq3A_466 = arith.constant 0 : i32
    %eq3A_467 = arith.cmpi eq, %arg0, %eq3A_466 : i32
    %convert_element_type3A_468 = arith.extui %eq3A_467 : i1 to i32
    %cond3A_469 = arith.constant 0 : i32
    %cond3A_470 = arith.cmpi ne, %convert_element_type3A_468, %cond3A_469 : i32
    scf.if %cond3A_470 {
      %rem3A_490 = arith.constant 2 : i32
      %rem3A_491 = arith.remsi %sub3A_449, %rem3A_490 : i32
      %rem3A_492 = arith.constant 4 : i32
      %rem3A_493 = arith.remsi %sub3A_449, %rem3A_492 : i32
      %dma_wait3A_494 = arith.constant 0 : i32
      %dma_wait3A_495 = tpu.memref_slice %arg14[%rem3A_493, %dma_wait3A_494] : memref<4x256xi32, #tpu.memory_space<vmem>> -> memref<1x256xi32, #tpu.memory_space<vmem>>
      %dma_wait3A_496 = tpu.memref_squeeze %dma_wait3A_495 : memref<1x256xi32, #tpu.memory_space<vmem>> -> memref<256xi32, #tpu.memory_space<vmem>>
      %dma_wait3A_497 = arith.constant 0 : i32
      %dma_wait3A_498 = tpu.memref_slice %arg9[%dma_wait3A_497] : memref<10000xf32, #tpu.memory_space<vmem_shared>> -> memref<10000xf32, #tpu.memory_space<vmem_shared>>
      %dma_wait3A_499 = tpu.memref_slice %arg22[%rem3A_491] : memref<2x!tpu.dma_semaphore, #tpu.memory_space<semaphore_mem>> -> memref<1x!tpu.dma_semaphore, #tpu.memory_space<semaphore_mem>>
      %dma_wait3A_500 = tpu.memref_squeeze %dma_wait3A_499 : memref<1x!tpu.dma_semaphore, #tpu.memory_space<semaphore_mem>> -> memref<!tpu.dma_semaphore, #tpu.memory_space<semaphore_mem>>
      tpu.wait_indirect_dma semaphore(%dma_wait3A_500 : memref<!tpu.dma_semaphore, #tpu.memory_space<semaphore_mem>>) src(%arg16 : memref<256xf32, #tpu.memory_space<vmem>>) dst(%dma_wait3A_498 : memref<10000xf32, #tpu.memory_space<vmem_shared>>)
    } else {
    }
    %barrier3A_471 = arith.constant 0 : index
    tpu.barrier barrier_id(%barrier3A_471)
    %scan3A_472 = arith.constant 0 : i32
    %scan3A_473 = arith.constant 4 : i32
    %scan3A_474 = arith.addi %scan3A_472, %scan3A_473 : i32
    %scan3A_475 = arith.constant 1 : i32
    scf.for %scan3A_490 = %scan3A_472 to %scan3A_474 step %scan3A_475  : i32 {
      %mul3A_491 = arith.constant 1 : i32
      %mul3A_492 = arith.muli %scan3A_490, %mul3A_491 : i32
      %add3A_493 = arith.constant 0 : i32
      %add3A_494 = arith.addi %add3A_493, %mul3A_492 : i32
      %mul3A_495 = arith.constant 16 : i32
      %mul3A_496 = arith.muli %add3A_494, %mul3A_495 : i32
      %add3A_497 = arith.addi %mul3A_496, %arg1 : i32
      %lt3A_498 = arith.constant 50 : i32
      %lt3A_499 = arith.cmpi slt, %add3A_497, %lt3A_498 : i32
      %convert_element_type3A_500 = arith.extui %lt3A_499 : i1 to i32
      %cond3A_501 = arith.constant 0 : i32
      %cond3A_502 = arith.cmpi ne, %convert_element_type3A_500, %cond3A_501 : i32
      scf.if %cond3A_502 {
        %mul3A_503 = arith.constant 16 : i32
        %mul3A_504 = arith.muli %add3A_494, %mul3A_503 : i32
        %add3A_505 = arith.addi %mul3A_504, %arg1 : i32
        %mul3A_506 = arith.constant 200 : i32
        %mul3A_507 = arith.muli %add3A_505, %mul3A_506 : i32
        %dma_start3A_508 = tpu.memref_slice %arg5[%mul3A_507, %mul3A_29] : memref<10000x128xf32, #tpu.memory_space<hbm>> -> memref<200x64xf32, #tpu.memory_space<hbm>>
        %dma_start3A_509 = arith.constant 0 : i32
        %dma_start3A_510 = tpu.memref_slice %arg8[%mul3A_507, %dma_start3A_509] : memref<10000x64xf32, #tpu.memory_space<vmem_shared>> -> memref<200x64xf32, #tpu.memory_space<vmem_shared>>
        tpu.enqueue_dma source(%dma_start3A_510 : memref<200x64xf32, #tpu.memory_space<vmem_shared>>) target(%dma_start3A_508 : memref<200x64xf32, #tpu.memory_space<hbm>>) target_semaphore(%arg26 : memref<!tpu.dma_semaphore, #tpu.memory_space<semaphore_mem>>)
      } else {
      }
    }
    %scan3A_476 = arith.constant 4 : i32
    %eq3A_477 = arith.constant 0 : i32
    %eq3A_478 = arith.cmpi eq, %arg0, %eq3A_477 : i32
    %eq3A_479 = arith.constant 0 : i32
    %eq3A_480 = arith.cmpi eq, %arg1, %eq3A_479 : i32
    %and3A_481 = arith.andi %eq3A_478, %eq3A_480 : i1
    %convert_element_type3A_482 = arith.extui %and3A_481 : i1 to i32
    %cond3A_483 = arith.constant 0 : i32
    %cond3A_484 = arith.cmpi ne, %convert_element_type3A_482, %cond3A_483 : i32
    scf.if %cond3A_484 {
      "tpu.region"() ({
        %run_scoped3A = tpu.sem_alloc : memref<!tpu.dma_semaphore, #tpu.memory_space<semaphore_mem>>
        tpu.enqueue_dma source(%arg9 : memref<10000xf32, #tpu.memory_space<vmem_shared>>) target(%arg6 : memref<10000xf32, #tpu.memory_space<hbm>>) target_semaphore(%run_scoped3A : memref<!tpu.dma_semaphore, #tpu.memory_space<semaphore_mem>>)
        tpu.wait_dma2 semaphore(%run_scoped3A : memref<!tpu.dma_semaphore, #tpu.memory_space<semaphore_mem>>) src(%arg9 : memref<10000xf32, #tpu.memory_space<vmem_shared>>) dst(%arg6 : memref<10000xf32, #tpu.memory_space<hbm>>)
        tpu.yield
      }) : () -> ()
    } else {
    }
    %scan3A_485 = arith.constant 0 : i32
    %scan3A_486 = arith.constant 4 : i32
    %scan3A_487 = arith.addi %scan3A_485, %scan3A_486 : i32
    %scan3A_488 = arith.constant 1 : i32
    scf.for %scan3A_490 = %scan3A_485 to %scan3A_487 step %scan3A_488  : i32 {
      %mul3A_491 = arith.constant 1 : i32
      %mul3A_492 = arith.muli %scan3A_490, %mul3A_491 : i32
      %add3A_493 = arith.constant 0 : i32
      %add3A_494 = arith.addi %add3A_493, %mul3A_492 : i32
      %mul3A_495 = arith.constant 16 : i32
      %mul3A_496 = arith.muli %add3A_494, %mul3A_495 : i32
      %add3A_497 = arith.addi %mul3A_496, %arg1 : i32
      %lt3A_498 = arith.constant 50 : i32
      %lt3A_499 = arith.cmpi slt, %add3A_497, %lt3A_498 : i32
      %convert_element_type3A_500 = arith.extui %lt3A_499 : i1 to i32
      %cond3A_501 = arith.constant 0 : i32
      %cond3A_502 = arith.cmpi ne, %convert_element_type3A_500, %cond3A_501 : i32
      scf.if %cond3A_502 {
        %mul3A_503 = arith.constant 16 : i32
        %mul3A_504 = arith.muli %add3A_494, %mul3A_503 : i32
        %add3A_505 = arith.addi %mul3A_504, %arg1 : i32
        %mul3A_506 = arith.constant 200 : i32
        %mul3A_507 = arith.muli %add3A_505, %mul3A_506 : i32
        %dma_wait3A_508 = tpu.memref_slice %arg5[%mul3A_507, %mul3A_29] : memref<10000x128xf32, #tpu.memory_space<hbm>> -> memref<200x64xf32, #tpu.memory_space<hbm>>
        %dma_wait3A_509 = arith.constant 0 : i32
        %dma_wait3A_510 = tpu.memref_slice %arg8[%mul3A_507, %dma_wait3A_509] : memref<10000x64xf32, #tpu.memory_space<vmem_shared>> -> memref<200x64xf32, #tpu.memory_space<vmem_shared>>
        tpu.wait_dma2 semaphore(%arg26 : memref<!tpu.dma_semaphore, #tpu.memory_space<semaphore_mem>>) src(%dma_wait3A_510 : memref<200x64xf32, #tpu.memory_space<vmem_shared>>) dst(%dma_wait3A_508 : memref<200x64xf32, #tpu.memory_space<hbm>>)
      } else {
      }
    }
    %scan3A_489 = arith.constant 4 : i32
    return
  }
}

module attributes {stable_mosaic.version = 14 : i64} {
  func.func @_tc_body(%arg0: i32, %arg1: memref<2000x128xf32, #tpu.memory_space<vmem>>, %arg2: memref<2000x128xf32, #tpu.memory_space<vmem>>, %arg3: memref<2000x1xf32, #tpu.memory_space<vmem>>, %arg4: memref<128x128xf32, #tpu.memory_space<vmem>>, %arg5: memref<128x128xf32, #tpu.memory_space<vmem>>, %arg6: memref<128xf32, #tpu.memory_space<vmem>>, %arg7: memref<2000x128xf32, #tpu.memory_space<vmem>>) attributes {dimension_semantics = [#tpu.dimension_semantics<arbitrary>], iteration_bounds = array<i64: 5>, scalar_prefetch = 0 : i64, scratch_operands = 0 : i64, tpu.core_type = #tpu.core_type<tc>, window_params = [{transform_indices = @transform_0, window_bounds = array<i64: 2000, 128>}, {transform_indices = @transform_1, window_bounds = array<i64: 2000, 128>}, {transform_indices = @transform_2, window_bounds = array<i64: 2000, 1>}, {pipeline_mode = #tpu.pipeline_mode<synchronous>, transform_indices = @transform_3, window_bounds = array<i64: 128, 128>}, {pipeline_mode = #tpu.pipeline_mode<synchronous>, transform_indices = @transform_4, window_bounds = array<i64: 128, 128>}, {pipeline_mode = #tpu.pipeline_mode<synchronous>, transform_indices = @transform_5, window_bounds = array<i64: 128>}, {transform_indices = @transform_6, window_bounds = array<i64: 2000, 128>}]} {
    %get3A = arith.constant 0 : index
    %get3A_0 = arith.constant 0 : index
    %get3A_1 = vector.load %arg3[%get3A, %get3A_0] : memref<2000x1xf32, #tpu.memory_space<vmem>>, vector<2000x1xf32>
    %max3A = arith.constant 1.000000e+00 : f32
    %max3A_2 = vector.broadcast %max3A : f32 to vector<2000x1xf32>
    %max3A_3 = arith.maximumf %get3A_1, %max3A_2 : vector<2000x1xf32>
    %div3A = arith.constant 1.000000e+00 : f32
    %div3A_4 = vector.broadcast %div3A : f32 to vector<2000x1xf32>
    %div3A_5 = arith.divf %div3A_4, %max3A_3 : vector<2000x1xf32>
    %get3A_6 = arith.constant 0 : index
    %get3A_7 = arith.constant 0 : index
    %get3A_8 = vector.load %arg2[%get3A_6, %get3A_7] : memref<2000x128xf32, #tpu.memory_space<vmem>>, vector<2000x128xf32>
    %mul3A = vector.broadcast %div3A_5 : vector<2000x1xf32> to vector<2000x128xf32>
    %mul3A_9 = arith.mulf %get3A_8, %mul3A : vector<2000x128xf32>
    %get3A_10 = arith.constant 0 : index
    %get3A_11 = arith.constant 0 : index
    %get3A_12 = vector.load %arg1[%get3A_10, %get3A_11] : memref<2000x128xf32, #tpu.memory_space<vmem>>, vector<2000x128xf32>
    %get3A_13 = arith.constant 0 : index
    %get3A_14 = arith.constant 0 : index
    %get3A_15 = vector.load %arg4[%get3A_13, %get3A_14] : memref<128x128xf32, #tpu.memory_space<vmem>>, vector<128x128xf32>
    %dot_general3A = arith.constant dense<0.000000e+00> : vector<2000x128xf32>
    %dot_general3A_16 = tpu.matmul %get3A_12, %get3A_15, %dot_general3A {dimension_numbers = #tpu.dot_dimension_numbers<[1], [1], [0], [0], [0, 0, 1, 0], [], []>, transpose_lhs_hint = false} : vector<2000x128xf32>, vector<128x128xf32>, vector<2000x128xf32> -> vector<2000x128xf32>
    %get3A_17 = arith.constant 0 : index
    %get3A_18 = arith.constant 0 : index
    %get3A_19 = vector.load %arg5[%get3A_17, %get3A_18] : memref<128x128xf32, #tpu.memory_space<vmem>>, vector<128x128xf32>
    %dot_general3A_20 = arith.constant dense<0.000000e+00> : vector<2000x128xf32>
    %dot_general3A_21 = tpu.matmul %mul3A_9, %get3A_19, %dot_general3A_20 {dimension_numbers = #tpu.dot_dimension_numbers<[1], [1], [0], [0], [0, 0, 1, 0], [], []>, transpose_lhs_hint = false} : vector<2000x128xf32>, vector<128x128xf32>, vector<2000x128xf32> -> vector<2000x128xf32>
    %add3A = arith.addf %dot_general3A_16, %dot_general3A_21 : vector<2000x128xf32>
    %get3A_22 = arith.constant 0 : index
    %get3A_23 = vector.load %arg6[%get3A_22] : memref<128xf32, #tpu.memory_space<vmem>>, vector<128xf32>
    %broadcast_in_dim3A = vector.shape_cast %get3A_23 : vector<128xf32> to vector<1x128xf32>
    %add3A_24 = vector.broadcast %broadcast_in_dim3A : vector<1x128xf32> to vector<2000x128xf32>
    %add3A_25 = arith.addf %add3A, %add3A_24 : vector<2000x128xf32>
    %swap3A = arith.constant 0 : index
    %swap3A_26 = arith.constant 0 : index
    %swap3A_27 = vector.load %arg7[%swap3A, %swap3A_26] : memref<2000x128xf32, #tpu.memory_space<vmem>>, vector<2000x128xf32>
    tpu.vector_store %arg7[%swap3A, %swap3A_26], %add3A_25 {strides = array<i32>} : memref<2000x128xf32, #tpu.memory_space<vmem>>, vector<2000x128xf32>,
    return
  }
  func.func @transform_0(%arg0: i32) -> (i32, i32) {
    %c0_i32 = arith.constant 0 : i32
    %c0_i32_0 = arith.constant 0 : i32
    return %arg0, %c0_i32 : i32, i32
  }
  func.func @transform_1(%arg0: i32) -> (i32, i32) {
    %c0_i32 = arith.constant 0 : i32
    %c0_i32_0 = arith.constant 0 : i32
    return %arg0, %c0_i32 : i32, i32
  }
  func.func @transform_2(%arg0: i32) -> (i32, i32) {
    %c0_i32 = arith.constant 0 : i32
    %c0_i32_0 = arith.constant 0 : i32
    return %arg0, %c0_i32 : i32, i32
  }
  func.func @transform_3(%arg0: i32) -> (i32, i32) {
    %c0_i32 = arith.constant 0 : i32
    %c0_i32_0 = arith.constant 0 : i32
    %c0_i32_1 = arith.constant 0 : i32
    return %c0_i32, %c0_i32_0 : i32, i32
  }
  func.func @transform_4(%arg0: i32) -> (i32, i32) {
    %c0_i32 = arith.constant 0 : i32
    %c0_i32_0 = arith.constant 0 : i32
    %c0_i32_1 = arith.constant 0 : i32
    return %c0_i32, %c0_i32_0 : i32, i32
  }
  func.func @transform_5(%arg0: i32) -> i32 {
    %c0_i32 = arith.constant 0 : i32
    %c0_i32_0 = arith.constant 0 : i32
    return %c0_i32 : i32
  }
  func.func @transform_6(%arg0: i32) -> (i32, i32) {
    %c0_i32 = arith.constant 0 : i32
    %c0_i32_0 = arith.constant 0 : i32
    return %arg0, %c0_i32 : i32, i32
  }
}

</mosaic_0001>

<sc_bundles>
// kernel: kernel.4.cloned.1.call-start
scs
__scs_entry_jumppad:
0x0: {  	(pc) =	sbr.rel $0x88, $3  }
0x1: {  	(tag) =	ssettag $0x0;
	lr =	simm.s32 $0x1  }
0x2: {  	[smem:$0x3F9A] =	sst lr;
	_ =	strace $0xD0000000  }
0x3: {  	_ = 	snop  }
0x4: {  	_ = 	snop  }
0x5: {  	_ = 	snop  }
0x6: {  	_ = 	snop  }
0x7: {  	_ = 	snop  }
__scs_overlays_trampoline_lowered:
0x8: {  	[smem:$0x3FA9] =	sst s0  }
0x9: {  	[smem:$0x3FAA] =	sst s1  }
0xa: {  	[smem:$0x3FAB] =	sst s2  }
0xb: {  	[smem:$0x3FAC] =	sst s3  }
0xc: {  	[smem:$0x3FAD] =	sst s4  }
0xd: {  	[smem:$0x3FAE] =	sst s5  }
0xe: {  	[smem:$0x3FAF] =	sst s6  }
0xf: {  	[smem:$0x3FB0] =	sst s7  }
0x10: {  	[smem:$0x3FB1] =	sst s8  }
0x11: {  	[smem:$0x3FB2] =	sst s9;
	s0 =	simm.s32 @!p0 $0x0  }
0x12: {  	s1 =	sld [smem:$0x3F98];
	s0 =	simm.s32 @p0 $0x1  }
0x13: {  	[smem:$0x3FB3] =	sst s0;
	s0 =	simm.s32 @!p1 $0x0  }
0x14: {  	s2 =	sld [smem:$0x3F97];
	s0 =	simm.s32 @p1 $0x1  }
0x15: {  	[smem:$0x3FB4] =	sst s0;
	s0 =	simm.s32 @!p2 $0x0  }
0x16: {  	s3 =	sld [smem:$0x3FDB];
	s0 =	simm.s32 @p2 $0x1  }
0x17: {  	s4 =	simm.s32 $0x1BF5;
	[smem:$0x3FB6] =	sst s0  }
0x18: {  	s0 =	sld [smem:$0x3F99];
	_ =	swait.ge [sflag:s4], $0x0  }
0x19: {  	s7 =	sld [smem:$0x3F9A]  }
0x1a: {  	s8 =	sadd.s32 $0xFFFFE003, lr  }
0x1b: {  	s9 =	sadd.s32 $0xFFFFFEF7, lr;
	s5 =	simm.s32 $0xFFFFFFFF;
	p2 =	slt.u32 s8, $0xFFFFF086  }
0x1c: {  	p1 =	slt.u32 s9, $0xF7A;
	s5 =	simm.s32 @!p2 $0x0  }
0x1d: {  	s5 =	simm.s32 @p1 $0x1;
	p0 =	seq.s32 s7, s2  }
0x1e: {  	s7 =	smul.u32 @!p0 $0xF7A, s2;
	p2 =	seq.s32 @!p0 s5, $0x0  }
0x1f: {  	s9 =	smul.u32 $0xF7A, s1;
	s8 =	simm.s32 @!p0 $0x1BF5;
	p2 =	por !p2, p0  }
0x20: {  	[sflag:s8] =	ssyncset.s32 @!p0 $0xFFFFF086;
	s6 =	sadd.s32 @!p0 s3, s7;
	s7 =	simm.s32 @!p0 $0x108  }
0x21: {  	s3 =	sadd.s32 s3, s9;
	s6 =	sadd.s32 @!p0 $0x88, s6;
	s7 =	simm.s32 @p2 $0x1082  }
0x22: {  	[simem:s7], [sflag:s8] =	dma.local @!p0 [hbm:s6], $0xF7A  }
0x23: {  	s9 =	sor.u32 $0xD0000000, s2;
	s6 =	simm.s32 $0x108;
	_ =	swait.ge @!p0 [sflag:s8], $0x0  }
0x24: {  	s3 =	sadd.s32 $0x88, s3;
	s6 =	simm.s32 @!p1 $0x1082;
	[sflag:s4] =	ssyncset.s32 $0xFFFFF086  }
0x25: {  	[simem:s6], [sflag:s4] =	dma.local [hbm:s3], $0xF7A  }
0x26: {  	[smem:$0x3F9A] =	sst s1;
	(tag) =	ssettag s2;
	_ =	strace s9  }
0x27: {  	s1 =	sld [smem:$0x3FAA]  }
0x28: {  	s2 =	sld [smem:$0x3FAB]  }
0x29: {  	s4 =	sld [smem:$0x3FAD]  }
0x2a: {  	p0 =	seq.s32 s5, $0x0;
	s5 =	sld [smem:$0x3FAE]  }
0x2b: {  	s6 =	sld [smem:$0x3FAF]  }
0x2c: {  	s7 =	sld [smem:$0x3FB0]  }
0x2d: {  	s3 =	simm.s32 $0x108;
	s8 =	sld [smem:$0x3FB1]  }
0x2e: {  	s3 =	simm.s32 @!p0 $0x1082;
	s9 =	sld [smem:$0x3FB2]  }
0x2f: {  	lr =	sadd.s32 s0, s3;
	s0 =	sld [smem:$0x3FA9]  }
0x30: {  	s3 =	sld [smem:$0x3FAC]  }
0x31: {  	[smem:$0x3FB5] =	sst s10  }
0x32: {  	s10 =	sld [smem:$0x3FB3];
	_ =	sdelay $0x3  }
0x33: {  	p0 =	seq.s32 s10, $0x1;
	s10 =	sld [smem:$0x3FB5];
	_ =	sdelay $0x3  }
0x34: {  	[smem:$0x3FB5] =	sst s10  }
0x35: {  	s10 =	sld [smem:$0x3FB4];
	_ =	sdelay $0x3  }
0x36: {  	p1 =	seq.s32 s10, $0x1;
	s10 =	sld [smem:$0x3FB5];
	_ =	sdelay $0x3  }
0x37: {  	[smem:$0x3FB5] =	sst s10  }
0x38: {  	s10 =	sld [smem:$0x3FB6]  }
0x39: {  	_ = 	snop;
	(pc) =	sbr.ind lr, $3  }
0x3a: {  	_ = 	snop  }
0x3b: {  	_ = 	snop  }
0x3c: {  	p2 =	seq.s32 s10, $0x1;
	s10 =	sld [smem:$0x3FB5]  }
0x3d: {  	_ =	shalt  }
0x3e: {  	_ =	shalt  }
0x3f: {  	_ =	shalt  }
0x40: {  	_ =	shalt  }
0x41: {  	_ =	shalt  }
0x42: {  	_ =	shalt  }
0x43: {  	_ =	shalt  }
0x44: {  	_ =	shalt  }
0x45: {  	_ =	shalt  }
0x46: {  	_ =	shalt  }
0x47: {  	_ =	shalt  }
0x48: {  	_ =	shalt  }
0x49: {  	_ =	shalt  }
0x4a: {  	_ =	shalt  }
0x4b: {  	_ =	shalt  }
0x4c: {  	_ =	shalt  }
0x4d: {  	_ =	shalt  }
0x4e: {  	_ =	shalt  }
0x4f: {  	_ =	shalt  }
0x50: {  	_ =	shalt  }
0x51: {  	_ =	shalt  }
0x52: {  	_ =	shalt  }
0x53: {  	_ =	shalt  }
0x54: {  	_ =	shalt  }
0x55: {  	_ =	shalt  }
0x56: {  	_ =	shalt  }
0x57: {  	_ =	shalt  }
0x58: {  	_ =	shalt  }
0x59: {  	_ =	shalt  }
0x5a: {  	_ =	shalt  }
0x5b: {  	_ =	shalt  }
0x5c: {  	_ =	shalt  }
0x5d: {  	_ =	shalt  }
0x5e: {  	_ =	shalt  }
0x5f: {  	_ =	shalt  }
0x60: {  	_ =	shalt  }
0x61: {  	_ =	shalt  }
0x62: {  	_ =	shalt  }
0x63: {  	_ =	shalt  }
0x64: {  	_ =	shalt  }
0x65: {  	_ =	shalt  }
0x66: {  	_ =	shalt  }
0x67: {  	_ =	shalt  }
0x68: {  	_ =	shalt  }
0x69: {  	_ =	shalt  }
0x6a: {  	_ =	shalt  }
0x6b: {  	_ =	shalt  }
0x6c: {  	_ =	shalt  }
0x6d: {  	_ =	shalt  }
0x6e: {  	_ =	shalt  }
0x6f: {  	_ =	shalt  }
0x70: {  	_ =	shalt  }
0x71: {  	_ =	shalt  }
0x72: {  	_ =	shalt  }
0x73: {  	_ =	shalt  }
0x74: {  	_ =	shalt  }
0x75: {  	_ =	shalt  }
0x76: {  	_ =	shalt  }
0x77: {  	_ =	shalt  }
0x78: {  	_ =	shalt  }
0x79: {  	_ =	shalt  }
0x7a: {  	_ =	shalt  }
0x7b: {  	_ =	shalt  }
0x7c: {  	_ =	shalt  }
0x7d: {  	_ =	shalt  }
0x7e: {  	_ =	shalt  }
0x7f: {  	_ =	shalt  }
0x80: {  	_ =	shalt  }
0x81: {  	_ =	shalt  }
0x82: {  	_ =	shalt  }
0x83: {  	_ =	shalt  }
0x84: {  	_ =	shalt  }
0x85: {  	_ =	shalt  }
0x86: {  	_ =	shalt  }
0x87: {  	_ =	shalt  }
.Lfunc_end0:
.L_simem_size_0:
called_computation_lowered:
.L_overlay_start_0:
0x88: {  	s2 =	sld [smem:$0x3FD9]  }
0x89: {  	s3 =	sld [smem:$0x3FFE];
	_ =	sdelay $0x1  }
0x8a: {  	s1 =	srdreg.scid  }
0x8b: {  	s0 =	sand.u32 $0x1, s1  }
0x8c: {  	s17 =	sshll.u32 s0, $0xA;
	s2 =	sadd.s32 s3, s2  }
0x8d: {  	s2 =	sadd.s32 s2, s17  }
0x8e: {  	[smem:$0x3FC1] =	sst s2  }
0x8f: {  	_ = 	snop  }
0x90: {  	s2 =	sld [smem:$0x3FD0];
	(tm) =	ssettm $0x1  }
0x91: {  	s18 =	sld [smem:$0x3FFB];
	_ =	sdelay $0x3  }
0x92: {  	_ =	strace s18  }
0x93: {  	s3 =	sld [smem:$0x3FFC];
	_ =	sdelay $0x3  }
0x94: {  	_ =	strace s3  }
0x95: {  	s3 =	sld [smem:$0x3FFD];
	_ =	sdelay $0x3  }
0x96: {  	_ =	strace s3  }
0x97: {  	_ =	strace $0x8FFFFFFF  }
0x98: {  	s19 =	sld [smem:$0x3FDB];
	_ =	sdelay $0x1  }
0x99: {  	s4 =	simm.s32 $_scs_section_size  }
0x9a: {  	s5 =	simm.s32 $_size__tile_overlayer_lowered;
	s6 =	simm.s32 $_tile_overlayer_lowered  }
0x9b: {  	s22 =	simm.s32 $0x1BFF;
	s21 =	sshll.u32 s6, $0x1;
	s3 =	sadd.s32 s4, s19  }
0x9c: {  	s7 =	simm.s32 $0x0;
	s20 =	sshll.u32 s5, $0x1;
	s5 =	sadd.s32 s21, s3  }
0x9d: {  	[timem:s7], [sflag:s22] =	dma.local [hbm:s5], s20  }
0x9e: {  	_ =	swait.ge [sflag:s22], s20  }
0x9f: {  	s4 =	ssub.s32 $0x0, s20;
	[sflag:s22] =	ssyncset.done $0x0  }
0xa0: {  	[sflag:s22] =	ssyncadd.s32 s4;
	_ =	sdelay $0x1  }
0xa1: {  	s23 =	simm.s32 $0x1B8B  }
0xa2: {  	_ =	swait.ge [sflag:s23], $0x1  }
0xa3: {  	[sflag:s23] =	ssyncset.done $0x0  }
0xa4: {  	s25 =	simm.s32 $0x1B8E;
	s24 =	sld [smem:$0x3FFE];
	[sflag:s23] =	ssyncadd.s32 $0xFFFFFFFF  }
0xa5: {  	s26 =	simm.s32 $execute0_lowered;
	[smem:$0x3FD2] =	sst s25  }
0xa6: {  	s5 =	sshll.u32 s26, $0x1;
	_ =	strace $0x80000046;
	[dreg:$0x1] =	wrdreg $0xFFFFFFFF  }
0xa7: {  	s28 =	simm.s32 $_size_execute0_lowered;
	s3 =	sadd.s32 s3, s5;
	[dreg:$0x0] =	wrdreg $0x0  }
0xa8: {  	s5 =	sshll.u32 s28, $0x1;
	[dreg:$0x2] =	wrdreg s3  }
0xa9: {  	[dreg:$0x3] =	wrdreg s5  }
0xaa: {  	[dreg:$0x4] =	wrdreg $0xC0  }
0xab: {  	_ =	task [dreg:s7], $0x5FFFF  }
0xac: {  	[dreg:$0x1] =	wrdreg $0xFFFFFFFF  }
0xad: {  	[dreg:$0x0] =	wrdreg $0x60  }
0xae: {  	[dreg:$0x2] =	wrdreg s24  }
0xaf: {  	[dreg:$0x3] =	wrdreg s2  }
0xb0: {  	[dreg:$0x4] =	wrdreg $0x0  }
0xb1: {  	[dreg:$0x5] =	wrdreg $0x9C400  }
0xb2: {  	[dreg:$0x6] =	wrdreg $0x9  }
0xb3: {  	_ =	task.clear_ibuf [dreg:s7], $0x7FFFF;
	_ =	strace $0x90000046  }
0xb4: {  	s29 =	simm.s32 $0x9;
	_ =	strace $0x80000048  }
0xb5: {  	_ =	swait.ge [sflag:s29], $0x1  }
0xb6: {  	[sflag:s29] =	ssyncadd.s32 $0xFFFFFFFF  }
0xb7: {  	_ =	strace $0x90000048  }
0xb8: {  	_ =	sfence  }
0xb9: {  	s30 =	sld [smem:$0x0];
	_ =	sdelay $0x2  }
0xba: {  	s31 =	sshll.u32 s1, $0xD;
	s1 =	sshrl.u32 s1, $0x2  }
0xbb: {  	s3 =	sand.u32 $0x4000, s31;
	s1 =	sadd.s32 s1, s30  }
0xbc: {  	s0 =	sor.u32 s3, s0;
	s1 =	sshll.u32 s1, $0x11  }
0xbd: {  	s0 =	sor.u32 s1, s0  }
0xbe: {  	s0 =	sadd.s32 $0x8F2B, s0  }
0xbf: {  	[sflag:s0] =	ssyncadd.remote.s32 $0x1  }
0xc0: {  	_ =	sfence.sel $0xFFFF  }
0xc1: {  	[dreg:$0x0] =	wrdreg $0xFFFFFFFF;
	(pc) =	sbr.abs _section_cstart, $3  }
0xc2: {  	[dreg:$0x1] =	wrdreg $0xFFFFFFFF  }
0xc3: {  	_ =	task.clear_ibuf [dreg:s7], $0x2FFFF;
	_ =	strace $0x9FFFFFFF  }
0xc4: {  	(tm) =	ssettm $0x7FFFFFFF  }
0xc5: {  	_ =	shalt  }
tec
execute0_lowered:
.L_overlay_start_1:
0x0: {  	(tag) =	ssettag $0x1  }
0x1: {  	s7 =	rddreg [dreg:$0x0]  }
0x2: {  	s9 =	rddreg [dreg:$0x1]  }
0x3: {  	s1 =	rddreg [dreg:$0x2]  }
0x4: {  	s2 =	rddreg [dreg:$0x3]  }
0x5: {  	s3 =	simm.s32 $0x0;
	s0 =	srdreg.scid;
	s29 =	simm.s32 $0x100  }
0x6: {  	s30 =	simm.s32 $0x16EB8;
	[smem:$0x7FF] =	sst s3;
	s10 =	sand.u32 $0x1, s0  }
0x7: {  	s4 =	sadd.s32 $0x15600, s7;
	s5 =	sadd.s32 $0x1F400, s7;
	s6 =	smul.u32 $0x13880, s10  }
0x8: {  	s0 =	sadd.s32 $0x1C00, s7;
	s8 =	sadd.s32 $0x50400, s7;
	_ =	strace $0x80000047  }
0x9: {  	[dreg:$0x6] =	wrdreg s8;
	s12 =	sadd.s32 s6, s7;
	s6 =	stileid.u32  }
0xa: {  	s22 =	ssub.s32 $0x2, s10;
	p2 =	sne.s32 s10, $0x0;
	s15 =	smul.u32 $0x320, s6  }
0xb: {  	[dreg:$0x5] =	wrdreg s4;
	s11 =	sshrl.u32 s22, $0x1;
	s16 =	smul.u32 $0x6400, s6  }
0xc: {  	s13 =	ssub.s32 s22, s11;
	s8 =	sor.u32 $0x10, s6;
	s21 =	smul.u32 $0xC800, s6  }
0xd: {  	s11 =	sshll.u32 s10, $0x6;
	s23 =	sor.u32 $0x20, s6;
	s18 =	smul.u32 $0x6400, s8  }
0xe: {  	s14 =	sor.u32 s6, s10;
	s19 =	sor.u32 $0x30, s6;
	s20 =	smul.u32 $0x6400, s23  }
0xf: {  	p3 =	slt.u32 s6, $0x2;
	p1 =	sgt.u32 s6, $0x1;
	s25 =	smul.u32 $0x6400, s19  }
0x10: {  	p0 =	sne.s32 s14, $0x0;
	s14 =	smin.u32 s6, $0x2;
	s23 =	smul.u32 $0xC800, s23  }
0x11: {  	p5 =	sne.s32 @!p1 s10, $0x0;
	s10 =	simm.s32 $0x1;
	p4 =	sgt.u32 s19, $0x31  }
0x12: {  	s17 =	sadd.s32 s5, s15;
	s16 =	sor.u32 s11, s16;
	s15 =	sadd.s32 s4, s15  }
0x13: {  	s22 =	sshrl.u32 s21, $0x2;
	s21 =	sadd.s32 $0xB840, s7;
	[dreg:$0x7] =	wrdreg s17  }
0x14: {  	s10 =	simm.s32 @!p3 $0x0;
	[dreg:$0x8] =	wrdreg s15;
	s24 =	sshrl.u32 s16, $0x3  }
0x15: {  	s26 =	sor.u32 s11, s18;
	s28 =	sor.u32 s11, s20;
	s16 =	sor.u32 s11, s25  }
0x16: {  	s20 =	smul.u32 $0x4E, s6;
	[dreg:$0xe] =	wrdreg s21;
	s15 =	sadd.s32 s9, s24  }
0x17: {  	s18 =	sshrl.u32 s28, $0x3;
	s28 =	smax.u32 s13, $0x1;
	[dreg:$0x9] =	wrdreg s15  }
0x18: {  	s15 =	sshrl.u32 s26, $0x3;
	s26 =	sadd.s32 $0xB, s10;
	[dreg:$0x11] =	wrdreg s28  }
0x19: {  	s25 =	smul.u32 $0xC800, s8;
	s10 =	sadd.s32 $0xD, s10;
	[dreg:$0xf] =	wrdreg s26  }
0x1a: {  	s16 =	sshrl.u32 s16, $0x3;
	s28 =	sadd.s32 $0x1F40, s2;
	[dreg:$0x10] =	wrdreg s10  }
0x1b: {  	s24 =	smul.u32 $0xC800, s19;
	s15 =	sadd.s32 s9, s15;
	[dreg:$0x1f] =	wrdreg s28  }
0x1c: {  	s7 =	sshrl.u32 s25, $0x2;
	s26 =	sadd.s32 $0x1770, s2;
	[dreg:$0xa] =	wrdreg s15  }
0x1d: {  	s25 =	sshll.u32 s14, $0x5;
	s19 =	sadd.s32 s7, s1;
	[dreg:$0x1e] =	wrdreg s26  }
0x1e: {  	s15 =	sadd.s32 s9, s18;
	s9 =	sadd.s32 s9, s16;
	[dreg:$0x12] =	wrdreg s19  }
0x1f: {  	[dreg:$0xb] =	wrdreg s15;
	s15 =	sadd.s32 $0x29200, s12;
	s12 =	simm.s32 @!p4 $0x0  }
0x20: {  	[dreg:$0xc] =	wrdreg s9;
	s9 =	sadd.s32 s14, s20;
	s12 =	simm.s32 @p4 $0x1  }
0x21: {  	s14 =	smul.u32 $0x9C0, s6;
	s18 =	sshll.u32 s9, $0x5;
	[smem:$0x7FD] =	sst s12  }
0x22: {  	s31 =	simm.s32 $0xC;
	v0 =	vmov s11;
	s11 =	simm.s32 $0x0;
	[dreg:$0xd] =	wrdreg s18  }
0x23: {  	s9 =	sshrl.u32 s23, $0x2;
	s23 =	sadd.s32 $0x7D0, s2;
	[dreg:$0x16] =	wrdreg s14  }
0x24: {  	s16 =	sadd.s32 s22, s1;
	s17 =	sadd.s32 s0, s18;
	[dreg:$0x1c] =	wrdreg s23  }
0x25: {  	p4 =	por !p5, p1;
	s13 =	sadd.s32 $0x20, s18;
	[dreg:$0x17] =	wrdreg s17  }
0x26: {  	p5 =	por p5, p1;
	s18 =	sadd.s32 $0x9C0, s18;
	[dreg:$0x15] =	wrdreg s13  }
0x27: {  	s12 =	sshrl.u32 s24, $0x2;
	s24 =	sadd.s32 $0xFA0, s2;
	[dreg:$0x19] =	wrdreg s18  }
0x28: {  	s20 =	sadd.s32 s9, s1;
	s9 =	ssub.s32 $0x12, s6;
	[dreg:$0x1d] =	wrdreg s24  }
.Ltmp0:
0x29: {  	s7 =	sadd.s32 s0, s13;
	[dreg:$0x13] =	wrdreg s20;
	(pc) =	sbr.rel .LBB2_1-.Ltmp0, $4  }
0x2a: {  	s22 =	sadd.s32 s12, s1;
	s12 =	simm.s32 $0x15;
	[dreg:$0x18] =	wrdreg s7  }
0x2b: {  	s13 =	simm.s32 $0x16;
	s7 =	sadd.s32 s0, s18;
	[dreg:$0x14] =	wrdreg s22  }
0x2c: {  	s0 =	sadd.s32 s14, s0;
	s14 =	simm.s32 $0x9;
	[dreg:$0x1a] =	wrdreg s7  }
0x2d: {  	v1 =	vimm.f32 $0.0e+00;
	[dreg:$0x1b] =	wrdreg s0;
	s0 =	simm.s32 $0x1AEB8;
	s7 =	simm.s32 $0xB  }
.LBB2_22:
0x2e: {  	s17 =	rddreg [dreg:$0x1a]  }
0x2f: {  	s4 =	simm.s32 @!p1 $0x0;
	s12 =	simm.s32 @!p1 $0x168B8;
	s21 =	rddreg [dreg:$0xe]  }
0x30: {  	[tilespmem:s12], [sflag:$0x3] =	stream.linear.gather @!p1 [hbm4b:s17+s4], $0x100, $0x38;
	[tilespmem:$0x1F788] =	vst v63  }
0x31: {  	s12 =	rddreg [dreg:$0x19]  }
0x32: {  	s22 =	simm.s32 $0x2;
	s17 =	simm.s32 @!p1 $0x16CB8;
	s12 =	sadd.s32 @!p1 s12, s21  }
0x33: {  	[tilespmem:s17], [sflag:$0x7] =	stream.linear.gather @!p1 [hbm4b:s12+s4], $0x100, $0x38;
	[tilespmem:$0x1F788] =	vst v63  }
0x34: {  	_ =	swait.ge [sflag:s22], $0x100  }
0x35: {  	[sflag:s22] =	ssyncset.done $0x0  }
0x36: {  	s23 =	simm.s32 $0x6;
	[sflag:s22] =	ssyncadd.s32 $0xFFFFFF00  }
0x37: {  	_ =	swait.ge [sflag:s23], $0x100  }
0x38: {  	[sflag:s23] =	ssyncset.done $0x0  }
0x39: {  	[sflag:s23] =	ssyncadd.s32 $0xFFFFFF00  }
0x3a: {  	_ =	swait.ge [sflag:s31], $0x4000  }
0x3b: {  	[sflag:s31] =	ssyncset.done $0x0  }
0x3c: {  	s4 =	simm.s32 @p2 $0x167B8;
	[sflag:s31] =	ssyncadd.s32 $0xFFFFC000  }
0x3d: {  	[tilespmem:s20], [sflag:$0xA] =	stream.indirect.gather @p2 [hbm4b:s15+s10], $0x40, s4, s10, $0xb8;
	[tilespmem:$0x1F788] =	vst v63  }
0x3e: {  	s4 =	simm.s32 @p2 $0x9  }
0x3f: {  	_ =	swait.ge @p2 [sflag:s4], $0x4000  }
0x40: {  	[sflag:s4] =	ssyncset.done @p2 $0x0  }
0x41: {  	[sflag:s4] =	ssyncadd.s32 @p2 $0xFFFFC000;
	s4 =	simm.s32 @p2 $0x16AB8  }
0x42: {  	[spmem:s1] =	stream.indirect.scatter.add.f32 @p2 [tilespmem:s18], [sflag:$0xB], $0x40, s4, s10, $0xb8;
	[tilespmem:$0x1F788] =	vst v63  }
0x43: {  	s4 =	simm.s32 @!p2 $0xE  }
0x44: {  	_ =	swait.ge @!p2 [sflag:s4], $0x100  }
0x45: {  	[sflag:s4] =	ssyncset.done @!p2 $0x0  }
0x46: {  	[sflag:s4] =	ssyncadd.s32 @!p2 $0xFFFFFF00;
	s4 =	simm.s32 @!p2 $0x167B8  }
0x47: {  	[tilespmem:s26], [sflag:$0xA] =	stream.indirect.gather @!p2 [hbm4b:s15+s11], $0x40, s4, s11, $0xb8;
	[tilespmem:$0x1F788] =	vst v63  }
0x48: {  	s4 =	simm.s32 @!p2 $0x9  }
0x49: {  	_ =	swait.ge @!p2 [sflag:s4], $0x4000  }
0x4a: {  	[sflag:s4] =	ssyncset.done @!p2 $0x0  }
0x4b: {  	[sflag:s4] =	ssyncadd.s32 @!p2 $0xFFFFC000;
	s4 =	simm.s32 @!p2 $0x16AB8  }
0x4c: {  	[spmem:s1] =	stream.indirect.scatter.add.f32 @!p2 [tilespmem:s19], [sflag:$0xB], $0x40, s4, s11, $0xb8;
	[tilespmem:$0x1F788] =	vst v63  }
0x4d: {  	_ = 	snop  }
0x4e: {  	[spmem:s2] =	stream.indirect.scatter.add.f32 @!p2 [tilespmem:s24], [sflag:$0xD], $0x1, s4, s11, $0xb8;
	[tilespmem:$0x1F788] =	vst v63  }
0x4f: {  	s4 =	simm.s32 @!p1 $0x3  }
0x50: {  	_ =	swait.ge @!p1 [sflag:s4], $0x100  }
0x51: {  	[sflag:s4] =	ssyncset.done @!p1 $0x0  }
0x52: {  	[sflag:s4] =	ssyncadd.s32 @!p1 $0xFFFFFF00;
	s4 =	simm.s32 @!p1 $0x7  }
0x53: {  	_ =	swait.ge @!p1 [sflag:s4], $0x100  }
0x54: {  	[sflag:s4] =	ssyncset.done @!p1 $0x0  }
0x55: {  	[sflag:s4] =	ssyncadd.s32 @!p1 $0xFFFFFF00;
	s4 =	simm.s32 @!p1 $0xB  }
0x56: {  	_ =	swait.ge @!p1 [sflag:s4], $0x4000  }
0x57: {  	s12 =	simm.s32 @!p4 $0x16EB8;
	[sflag:s4] =	ssyncset.done @!p1 $0x0  }
0x58: {  	s10 =	simm.s32 @!p4 $0x168B8;
	[sflag:s4] =	ssyncadd.s32 @!p1 $0xFFFFC000;
	s4 =	simm.s32 @!p4 $0x100  }
0x59: {  	[tilespmem:s12], [sflag:$0x9] =	stream.indirect.gather @!p4 [hbm4b:s15+s4], $0x40, s10, s4, $0xb8;
	[tilespmem:$0x1F788] =	vst v63  }
0x5a: {  	s10 =	simm.s32 @!p4 $0xA  }
0x5b: {  	_ =	swait.ge @!p4 [sflag:s10], $0x4000  }
0x5c: {  	[sflag:s10] =	ssyncset.done @!p4 $0x0  }
0x5d: {  	s12 =	simm.s32 @!p4 $0x1AEB8;
	[sflag:s10] =	ssyncadd.s32 @!p4 $0xFFFFC000;
	s10 =	simm.s32 @!p4 $0x16BB8  }
0x5e: {  	[spmem:s1] =	stream.indirect.scatter.add.f32 @!p4 [tilespmem:s12], [sflag:$0xC], $0x40, s10, s4, $0xb8;
	[tilespmem:$0x1F788] =	vst v63  }
0x5f: {  	s4 =	simm.s32 @!p5 $0xD  }
0x60: {  	_ =	swait.ge @!p5 [sflag:s4], $0x100  }
0x61: {  	s10 =	simm.s32 @!p5 $0x168B8;
	[sflag:s4] =	ssyncset.done @!p5 $0x0  }
0x62: {  	s12 =	simm.s32 @!p5 $0x16EB8;
	[sflag:s4] =	ssyncadd.s32 @!p5 $0xFFFFFF00;
	s4 =	simm.s32 @!p5 $0x100  }
0x63: {  	[tilespmem:s12], [sflag:$0x9] =	stream.indirect.gather @!p5 [hbm4b:s15+s4], $0x40, s10, s4, $0xb8;
	[tilespmem:$0x1F788] =	vst v63  }
0x64: {  	s10 =	simm.s32 @!p5 $0xA  }
0x65: {  	_ =	swait.ge @!p5 [sflag:s10], $0x4000  }
0x66: {  	[sflag:s10] =	ssyncset.done @!p5 $0x0  }
0x67: {  	s12 =	simm.s32 @!p5 $0x1AEB8;
	[sflag:s10] =	ssyncadd.s32 @!p5 $0xFFFFC000;
	s10 =	simm.s32 @!p5 $0x16BB8  }
0x68: {  	[spmem:s1] =	stream.indirect.scatter.add.f32 @!p5 [tilespmem:s12], [sflag:$0xC], $0x40, s10, s4, $0xb8;
	[tilespmem:$0x1F788] =	vst v63  }
0x69: {  	s12 =	simm.s32 @!p4 $0x4E  }
0x6a: {  	s17 =	simm.s32 @!p5 $0x1EEB8;
	s12 =	simm.s32 @p4 $0x4E  }
0x6b: {  	[spmem:s2] =	stream.indirect.scatter.add.f32 @!p5 [tilespmem:s17], [sflag:$0xE], $0x1, s10, s4, $0xb8;
	[tilespmem:$0x1F788] =	vst v63  }
0x6c: {  	s12 =	simm.s32 @p1 $0x4D  }
0x6d: {  	s4 =	sand.u32 $0x1, s12  }
0x6e: {  	s26 =	sadd.s32 $0x9, s4  }
0x6f: {  	s12 =	sshll.u32 s12, $0x8;
	s28 =	sshll.u32 s4, $0xE;
	_ =	swait.ge [sflag:s26], $0x4000  }
0x70: {  	s12 =	sand.u32 $0x300, s12;
	s17 =	sadd.s32 $0xB, s4;
	[sflag:s26] =	ssyncset.done $0x0  }
0x71: {  	s10 =	sadd.s32 $0x16EB8, s28;
	s12 =	sadd.s32 $0x16AB8, s12;
	[sflag:s26] =	ssyncadd.s32 $0xFFFFC000  }
0x72: {  	[spmem:s1] =	stream.indirect.scatter.add.f32 [tilespmem:s10], [sflag:s17], $0x40, s12, s29, $0xb8;
	[tilespmem:$0x1F788] =	vst v63  }
0x73: {  	s10 =	rddreg [dreg:$0xf]  }
0x74: {  	_ =	swait.ge @p2 [sflag:s10], $0x4000  }
0x75: {  	[sflag:s10] =	ssyncset.done @p2 $0x0  }
0x76: {  	[sflag:s10] =	ssyncadd.s32 @p2 $0xFFFFC000  }
0x77: {  	_ =	swait.ge @p2 [sflag:s17], $0x4000  }
0x78: {  	[sflag:s17] =	ssyncset.done @p2 $0x0  }
0x79: {  	s4 =	sadd.s32 @!p2 $0xD, s4;
	[sflag:s17] =	ssyncadd.s32 @p2 $0xFFFFC000  }
0x7a: {  	[spmem:s2] =	stream.indirect.scatter.add.f32 @!p2 [tilespmem:s24], [sflag:s4], $0x1, s12, s11, $0xb8;
	[tilespmem:$0x1F788] =	vst v63  }
0x7b: {  	_ =	swait.ge @!p2 [sflag:s10], $0x4000  }
0x7c: {  	[sflag:s10] =	ssyncset.done @!p2 $0x0  }
0x7d: {  	[sflag:s10] =	ssyncadd.s32 @!p2 $0xFFFFC000;
	s10 =	rddreg [dreg:$0x10]  }
0x7e: {  	_ =	swait.ge @!p2 [sflag:s10], $0x100  }
0x7f: {  	[sflag:s10] =	ssyncset.done @!p2 $0x0  }
0x80: {  	[sflag:s10] =	ssyncadd.s32 @!p2 $0xFFFFFF00  }
0x81: {  	_ =	swait.ge @!p2 [sflag:s17], $0x4000  }
0x82: {  	[sflag:s17] =	ssyncset.done @!p2 $0x0  }
0x83: {  	[sflag:s17] =	ssyncadd.s32 @!p2 $0xFFFFC000  }
0x84: {  	_ =	swait.ge @!p2 [sflag:s4], $0x100  }
0x85: {  	[sflag:s4] =	ssyncset.done @!p2 $0x0  }
0x86: {  	s22 =	simm.s32 $0x8;
	s18 =	simm.s32 $0x10;
	[sflag:s4] =	ssyncadd.s32 @!p2 $0xFFFFFF00  }
0x87: {  	s11 =	sshrl.u32 s16, $0x3;
	s10 =	sshll.u32 s6, $0x6;
	[bflag:$0x0] =	sbarrier.arrive $0xFFFF  }
0x88: {  	s17 =	simm.s32 $0x1;
	s4 =	sor.u32 $0x1C15, s10;
	s12 =	rddreg [dreg:$0x9]  }
0x89: {  	[hbm:s12@s18], [sflag:s4] =	dma.strided [spmem:s11@s22], $0x640, s17, $0x8   }
0x8a: {  	s19 =	rddreg [dreg:$0x12]  }
0x8b: {  	s11 =	rddreg [dreg:$0xa];
	s23 =	sshrl.u32 s19, $0x3  }
0x8c: {  	[hbm:s11@s18], [sflag:s4] =	dma.strided [spmem:s23@s22], $0x640, s17, $0x8   }
0x8d: {  	s20 =	rddreg [dreg:$0x13]  }
0x8e: {  	s11 =	rddreg [dreg:$0xb];
	s24 =	sshrl.u32 s20, $0x3  }
0x8f: {  	[hbm:s11@s18], [sflag:s4] =	dma.strided [spmem:s24@s22], $0x640, s17, $0x8   }
0x90: {  	s10 =	sld [smem:$0x7FD];
	_ =	sdelay $0x2  }
0x91: {  	s22 =	rddreg [dreg:$0x14];
	p3 =	seq.s32 s10, $0x1  }
0x92: {  	s18 =	rddreg [dreg:$0xc];
	s10 =	sshrl.u32 @!p3 s22, $0x3  }
0x93: {  	s11 =	simm.s32 @!p3 $0x1;
	s12 =	simm.s32 @!p3 $0x10;
	s17 =	simm.s32 @!p3 $0x8  }
0x94: {  	[hbm:s18@s12], [sflag:s4] =	dma.strided @!p3 [spmem:s10@s17], $0x640, s11, $0x8   }
0x95: {  	s4 =	sshll.u32 @!p0 s6, $0x6  }
0x96: {  	s10 =	sshrl.u32 @!p0 s2, $0x3;
	s4 =	sor.u32 @!p0 $0x1C16, s4;
	s11 =	rddreg [dreg:$0x6]  }
0x97: {  	[hbm:s11], [sflag:s4] =	dma.local @!p0 [spmem:s10], $0x4E2  }
0x98: {  	s4 =	simm.s32 @!p0 $0x16  }
0x99: {  	_ =	swait.ge @!p0 [sflag:s4], $0x4E2  }
0x9a: {  	[sflag:s4] =	ssyncset.done @!p0 $0x0  }
0x9b: {  	s12 =	simm.s32 $0x15;
	[sflag:s4] =	ssyncadd.s32 @!p0 $0xFFFFFB1E  }
0x9c: {  	_ =	swait.ge [sflag:s12], $0x640  }
0x9d: {  	[sflag:s12] =	ssyncset.done $0x0  }
0x9e: {  	[sflag:s12] =	ssyncadd.s32 $0xFFFFF9C0  }
0x9f: {  	_ =	swait.ge [sflag:s12], $0x640  }
0xa0: {  	[sflag:s12] =	ssyncset.done $0x0  }
0xa1: {  	[sflag:s12] =	ssyncadd.s32 $0xFFFFF9C0  }
0xa2: {  	_ =	swait.ge [sflag:s12], $0x640  }
0xa3: {  	[sflag:s12] =	ssyncset.done $0x0  }
0xa4: {  	s4 =	simm.s32 @!p1 $0x15;
	[sflag:s12] =	ssyncadd.s32 $0xFFFFF9C0  }
0xa5: {  	_ =	swait.ge @!p1 [sflag:s4], $0x640  }
0xa6: {  	s26 =	sld [smem:$0x7FC];
	_ =	sdelay $0x2  }
0xa7: {  	s28 =	rddreg [dreg:$0x11];
	s11 =	sadd.s32 $0x1, s26  }
0xa8: {  	p3 =	sne.s32 s11, s28  }
.Ltmp1:
0xa9: {  	_ = 	snop;
	(pc) =	sbr.rel @!p3 .LBB2_23-.Ltmp1, $3  }
0xaa: {  	_ =	sdelay $0x1  }
0xab: {  	[sflag:s4] =	ssyncset.done @!p1 $0x0  }
0xac: {  	[sflag:s4] =	ssyncadd.s32 @!p1 $0xFFFFF9C0;
	s4 =	rddreg [dreg:$0x5]  }
.LBB2_1:
0xad: {  	s10 =	simm.s32 $0x9F38  }
0xae: {  	[tilespmem:s10+$0xFFFFFF80] =	vst v1  }
0xaf: {  	[tilespmem:s10+$0x70] =	vst v1  }
0xb0: {  	[tilespmem:s10+$0x60] =	vst v1  }
0xb1: {  	[tilespmem:s10+$0x50] =	vst v1  }
0xb2: {  	[tilespmem:s10+$0x40] =	vst v1  }
0xb3: {  	[tilespmem:s10+$0x30] =	vst v1  }
0xb4: {  	[tilespmem:s10+$0x20] =	vst v1  }
0xb5: {  	[tilespmem:s10+$0x10] =	vst v1  }
0xb6: {  	[tilespmem:s10+$0x0] =	vst v1  }
0xb7: {  	[tilespmem:s10+$0xFFFFFFF0] =	vst v1  }
0xb8: {  	[tilespmem:s10+$0xFFFFFFE0] =	vst v1  }
0xb9: {  	[tilespmem:s10+$0xFFFFFFD0] =	vst v1  }
0xba: {  	[tilespmem:s10+$0xFFFFFFC0] =	vst v1  }
0xbb: {  	[tilespmem:s10+$0xFFFFFFB0] =	vst v1  }
0xbc: {  	[smem:$0x7FC] =	sst s11;
	s17 =	simm.s32 $0x0;
	[tilespmem:s10+$0xFFFFFFA0] =	vst v1  }
.LBB2_2:
0xbd: {  	s17 =	sadd.s32 $0x4, s17;
	[tilespmem:s10+$0xFFFFFF90] =	vst v1;
	s10 =	sadd.s32 $0x100, s10;
	s11 =	simm.s32 $0xD1A8  }
0xbe: {  	[tilespmem:s10+$0xFFFFFF80] =	vst v1;
	p6 =	slt.u32 s17, $0xC4  }
0xbf: {  	[tilespmem:s10+$0x70] =	vst v1  }
0xc0: {  	[tilespmem:s10+$0x60] =	vst v1  }
0xc1: {  	[tilespmem:s10+$0x50] =	vst v1  }
0xc2: {  	[tilespmem:s10+$0x40] =	vst v1  }
0xc3: {  	[tilespmem:s10+$0x30] =	vst v1  }
0xc4: {  	[tilespmem:s10+$0x20] =	vst v1  }
0xc5: {  	[tilespmem:s10+$0x10] =	vst v1  }
0xc6: {  	[tilespmem:s10+$0x0] =	vst v1  }
0xc7: {  	[tilespmem:s10+$0xFFFFFFF0] =	vst v1  }
.Ltmp2:
0xc8: {  	[tilespmem:s10+$0xFFFFFFE0] =	vst v1;
	(pc) =	sbr.rel @p6 .LBB2_2-.Ltmp2, $4  }
0xc9: {  	[tilespmem:s10+$0xFFFFFFD0] =	vst v1  }
0xca: {  	[tilespmem:s10+$0xFFFFFFC0] =	vst v1  }
0xcb: {  	[tilespmem:s10+$0xFFFFFFB0] =	vst v1  }
0xcc: {  	[tilespmem:s10+$0xFFFFFFA0] =	vst v1  }
0xcd: {  	[tilespmem:s10+$0xFFFFFF90] =	vst v1  }
0xce: {  	[tilespmem:s11+$0xFFFFFF10] =	vst v1  }
0xcf: {  	[tilespmem:s11+$0x0] =	vst v1  }
0xd0: {  	[tilespmem:s11+$0xFFFFFFF0] =	vst v1  }
0xd1: {  	[tilespmem:s11+$0xFFFFFFE0] =	vst v1  }
0xd2: {  	[tilespmem:s11+$0xFFFFFFD0] =	vst v1  }
0xd3: {  	[tilespmem:s11+$0xFFFFFFC0] =	vst v1  }
0xd4: {  	[tilespmem:s11+$0xFFFFFFB0] =	vst v1  }
0xd5: {  	[tilespmem:s11+$0xFFFFFFA0] =	vst v1  }
0xd6: {  	[tilespmem:s11+$0xFFFFFF90] =	vst v1  }
0xd7: {  	[tilespmem:s11+$0xFFFFFF80] =	vst v1  }
0xd8: {  	[tilespmem:s11+$0xFFFFFF70] =	vst v1  }
0xd9: {  	[tilespmem:s11+$0xFFFFFF60] =	vst v1  }
0xda: {  	[tilespmem:s11+$0xFFFFFF50] =	vst v1  }
0xdb: {  	[tilespmem:s11+$0xFFFFFF40] =	vst v1  }
0xdc: {  	s10 =	simm.s32 $0x0;
	[tilespmem:s11+$0xFFFFFF30] =	vst v1  }
.LBB2_4:
0xdd: {  	s10 =	sadd.s32 $0x4, s10;
	[tilespmem:s11+$0xFFFFFF20] =	vst v1;
	s11 =	sadd.s32 $0x100, s11  }
0xde: {  	[tilespmem:s11+$0xFFFFFF10] =	vst v1;
	p6 =	slt.u32 s10, $0xC4  }
0xdf: {  	[tilespmem:s11+$0x0] =	vst v1  }
0xe0: {  	[tilespmem:s11+$0xFFFFFFF0] =	vst v1  }
0xe1: {  	[tilespmem:s11+$0xFFFFFFE0] =	vst v1  }
0xe2: {  	[tilespmem:s11+$0xFFFFFFD0] =	vst v1  }
0xe3: {  	[tilespmem:s11+$0xFFFFFFC0] =	vst v1  }
0xe4: {  	[tilespmem:s11+$0xFFFFFFB0] =	vst v1  }
0xe5: {  	[tilespmem:s11+$0xFFFFFFA0] =	vst v1  }
0xe6: {  	[tilespmem:s11+$0xFFFFFF90] =	vst v1  }
0xe7: {  	[tilespmem:s11+$0xFFFFFF80] =	vst v1  }
.Ltmp3:
0xe8: {  	[tilespmem:s11+$0xFFFFFF70] =	vst v1;
	(pc) =	sbr.rel @p6 .LBB2_4-.Ltmp3, $4  }
0xe9: {  	[tilespmem:s11+$0xFFFFFF60] =	vst v1  }
0xea: {  	[tilespmem:s11+$0xFFFFFF50] =	vst v1  }
0xeb: {  	[tilespmem:s11+$0xFFFFFF40] =	vst v1  }
0xec: {  	[tilespmem:s11+$0xFFFFFF30] =	vst v1  }
0xed: {  	[tilespmem:s11+$0xFFFFFF20] =	vst v1;
	s10 =	simm.s32 $0x9EB8;
	s28 =	sld [smem:$0x7FD]  }
0xee: {  	[spmem:s16] =	stream.linear.scatter [tilespmem:s10], [sflag:$0x15], $0x3200, $0x38;
	[tilespmem:$0x1F788] =	vst v63  }
0xef: {  	_ = 	snop  }
0xf0: {  	[spmem:s19] =	stream.linear.scatter [tilespmem:s10], [sflag:$0x15], $0x3200, $0x38;
	[tilespmem:$0x1F788] =	vst v63  }
0xf1: {  	p3 =	seq.s32 s28, $0x1  }
0xf2: {  	[spmem:s20] =	stream.linear.scatter [tilespmem:s10], [sflag:$0x15], $0x3200, $0x38;
	[tilespmem:$0x1F788] =	vst v63  }
0xf3: {  	s10 =	simm.s32 @!p3 $0x9EB8  }
0xf4: {  	[spmem:s22] =	stream.linear.scatter @!p3 [tilespmem:s10], [sflag:$0x15], $0x3200, $0x38;
	[tilespmem:$0x1F788] =	vst v63  }
0xf5: {  	_ =	swait.ge [sflag:s12], $0x3200  }
0xf6: {  	[sflag:s12] =	ssyncset.done $0x0  }
0xf7: {  	[sflag:s12] =	ssyncadd.s32 $0xFFFFCE00  }
0xf8: {  	_ =	swait.ge [sflag:s12], $0x3200  }
0xf9: {  	[sflag:s12] =	ssyncset.done $0x0  }
0xfa: {  	[sflag:s12] =	ssyncadd.s32 $0xFFFFCE00  }
0xfb: {  	_ =	swait.ge [sflag:s12], $0x3200  }
.Ltmp4:
0xfc: {  	[sflag:s12] =	ssyncset.done $0x0;
	(pc) =	sbr.rel @p0 .LBB2_9-.Ltmp4, $4  }
0xfd: {  	s10 =	simm.s32 @!p1 $0x15;
	[sflag:s12] =	ssyncadd.s32 $0xFFFFCE00  }
0xfe: {  	_ =	swait.ge @!p1 [sflag:s10], $0x3200  }
0xff: {  	[sflag:s10] =	ssyncset.done @!p1 $0x0  }
0x100: {  	[sflag:s10] =	ssyncadd.s32 @!p1 $0xFFFFCE00  }
0x101: {  	s10 =	simm.s32 $0x40;
	s11 =	simm.s32 $0x0  }
.LBB2_7:
0x102: {  	p3 =	sne.s32 s10, $0x1F00;
	[tilespmem:s11+$0x1EFB8] =	vst v1;
	s11 =	smov.u32 s10;
	s10 =	sadd.s32 $0x40, s10  }
.Ltmp5:
0x103: {  	(pc) =	sbr.rel @p3 .LBB2_7-.Ltmp5, $2  }
0x104: {  	_ =	sdelay $0x2  }
0x105: {  	s11 =	sshra.s32 s11, $0x2  }
0x106: {  	[tilespmem:s11+$0x1EFB8] =	vst v1;
	s23 =	simm.s32 $0x1EFB8  }
0x107: {  	[spmem:s2] =	stream.linear.scatter [tilespmem:s23], [sflag:$0x15], $0x7D0, $0x38;
	[tilespmem:$0x1F788] =	vst v63  }
0x108: {  	s10 =	rddreg [dreg:$0x1c]  }
0x109: {  	[spmem:s10] =	stream.linear.scatter [tilespmem:s23], [sflag:$0x15], $0x7D0, $0x38;
	[tilespmem:$0x1F788] =	vst v63  }
0x10a: {  	s24 =	rddreg [dreg:$0x1d]  }
0x10b: {  	[spmem:s24] =	stream.linear.scatter [tilespmem:s23], [sflag:$0x15], $0x7D0, $0x38;
	[tilespmem:$0x1F788] =	vst v63  }
0x10c: {  	s26 =	rddreg [dreg:$0x1e]  }
0x10d: {  	[spmem:s26] =	stream.linear.scatter [tilespmem:s23], [sflag:$0x15], $0x7D0, $0x38;
	[tilespmem:$0x1F788] =	vst v63  }
0x10e: {  	s28 =	rddreg [dreg:$0x1f]  }
0x10f: {  	[spmem:s28] =	stream.linear.scatter [tilespmem:s23], [sflag:$0x15], $0x7D0, $0x38;
	[tilespmem:$0x1F788] =	vst v63  }
0x110: {  	_ =	swait.ge [sflag:s12], $0x7D0  }
0x111: {  	[sflag:s12] =	ssyncset.done $0x0  }
0x112: {  	[sflag:s12] =	ssyncadd.s32 $0xFFFFF830  }
0x113: {  	_ =	swait.ge [sflag:s12], $0x7D0  }
0x114: {  	[sflag:s12] =	ssyncset.done $0x0  }
0x115: {  	[sflag:s12] =	ssyncadd.s32 $0xFFFFF830  }
0x116: {  	_ =	swait.ge [sflag:s12], $0x7D0  }
0x117: {  	[sflag:s12] =	ssyncset.done $0x0  }
0x118: {  	[sflag:s12] =	ssyncadd.s32 $0xFFFFF830  }
0x119: {  	_ =	swait.ge [sflag:s12], $0x7D0  }
0x11a: {  	[sflag:s12] =	ssyncset.done $0x0  }
0x11b: {  	[sflag:s12] =	ssyncadd.s32 $0xFFFFF830  }
0x11c: {  	_ =	swait.ge [sflag:s12], $0x7D0  }
0x11d: {  	[sflag:s12] =	ssyncset.done $0x0  }
0x11e: {  	[sflag:s12] =	ssyncadd.s32 $0xFFFFF830  }
.LBB2_9:
0x11f: {  	v2 =	vimm.f32 @!p2 $1.000000000e+00  }
0x120: {  	[tilespmem:$0x1EEB8] =	vst @!p2 v2  }
0x121: {  	[tilespmem:$0x1EEC8] =	vst @!p2 v2  }
0x122: {  	[tilespmem:$0x1EED8] =	vst @!p2 v2  }
0x123: {  	[tilespmem:$0x1EEE8] =	vst @!p2 v2  }
0x124: {  	[tilespmem:$0x1EEF8] =	vst @!p2 v2  }
0x125: {  	[tilespmem:$0x1EF08] =	vst @!p2 v2  }
0x126: {  	[tilespmem:$0x1EF18] =	vst @!p2 v2  }
0x127: {  	[tilespmem:$0x1EF28] =	vst @!p2 v2  }
0x128: {  	[tilespmem:$0x1EF38] =	vst @!p2 v2  }
0x129: {  	[tilespmem:$0x1EF48] =	vst @!p2 v2  }
0x12a: {  	[tilespmem:$0x1EF58] =	vst @!p2 v2  }
0x12b: {  	[tilespmem:$0x1EF68] =	vst @!p2 v2  }
0x12c: {  	[tilespmem:$0x1EF78] =	vst @!p2 v2  }
0x12d: {  	[tilespmem:$0x1EF88] =	vst @!p2 v2  }
.Ltmp6:
0x12e: {  	[tilespmem:$0x1EF98] =	vst @!p2 v2;
	(pc) =	sbr.rel .LBB2_10-.Ltmp6, $4  }
0x12f: {  	s28 =	simm.s32 $0x0;
	s10 =	rddreg [dreg:$0x7];
	s11 =	simm.s32 $0x102B8;
	[tilespmem:$0x1EFA8] =	vst @!p2 v2  }
0x130: {  	[tilespmem:s11], [sflag:$0xF] =	stream.linear.gather [hbm4b:s10+s28], $0x1900, $0x38;
	[tilespmem:$0x1F788] =	vst v63  }
0x131: {  	s24 =	rddreg [dreg:$0x8];
	s26 =	simm.s32 $0x134B8;
	p6 =	por $0x0, $0x0  }
0x132: {  	[tilespmem:s26], [sflag:$0x11] =	stream.linear.gather [hbm4b:s24+s28], $0x1900, $0x38;
	[tilespmem:$0x1F788] =	vst v63  }
.LBB2_14:
0x133: {  	s28 =	sadd.s32 $0x1, s28  }
0x134: {  	p3 =	sne.s32 s28, $0x4  }
.Ltmp7:
0x135: {  	_ = 	snop;
	(pc) =	sbr.rel @!p3 .LBB2_15-.Ltmp7, $2  }
0x136: {  	_ =	sdelay $0x2  }
0x137: {  	p6 =	por !p6, !p6  }
.LBB2_10:
0x138: {  	s17 =	sshll.u32 s28, $0x4  }
0x139: {  	s22 =	sor.u32 s6, s17  }
0x13a: {  	p3 =	sgt.u32 s22, $0x31  }
.Ltmp8:
0x13b: {  	_ = 	snop;
	(pc) =	sbr.rel @p3 .LBB2_14-.Ltmp8, $1  }
0x13c: {  	_ =	sdelay $0x3  }
0x13d: {  	s11 =	sand.u32 $0x1, s28  }
0x13e: {  	s18 =	sadd.s32 s8, s17;
	s20 =	simm.s32 $0x1;
	s10 =	sadd.s32 $0xF, s11  }
0x13f: {  	p3 =	sgt.u32 s18, $0x31;
	s12 =	sadd.s32 $0x11, s11;
	_ =	swait.ge [sflag:s10], $0x1900  }
0x140: {  	s20 =	simm.s32 @!p6 $0x0;
	s18 =	smul.u32 @!p3 $0x320, s18;
	[sflag:s10] =	ssyncset.done $0x0  }
0x141: {  	s19 =	sxor.u32 @!p3 $0x1, s11;
	s20 =	smul.u32 $0x6400, s20;
	[sflag:s10] =	ssyncadd.s32 $0xFFFFE700  }
0x142: {  	s23 =	smul.u32 @!p3 $0x1900, s19;
	_ =	swait.ge [sflag:s12], $0x1900  }
0x143: {  	s24 =	sadd.s32 @!p3 $0xF, s19;
	s26 =	sadd.s32 @!p3 s5, s18;
	[sflag:s12] =	ssyncset.done $0x0  }
0x144: {  	s10 =	sadd.s32 @!p3 $0x102B8, s23;
	[sflag:s12] =	ssyncadd.s32 $0xFFFFE700;
	s12 =	simm.s32 @!p3 $0x0  }
0x145: {  	[tilespmem:s10], [sflag:s24] =	stream.linear.gather @!p3 [hbm4b:s26+s12], $0x1900, $0x38;
	[tilespmem:$0x1F788] =	vst v63  }
0x146: {  	s19 =	sadd.s32 @!p3 $0x11, s19;
	s18 =	sadd.s32 @!p3 s4, s18;
	s10 =	sadd.s32 @!p3 $0x134B8, s23  }
0x147: {  	[tilespmem:s10], [sflag:s19] =	stream.linear.gather @!p3 [hbm4b:s18+s12], $0x1900, $0x38;
	[tilespmem:$0x1F788] =	vst v63  }
0x148: {  	p3 =	slt.u32 s28, $0x2  }
0x149: {  	s20 =	sshrl.u32 s20, $0x2;
	s23 =	smul.u32 $0xC800, s11;
	s12 =	sadd.s32 @!p3 $0x13, s11  }
0x14a: {  	s24 =	sadd.s32 $0x102F8, s20;
	_ =	swait.ge @!p3 [sflag:s12], $0x3200  }
0x14b: {  	s20 =	sadd.s32 $0x134F8, s20;
	s26 =	sshrl.u32 s23, $0x2;
	[sflag:s12] =	ssyncset.done @!p3 $0x0  }
0x14c: {  	s10 =	simm.s32 $0x0;
	s23 =	sadd.s32 $0x9EB8, s26;
	[sflag:s12] =	ssyncadd.s32 @!p3 $0xFFFFCE00  }
.LBB2_12:
0x14d: {  	v2 =	vld [tilespmem:s24+$0xFFFFFFC0];
	_ =	sdelay $0x4  }
0x14e: {  	v3 =	vsub.s32 v2, v0  }
0x14f: {  	s12 =	sshll.u32 s10, $0x6;
	v4 =	vand.u32 $0xFFFFFFF8, v3  }
0x150: {  	v2 =	vand.u32 $0x7, v2;
	vm0 =	vlt.u32 v3, $0x40;
	v3 =	vadd.s32 s12, v4  }
0x151: {  	v49 =	vld [tilespmem:s20+$0xFFFFFFC0];
	v2 =	vor.u32 v2, v3;
	_ =	sdelay $0x4  }
0x152: {  	[tilespmem:v2+s23+$0x0] =	vst.idx.msk vm0, v49  }
0x153: {  	v2 =	vld [tilespmem:s24+$0xFFFFFFD0];
	_ =	sdelay $0x4  }
0x154: {  	v3 =	vsub.s32 v2, v0  }
0x155: {  	v50 =	vand.u32 $0xFFFFFFF8, v3  }
0x156: {  	v2 =	vand.u32 $0x7, v2;
	vm9 =	vlt.u32 v3, $0x40;
	v3 =	vadd.s32 s12, v50  }
0x157: {  	v51 =	vld [tilespmem:s20+$0xFFFFFFD0];
	v2 =	vor.u32 v2, v3;
	_ =	sdelay $0x4  }
0x158: {  	[tilespmem:v2+s23+$0x0] =	vst.idx.msk vm9, v51  }
0x159: {  	v2 =	vld [tilespmem:s24+$0xFFFFFFE0];
	_ =	sdelay $0x4  }
0x15a: {  	v3 =	vsub.s32 v2, v0  }
0x15b: {  	s18 =	sadd.s32 $0x40, s12;
	v52 =	vand.u32 $0xFFFFFFF8, v3  }
0x15c: {  	v2 =	vand.u32 $0x7, v2;
	vm10 =	vlt.u32 v3, $0x40;
	v3 =	vadd.s32 s18, v52  }
0x15d: {  	v53 =	vld [tilespmem:s20+$0xFFFFFFE0];
	v2 =	vor.u32 v2, v3;
	_ =	sdelay $0x4  }
0x15e: {  	[tilespmem:v2+s23+$0x0] =	vst.idx.msk vm10, v53  }
0x15f: {  	v2 =	vld [tilespmem:s24+$0xFFFFFFF0];
	_ =	sdelay $0x4  }
0x160: {  	v3 =	vsub.s32 v2, v0  }
0x161: {  	v54 =	vand.u32 $0xFFFFFFF8, v3  }
0x162: {  	v2 =	vand.u32 $0x7, v2;
	vm11 =	vlt.u32 v3, $0x40;
	v3 =	vadd.s32 s18, v54  }
0x163: {  	v55 =	vld [tilespmem:s20+$0xFFFFFFF0];
	v2 =	vor.u32 v2, v3;
	_ =	sdelay $0x4  }
0x164: {  	[tilespmem:v2+s23+$0x0] =	vst.idx.msk vm11, v55  }
0x165: {  	v2 =	vld [tilespmem:s24+$0x0];
	_ =	sdelay $0x4  }
0x166: {  	v3 =	vsub.s32 v2, v0  }
0x167: {  	s26 =	sadd.s32 $0x80, s12;
	v56 =	vand.u32 $0xFFFFFFF8, v3  }
0x168: {  	v2 =	vand.u32 $0x7, v2;
	vm12 =	vlt.u32 v3, $0x40;
	v3 =	vadd.s32 s26, v56  }
0x169: {  	v57 =	vld [tilespmem:s20+$0x0];
	v2 =	vor.u32 v2, v3;
	_ =	sdelay $0x4  }
0x16a: {  	[tilespmem:v2+s23+$0x0] =	vst.idx.msk vm12, v57  }
0x16b: {  	v2 =	vld [tilespmem:s24+$0x10];
	_ =	sdelay $0x4  }
0x16c: {  	v3 =	vsub.s32 v2, v0  }
0x16d: {  	v58 =	vand.u32 $0xFFFFFFF8, v3  }
0x16e: {  	v2 =	vand.u32 $0x7, v2;
	vm13 =	vlt.u32 v3, $0x40;
	v3 =	vadd.s32 s26, v58  }
0x16f: {  	v59 =	vld [tilespmem:s20+$0x10];
	v2 =	vor.u32 v2, v3;
	_ =	sdelay $0x4  }
0x170: {  	[tilespmem:v2+s23+$0x0] =	vst.idx.msk vm13, v59  }
0x171: {  	v2 =	vld [tilespmem:s24+$0x20];
	_ =	sdelay $0x4  }
0x172: {  	v3 =	vsub.s32 v2, v0  }
0x173: {  	s12 =	sadd.s32 $0xC0, s12;
	v60 =	vand.u32 $0xFFFFFFF8, v3  }
0x174: {  	v2 =	vand.u32 $0x7, v2;
	vm14 =	vlt.u32 v3, $0x40;
	v3 =	vadd.s32 s12, v60  }
0x175: {  	v61 =	vld [tilespmem:s20+$0x20];
	v2 =	vor.u32 v2, v3;
	_ =	sdelay $0x4  }
0x176: {  	[tilespmem:v2+s23+$0x0] =	vst.idx.msk vm14, v61  }
0x177: {  	v2 =	vld [tilespmem:s24+$0x30];
	_ =	sdelay $0x4  }
0x178: {  	v3 =	vsub.s32 v2, v0  }
0x179: {  	v62 =	vand.u32 $0xFFFFFFF8, v3  }
0x17a: {  	v2 =	vand.u32 $0x7, v2;
	vm15 =	vlt.u32 v3, $0x40;
	v3 =	vadd.s32 s12, v62  }
0x17b: {  	p3 =	slt.u32 s10, $0xC4;
	v63 =	vld [tilespmem:s20+$0x30];
	v2 =	vor.u32 v2, v3  }
.Ltmp9:
0x17c: {  	_ = 	snop;
	(pc) =	sbr.rel @p3 .LBB2_12-.Ltmp9, $2  }
0x17d: {  	_ =	sdelay $0x2  }
0x17e: {  	s10 =	sadd.s32 $0x4, s10;
	s24 =	sadd.s32 $0x80, s24;
	s20 =	sadd.s32 $0x80, s20;
	[tilespmem:v2+s23+$0x0] =	vst.idx.msk vm15, v63  }
0x17f: {  	s10 =	smul.u32 $0x640, s22;
	_ =	sdelay $0x1  }
0x180: {  	s10 =	sadd.s32 s10, s15  }
0x181: {  	[hbm4b:s10+s3] =	stream.linear.scatter [tilespmem:s23], [sflag:$0x16], $0x3200, $0x38;
	[tilespmem:$0x1F788] =	vst v63  }
.Ltmp10:
0x182: {  	_ = 	snop;
	(pc) =	sbr.rel .LBB2_14-.Ltmp10, $4  }
0x183: {  	_ =	swait.ge [sflag:s13], $0x3200  }
0x184: {  	p3 =	sge.u32 s17, s9;
	[sflag:s13] =	ssyncset.done $0x0  }
0x185: {  	s10 =	sadd.s32 @!p3 $0x13, s11;
	[sflag:s13] =	ssyncadd.s32 $0xFFFFCE00  }
0x186: {  	[tilespmem:s23], [sflag:s10] =	stream.linear.gather @!p3 [spmem:s16], $0x3200, $0x38;
	[tilespmem:$0x1F788] =	vst v63  }
.LBB2_15:
0x187: {  	[bflag:$0x0] =	sbarrier.arrive $0xFFFF  }
0x188: {  	s4 =	rddreg [dreg:$0x17]  }
0x189: {  	s17 =	simm.s32 $0x0;
	s11 =	simm.s32 $0x166B8;
	s24 =	rddreg [dreg:$0xd]  }
0x18a: {  	[tilespmem:s11], [sflag:$0x1] =	stream.linear.gather [hbm4b:s4+s17], $0x100, $0x38;
	[tilespmem:$0x1F788] =	vst v63  }
0x18b: {  	s26 =	simm.s32 $0x16AB8;
	s12 =	rddreg [dreg:$0x18];
	s10 =	sadd.s32 s24, s21  }
0x18c: {  	[tilespmem:s26], [sflag:$0x5] =	stream.linear.gather [hbm4b:s10+s17], $0x100, $0x38;
	[tilespmem:$0x1F788] =	vst v63  }
0x18d: {  	s18 =	simm.s32 $0x167B8;
	s19 =	rddreg [dreg:$0x15]  }
0x18e: {  	[tilespmem:s18], [sflag:$0x2] =	stream.linear.gather [hbm4b:s12+s17], $0x100, $0x38;
	[tilespmem:$0x1F788] =	vst v63  }
0x18f: {  	s22 =	simm.s32 $0x16BB8;
	s23 =	simm.s32 $0x1;
	s20 =	sadd.s32 s19, s21  }
0x190: {  	[tilespmem:s22], [sflag:$0x6] =	stream.linear.gather [hbm4b:s20+s17], $0x100, $0x38;
	[tilespmem:$0x1F788] =	vst v63  }
0x191: {  	_ =	swait.ge [sflag:s23], $0x100  }
0x192: {  	[sflag:s23] =	ssyncset.done $0x0  }
.Ltmp11:
0x193: {  	s24 =	simm.s32 $0x5;
	[sflag:s23] =	ssyncadd.s32 $0xFFFFFF00;
	(pc) =	sbr.rel .LBB2_16-.Ltmp11, $4  }
0x194: {  	_ =	swait.ge [sflag:s24], $0x100  }
0x195: {  	s28 =	simm.s32 $0xFFFFFFFE;
	[sflag:s24] =	ssyncset.done $0x0;
	s26 =	rddreg [dreg:$0x16]  }
0x196: {  	s23 =	rddreg [dreg:$0x1b];
	[sflag:s24] =	ssyncadd.s32 $0xFFFFFF00;
	s22 =	sadd.s32 s21, s26  }
0x197: {  	[tilespmem:s30], [sflag:$0x9] =	stream.indirect.gather [hbm4b:s15+s29], $0x40, s11, s29, $0xb8;
	[tilespmem:$0x1F788] =	vst v63  }
.LBB2_18:
0x198: {  	s4 =	simm.s32 $0xE  }
0x199: {  	_ =	swait.ge [sflag:s4], $0x100  }
0x19a: {  	[sflag:s4] =	ssyncset.done $0x0  }
0x19b: {  	[sflag:s4] =	ssyncadd.s32 $0xFFFFFF00  }
.LBB2_19:
0x19c: {  	[tilespmem:s0], [sflag:$0xA] =	stream.indirect.gather [hbm4b:s15+s29], $0x40, s26, s29, $0xb8;
	[tilespmem:$0x1F788] =	vst v63  }
0x19d: {  	s12 =	sand.u32 $0x800, s17;
	_ =	swait.ge [sflag:s14], $0x4000  }
0x19e: {  	s12 =	sshrl.u32 s12, $0x2;
	[sflag:s14] =	ssyncset.done $0x0  }
0x19f: {  	s12 =	sadd.s32 $0x16AB8, s12;
	[sflag:s14] =	ssyncadd.s32 $0xFFFFC000  }
0x1a0: {  	[spmem:s1] =	stream.indirect.scatter.add.f32 [tilespmem:s30], [sflag:$0xB], $0x40, s12, s29, $0xb8;
	[tilespmem:$0x1F788] =	vst v63  }
0x1a1: {  	s21 =	simm.s32 @!p2 $0x100;
	s26 =	simm.s32 @!p2 $0x1EEB8  }
0x1a2: {  	[spmem:s2] =	stream.indirect.scatter.add.f32 @!p2 [tilespmem:s26], [sflag:$0xD], $0x1, s12, s21, $0xb8;
	[tilespmem:$0x1F788] =	vst v63  }
.LBB2_21:
0x1a3: {  	s12 =	sadd.s32 $0x5, s28  }
0x1a4: {  	s12 =	sand.u32 $0x3, s12  }
0x1a5: {  	s21 =	sshll.u32 s12, $0x8  }
0x1a6: {  	s18 =	sadd.s32 $0x60, s18;
	s4 =	sadd.s32 $0x1, s12;
	s26 =	sadd.s32 $0x166B8, s21  }
0x1a7: {  	[tilespmem:s26], [sflag:s4] =	stream.linear.gather [hbm4b:s18+s3], $0x100, $0x38;
	[tilespmem:$0x1F788] =	vst v63  }
0x1a8: {  	s12 =	sadd.s32 $0x5, s12;
	s21 =	sadd.s32 $0x16AB8, s21;
	s26 =	sadd.s32 $0x60, s19  }
0x1a9: {  	[tilespmem:s21], [sflag:s12] =	stream.linear.gather [hbm4b:s26+s3], $0x100, $0x38;
	[tilespmem:$0x1F788] =	vst v63  }
0x1aa: {  	_ =	swait.ge [sflag:s10], $0x100  }
0x1ab: {  	[sflag:s10] =	ssyncset.done $0x0  }
0x1ac: {  	[sflag:s10] =	ssyncadd.s32 $0xFFFFFF00  }
0x1ad: {  	_ =	swait.ge [sflag:s11], $0x100  }
0x1ae: {  	[sflag:s11] =	ssyncset.done $0x0  }
0x1af: {  	[sflag:s11] =	ssyncadd.s32 $0xFFFFFF00  }
0x1b0: {  	_ =	swait.ge [sflag:s7], $0x4000  }
0x1b1: {  	s18 =	simm.s32 @p2 $0x16EB8;
	[sflag:s7] =	ssyncset.done $0x0  }
0x1b2: {  	s4 =	simm.s32 @p2 $0xA;
	s10 =	simm.s32 @p2 $0x100;
	[sflag:s7] =	ssyncadd.s32 $0xFFFFC000  }
0x1b3: {  	[tilespmem:s18], [sflag:$0x9] =	stream.indirect.gather @p2 [hbm4b:s15+s10], $0x40, s24, s10, $0xb8;
	[tilespmem:$0x1F788] =	vst v63  }
0x1b4: {  	_ =	swait.ge @p2 [sflag:s4], $0x4000  }
0x1b5: {  	s12 =	sadd.s32 $0x16BB8, s20;
	[sflag:s4] =	ssyncset.done @p2 $0x0  }
0x1b6: {  	s20 =	simm.s32 @p2 $0x1AEB8;
	[sflag:s4] =	ssyncadd.s32 @p2 $0xFFFFC000;
	s4 =	simm.s32 @!p2 $0xD  }
0x1b7: {  	[spmem:s1] =	stream.indirect.scatter.add.f32 @p2 [tilespmem:s20], [sflag:$0xC], $0x40, s12, s10, $0xb8;
	[tilespmem:$0x1F788] =	vst v63  }
0x1b8: {  	_ =	swait.ge @!p2 [sflag:s4], $0x100  }
0x1b9: {  	s28 =	sadd.s32 $0x2, s28;
	s19 =	simm.s32 @!p2 $0x16EB8;
	[sflag:s4] =	ssyncset.done @!p2 $0x0  }
0x1ba: {  	s11 =	simm.s32 @!p2 $0x100;
	[sflag:s4] =	ssyncadd.s32 @!p2 $0xFFFFFF00;
	s4 =	simm.s32 @!p2 $0xA  }
0x1bb: {  	[tilespmem:s19], [sflag:$0x9] =	stream.indirect.gather @!p2 [hbm4b:s15+s11], $0x40, s24, s11, $0xb8;
	[tilespmem:$0x1F788] =	vst v63  }
0x1bc: {  	p3 =	slt.u32 s28, $0x4A;
	_ =	swait.ge @!p2 [sflag:s4], $0x4000  }
.Ltmp12:
0x1bd: {  	[sflag:s4] =	ssyncset.done @!p2 $0x0;
	(pc) =	sbr.rel @!p3 .LBB2_22-.Ltmp12, $4  }
0x1be: {  	s17 =	sadd.s32 $0x800, s17;
	s26 =	simm.s32 @!p2 $0x1AEB8;
	[sflag:s4] =	ssyncadd.s32 @!p2 $0xFFFFC000  }
0x1bf: {  	[spmem:s1] =	stream.indirect.scatter.add.f32 @!p2 [tilespmem:s26], [sflag:$0xC], $0x40, s12, s11, $0xb8;
	[tilespmem:$0x1F788] =	vst v63  }
0x1c0: {  	s22 =	sadd.s32 $0x40, s22;
	s23 =	sadd.s32 $0x40, s23;
	s24 =	simm.s32 @!p2 $0x1EEB8  }
0x1c1: {  	[spmem:s2] =	stream.indirect.scatter.add.f32 @!p2 [tilespmem:s24], [sflag:$0xE], $0x1, s12, s11, $0xb8;
	[tilespmem:$0x1F788] =	vst v63  }
.LBB2_16:
0x1c2: {  	s10 =	sadd.s32 $0x4, s28  }
0x1c3: {  	s11 =	sand.u32 $0x2, s10  }
0x1c4: {  	s18 =	sadd.s32 s23, s25;
	s12 =	sshll.u32 s11, $0x8  }
0x1c5: {  	s19 =	sadd.s32 $0x40, s18;
	s10 =	sor.u32 $0x1, s11;
	s24 =	sadd.s32 $0x166B8, s12  }
0x1c6: {  	[tilespmem:s24], [sflag:s10] =	stream.linear.gather [hbm4b:s19+s3], $0x100, $0x38;
	[tilespmem:$0x1F788] =	vst v63  }
0x1c7: {  	s21 =	sxor.u32 $0xFFFFFFFF, s28;
	s19 =	sadd.s32 s22, s25  }
0x1c8: {  	s11 =	sor.u32 $0x5, s11;
	s12 =	sadd.s32 $0x16AB8, s12;
	s20 =	sadd.s32 $0x40, s19  }
0x1c9: {  	[tilespmem:s12], [sflag:s11] =	stream.linear.gather [hbm4b:s20+s3], $0x100, $0x38;
	[tilespmem:$0x1F788] =	vst v63  }
0x1ca: {  	s12 =	sand.u32 $0x2, s21  }
0x1cb: {  	s26 =	sadd.s32 $0x2, s12  }
0x1cc: {  	p3 =	seq.s32 s28, $0xFFFFFFFE;
	_ =	swait.ge [sflag:s26], $0x100  }
.Ltmp13:
0x1cd: {  	[sflag:s26] =	ssyncset.done $0x0;
	(pc) =	sbr.rel @p3 .LBB2_19-.Ltmp13, $4  }
0x1ce: {  	s21 =	sadd.s32 $0x6, s12;
	[sflag:s26] =	ssyncadd.s32 $0xFFFFFF00  }
0x1cf: {  	_ =	swait.ge [sflag:s21], $0x100  }
0x1d0: {  	s20 =	sshll.u32 s12, $0x8;
	[sflag:s21] =	ssyncset.done $0x0  }
0x1d1: {  	s26 =	sadd.s32 $0x167B8, s20;
	[sflag:s21] =	ssyncadd.s32 $0xFFFFFF00  }
.Ltmp14:
0x1d2: {  	(pc) =	sbr.rel @!p2 .LBB2_18-.Ltmp14, $4  }
0x1d3: {  	_ = 	snop  }
0x1d4: {  	_ =	swait.ge [sflag:s31], $0x4000  }
0x1d5: {  	[sflag:s31] =	ssyncset.done $0x0  }
0x1d6: {  	[sflag:s31] =	ssyncadd.s32 $0xFFFFC000  }
0x1d7: {  	[tilespmem:s0], [sflag:$0xA] =	stream.indirect.gather [hbm4b:s15+s29], $0x40, s26, s29, $0xb8;
	[tilespmem:$0x1F788] =	vst v63  }
.Ltmp15:
0x1d8: {  	_ = 	snop;
	(pc) =	sbr.rel .LBB2_21-.Ltmp15, $4  }
0x1d9: {  	s12 =	sand.u32 $0x800, s17;
	_ =	swait.ge [sflag:s14], $0x4000  }
0x1da: {  	s12 =	sshrl.u32 s12, $0x2;
	[sflag:s14] =	ssyncset.done $0x0  }
0x1db: {  	s12 =	sadd.s32 $0x16AB8, s12;
	[sflag:s14] =	ssyncadd.s32 $0xFFFFC000  }
0x1dc: {  	[spmem:s1] =	stream.indirect.scatter.add.f32 [tilespmem:s30], [sflag:$0xB], $0x40, s12, s29, $0xb8;
	[tilespmem:$0x1F788] =	vst v63  }
.LBB2_23:
0x1dd: {  	_ =	sfence.sel $0x180000  }
0x1de: {  	[bflag:$0x0] =	sbarrier.arrive $0xFFFF  }
0x1df: {  	_ =	strace $0x90000047  }
0x1e0: {  	[bflag:$0x2] =	sbarrier.arrive $0xFFFF  }
0x1e1: {  	p0 =	sne.s32 s6, $0x0;
	s0 =	rddreg [dreg:$0x4]  }
0x1e2: {  	s0 =	sadd.s32 @!p0 $0x100000, s0  }
0x1e3: {  	[sflag:s0] =	ssyncadd.tile.s32 @!p0 $0x1;
	_ =	shalt  }
.Lfunc_end2:
_tile_overlayer_lowered:
.L_overlay_start_2:
0x1e4: {  	(tag) =	ssettag $0x2  }
0x1e5: {  	s0 =	rddreg [dreg:$0x0];
	s2 =	stileid.u32  }
0x1e6: {  	s1 =	rddreg [dreg:$0x1];
	p0 =	sne.s32 s2, $0x0  }
0x1e7: {  	s3 =	rddreg [dreg:$0x2];
	[bflag:$0x3] =	sbarrier.arrive $0xFFFF;
	s2 =	simm.s32 @!p0 $0x1C16  }
0x1e8: {  	[timem:s3], [sflag:s2] =	dma.local @!p0 [hbm:s0], s1  }
0x1e9: {  	s0 =	simm.s32 @!p0 $0x16  }
0x1ea: {  	_ =	swait.ge @!p0 [sflag:s0], s1  }
0x1eb: {  	s1 =	ssub.s32 @!p0 $0x0, s1;
	[sflag:s0] =	ssyncset.done @!p0 $0x0  }
0x1ec: {  	[sflag:s0] =	ssyncadd.s32 @!p0 s1  }
0x1ed: {  	[bflag:$0x3] =	sbarrier.arrive $0xFFFF  }
0x1ee: {  	_ =	shalt  }

</sc_bundles>
